<compile_context>
chip_gen: v7x
topology: tpu7x:2x2x1
jax: 0.10.2.dev20260603
libtpu: 0.0.44.dev20260713+nightly
codegen_flags: <defaults>
</compile_context>

<pallas_src>
import jax
import jax.numpy as jnp
from jax import lax
from jax.experimental import pallas as pl
from jax.experimental.pallas import tpu as pltpu
from jax.experimental.pallas import tpu_sc as plsc

N = 10000
E = 320000
D_IN = 128
D_H = 256
EPS = 1e-5

N2 = 10240
E_PAD = 327680
NC = 2
NS = 16
RPT = N2 // NS
BLK01 = 160
BLK2 = 2560

_mesh = plsc.VectorSubcoreMesh(core_axis_name="c", subcore_axis_name="s")


def _agg_loop(nstr, blk, table, src_hbm, dst_hbm, ebase, dbase,
              sbs, dbs, rows, acc_sh, isrc, idst, gsem, ssem, extra=None,
              ready=None):

    def issue_src(k, p):
        pltpu.async_copy(src_hbm.at[pl.ds(ebase + k * blk, blk)],
                         sbs[p], isrc.at[p])

    def wait_src(p):
        pltpu.make_async_copy(src_hbm.at[pl.ds(ebase, blk)],
                              sbs[p], isrc.at[p]).wait()

    def issue_dst(k, p):
        pltpu.async_copy(dst_hbm.at[pl.ds(dbase + k * blk, blk)],
                         dbs[p], idst.at[p])

    def wait_dst(p):
        pltpu.make_async_copy(dst_hbm.at[pl.ds(dbase, blk)],
                              dbs[p], idst.at[p]).wait()

    def issue_gather(p):
        pltpu.async_copy(table.at[sbs[p]], rows[p], gsem.at[p])

    def wait_gather(p):
        pltpu.make_async_copy(table.at[sbs[p]], rows[p], gsem.at[p]).wait()

    def issue_scatter(p):
        pltpu.async_copy(rows[p], acc_sh.at[dbs[p]], ssem.at[p], add=True)

    def wait_scatter(p):
        pltpu.make_async_copy(rows[p], acc_sh.at[dbs[p]], ssem.at[p]).wait()

    pltpu.sync_copy(src_hbm.at[pl.ds(ebase, blk)], sbs[0])
    pltpu.sync_copy(dst_hbm.at[pl.ds(dbase, blk)], dbs[0])
    pltpu.sync_copy(src_hbm.at[pl.ds(ebase + blk, blk)], sbs[1])
    pltpu.sync_copy(dst_hbm.at[pl.ds(dbase + blk, blk)], dbs[1])
    issue_gather(0)
    if ready is not None:
        ready()

    def pair(q, carry):
        for p in range(2):
            k = 2 * q + p
            wait_gather(p)

            @pl.when(k + 2 < nstr)
            def _():
                issue_src(k + 2, p)

            @pl.when(k >= 2)
            def _():
                wait_dst(p)

            issue_scatter(p)
            if extra is not None:
                extra(p, k)

            @pl.when(k >= 1)
            def _():
                wait_scatter(1 - p)

            @pl.when((k >= 1) & (k + 1 < nstr))
            def _():
                issue_dst(k + 1, 1 - p)

            @pl.when(k + 1 < nstr)
            def _():
                @pl.when(k >= 1)
                def _():
                    wait_src(1 - p)

                issue_gather(1 - p)
        return carry

    lax.fori_loop(0, nstr // 2, pair, 0)
    wait_scatter((nstr - 1) % 2)


def _sc_agg0(x_hbm, src_hbm, dst_hbm, zrows_hbm, zvec_hbm,
             agg_out, cnt_out,
             sb0, sb1, db0, db1, r0, r1, ones_v,
             acc_sh, cnt_sh, isrc, idst, gsem, ssem, csem):
    c = lax.axis_index("c")
    s = lax.axis_index("s")
    pltpu.async_copy(zrows_hbm.at[pl.ds(s * RPT, RPT)],
                     acc_sh.at[pl.ds(s * RPT, RPT)], ssem.at[0])
    pltpu.async_copy(zvec_hbm.at[pl.ds(s * RPT, RPT)],
                     cnt_sh.at[pl.ds(s * RPT, RPT)], csem)
    for i in range(BLK01 // 16):
        ones_v[pl.ds(i * 16, 16)] = jnp.full((16,), 1.0, jnp.float32)

    def ready():
        pltpu.make_async_copy(zrows_hbm.at[pl.ds(s * RPT, RPT)],
                              acc_sh.at[pl.ds(s * RPT, RPT)],
                              ssem.at[0]).wait()
        pltpu.make_async_copy(zvec_hbm.at[pl.ds(s * RPT, RPT)],
                              cnt_sh.at[pl.ds(s * RPT, RPT)], csem).wait()
        plsc.subcore_barrier()

    per_tile = E_PAD // (NC * NS)
    nstr = per_tile // BLK01
    eb = c * (E_PAD // NC) + s * per_tile

    def count(p, k):
        db = (db0, db1)[p]
        pltpu.async_copy(ones_v, cnt_sh.at[db], csem, add=True)

        @pl.when(k > 0)
        def _():
            pltpu.make_async_copy(ones_v, cnt_sh.at[db0], csem).wait()

    _agg_loop(nstr, BLK01, x_hbm, src_hbm, dst_hbm, eb, eb,
              (sb0, sb1), (db0, db1), (r0, r1), acc_sh,
              isrc, idst, gsem, ssem, extra=count, ready=ready)
    pltpu.make_async_copy(ones_v, cnt_sh.at[db0], csem).wait()
    plsc.subcore_barrier()
    pltpu.sync_copy(acc_sh.at[pl.ds(s * RPT, RPT)],
                    agg_out.at[c, pl.ds(s * RPT, RPT)])
    pltpu.sync_copy(cnt_sh.at[pl.ds(s * RPT, RPT)],
                    cnt_out.at[c, pl.ds(s * RPT, RPT)])


def _sc_agg1(h_hbm, idx_hbm, dst_hbm, zrows_hbm,
             agg_out,
             sb0, sb1, db0, db1, r0, r1, acc_sh,
             isrc, idst, gsem, ssem):
    c = lax.axis_index("c")
    s = lax.axis_index("s")
    pltpu.async_copy(zrows_hbm.at[pl.ds(s * RPT, RPT)],
                     acc_sh.at[pl.ds(s * RPT, RPT)], ssem.at[0])

    def ready():
        pltpu.make_async_copy(zrows_hbm.at[pl.ds(s * RPT, RPT)],
                              acc_sh.at[pl.ds(s * RPT, RPT)],
                              ssem.at[0]).wait()
        plsc.subcore_barrier()

    per_tile = E_PAD // NS
    nstr = per_tile // BLK01
    _agg_loop(nstr, BLK01, h_hbm, idx_hbm, dst_hbm,
              c * E_PAD + s * per_tile, s * per_tile,
              (sb0, sb1), (db0, db1), (r0, r1), acc_sh,
              isrc, idst, gsem, ssem, ready=ready)
    plsc.subcore_barrier()
    pltpu.sync_copy(acc_sh.at[pl.ds(s * RPT, RPT)],
                    agg_out.at[c, pl.ds(s * RPT, RPT)])


def _sc_agg2(t_hbm, src_hbm, dst_hbm, zvec_hbm,
             agg_out,
             sb0, sb1, db0, db1, r0, r1, acc_sh,
             isrc, idst, gsem, ssem):
    c = lax.axis_index("c")
    s = lax.axis_index("s")
    pltpu.async_copy(zvec_hbm.at[pl.ds(s * RPT, RPT)],
                     acc_sh.at[pl.ds(s * RPT, RPT)], ssem.at[0])

    def ready():
        pltpu.make_async_copy(zvec_hbm.at[pl.ds(s * RPT, RPT)],
                              acc_sh.at[pl.ds(s * RPT, RPT)],
                              ssem.at[0]).wait()
        plsc.subcore_barrier()

    per_tile = E_PAD // (NC * NS)
    nstr = per_tile // BLK2
    eb = c * (E_PAD // NC) + s * per_tile
    _agg_loop(nstr, BLK2, t_hbm, src_hbm, dst_hbm, eb, eb,
              (sb0, sb1), (db0, db1), (r0, r1), acc_sh,
              isrc, idst, gsem, ssem, ready=ready)
    plsc.subcore_barrier()
    pltpu.sync_copy(acc_sh.at[pl.ds(s * RPT, RPT)],
                    agg_out.at[c, pl.ds(s * RPT, RPT)])


_agg0 = pl.kernel(
    _sc_agg0,
    out_type=(jax.ShapeDtypeStruct((NC, N2, D_IN), jnp.float32),
              jax.ShapeDtypeStruct((NC, N2), jnp.float32)),
    mesh=_mesh,
    scratch_types=[
        pltpu.VMEM((BLK01,), jnp.int32),
        pltpu.VMEM((BLK01,), jnp.int32),
        pltpu.VMEM((BLK01,), jnp.int32),
        pltpu.VMEM((BLK01,), jnp.int32),
        pltpu.VMEM((BLK01, D_IN), jnp.float32),
        pltpu.VMEM((BLK01, D_IN), jnp.float32),
        pltpu.VMEM((BLK01,), jnp.float32),
        pltpu.VMEM_SHARED((N2, D_IN), jnp.float32),
        pltpu.VMEM_SHARED((N2,), jnp.float32),
        pltpu.SemaphoreType.DMA((2,)),
        pltpu.SemaphoreType.DMA((2,)),
        pltpu.SemaphoreType.DMA((2,)),
        pltpu.SemaphoreType.DMA((2,)),
        pltpu.SemaphoreType.DMA,
    ],
)

_agg1 = pl.kernel(
    _sc_agg1,
    out_type=jax.ShapeDtypeStruct((NC, N2, 128), jnp.float32),
    mesh=_mesh,
    scratch_types=[
        pltpu.VMEM((BLK01,), jnp.int32),
        pltpu.VMEM((BLK01,), jnp.int32),
        pltpu.VMEM((BLK01,), jnp.int32),
        pltpu.VMEM((BLK01,), jnp.int32),
        pltpu.VMEM((BLK01, 128), jnp.float32),
        pltpu.VMEM((BLK01, 128), jnp.float32),
        pltpu.VMEM_SHARED((N2, 128), jnp.float32),
        pltpu.SemaphoreType.DMA((2,)),
        pltpu.SemaphoreType.DMA((2,)),
        pltpu.SemaphoreType.DMA((2,)),
        pltpu.SemaphoreType.DMA((2,)),
    ],
)

_agg2 = pl.kernel(
    _sc_agg2,
    out_type=jax.ShapeDtypeStruct((NC, N2), jnp.float32),
    mesh=_mesh,
    scratch_types=[
        pltpu.VMEM((BLK2,), jnp.int32),
        pltpu.VMEM((BLK2,), jnp.int32),
        pltpu.VMEM((BLK2,), jnp.int32),
        pltpu.VMEM((BLK2,), jnp.int32),
        pltpu.VMEM((BLK2,), jnp.float32),
        pltpu.VMEM((BLK2,), jnp.float32),
        pltpu.VMEM_SHARED((N2,), jnp.float32),
        pltpu.SemaphoreType.DMA((2,)),
        pltpu.SemaphoreType.DMA((2,)),
        pltpu.SemaphoreType.DMA((2,)),
        pltpu.SemaphoreType.DMA((2,)),
    ],
)

_BN_S = 1.0 / (1.0 + EPS) ** 0.5
_RB = 1024


def _tc_layer0(aggp, cntp, xp, wl0, wr0, b0, g0, be0, out):
    i = pl.program_id(0)
    agg = aggp[0] + aggp[1]
    cnt = cntp[0, pl.ds(i * _RB, _RB)] + cntp[1, pl.ds(i * _RB, _RB)]
    inv = 1.0 / jnp.maximum(cnt, 1.0)
    mean = agg * inv[:, None]
    z = (lax.dot_general(mean, wl0[...], (((1,), (1,)), ((), ())),
                         preferred_element_type=jnp.float32)
         + lax.dot_general(xp[...], wr0[...], (((1,), (1,)), ((), ())),
                           preferred_element_type=jnp.float32)
         + b0[0])
    h = z * (g0[0] * _BN_S) + be0[0]
    out[...] = jnp.maximum(h, 0.0)[None]


def _tc_layer1(aggp, cntp, h1p, wl1, wr1, b1, g1, be1, w2, out):
    i = pl.program_id(0)
    a = jnp.concatenate([aggp[0], aggp[1]], axis=1)
    hv = jnp.concatenate([h1p[0], h1p[1]], axis=1)
    cnt = cntp[0, pl.ds(i * _RB, _RB)] + cntp[1, pl.ds(i * _RB, _RB)]
    inv = 1.0 / jnp.maximum(cnt, 1.0)
    mean = a * inv[:, None]
    z = (lax.dot_general(mean, wl1[...], (((1,), (1,)), ((), ())),
                         preferred_element_type=jnp.float32)
         + lax.dot_general(hv, wr1[...], (((1,), (1,)), ((), ())),
                           preferred_element_type=jnp.float32)
         + b1[...])
    h2 = jnp.maximum(z * (g1[...] * _BN_S) + be1[...], 0.0)
    out[...] = lax.dot_general(w2[...], h2, (((1,), (1,)), ((), ())),
                               preferred_element_type=jnp.float32)


def _tc_final(tp, cntp, r2, b2, out):
    t = tp[...]
    tagg = t[0:1, :] + t[1:2, :]
    cnt = cntp[0:1, :] + cntp[1:2, :]
    inv = 1.0 / jnp.maximum(cnt, 1.0)
    val = tagg * inv + r2[...] + b2[0, 0]
    out[...] = jax.nn.sigmoid(val)


def kernel(x, edge_index, W_l0, b0, W_r0, gamma0, beta0,
           W_l1, b1, W_r1, gamma1, beta1, W_l2, b2, W_r2):
    f32 = jnp.float32
    src = edge_index[0]
    dst = edge_index[1]
    pad = E_PAD - E
    pad_i = jnp.arange(pad, dtype=jnp.int32)
    src_p = jnp.concatenate([src, pad_i % N])
    dst_p = jnp.concatenate([dst, N + pad_i % (N2 - N)])
    idx1 = jnp.concatenate([src_p, src_p + N2])
    xp = jnp.pad(x, ((0, N2 - N), (0, 0)))
    zrows = jnp.zeros((N2, 128), f32)
    zvec = jnp.zeros((N2,), f32)
    b0r = b0.reshape(2, 1, 128)
    g0r = gamma0.reshape(2, 1, 128)
    be0r = beta0.reshape(2, 1, 128)
    b1r = b1.reshape(1, D_H)
    g1r = gamma1.reshape(1, D_H)
    be1r = beta1.reshape(1, D_H)
    w2cat = jnp.concatenate([W_l2, W_r2], axis=0)
    b2r = b2.reshape(1, 1)

    agg0p, cntp = _agg0(xp, src_p, dst_p, zrows, zvec)

    nblk = N2 // _RB
    h1s = pl.pallas_call(
        _tc_layer0,
        grid=(nblk, 2),
        in_specs=[
            pl.BlockSpec((NC, _RB, 128), lambda i, c: (0, i, 0)),
            pl.BlockSpec((NC, N2), lambda i, c: (0, 0)),
            pl.BlockSpec((_RB, 128), lambda i, c: (i, 0)),
            pl.BlockSpec((128, 128), lambda i, c: (c, 0)),
            pl.BlockSpec((128, 128), lambda i, c: (c, 0)),
            pl.BlockSpec((1, 1, 128), lambda i, c: (c, 0, 0)),
            pl.BlockSpec((1, 1, 128), lambda i, c: (c, 0, 0)),
            pl.BlockSpec((1, 1, 128), lambda i, c: (c, 0, 0)),
        ],
        out_specs=pl.BlockSpec((1, _RB, 128), lambda i, c: (c, i, 0)),
        out_shape=jax.ShapeDtypeStruct((2, N2, 128), f32),
    )(agg0p, cntp, xp, W_l0, W_r0, b0r, g0r, be0r)

    h1flat = h1s.reshape(2 * N2, 128)
    agg1p = _agg1(h1flat, idx1, dst_p, zrows)

    tr = pl.pallas_call(
        _tc_layer1,
        grid=(nblk,),
        in_specs=[
            pl.BlockSpec((NC, _RB, 128), lambda i: (0, i, 0)),
            pl.BlockSpec((NC, N2), lambda i: (0, 0)),
            pl.BlockSpec((NC, _RB, 128), lambda i: (0, i, 0)),
            pl.BlockSpec((D_H, D_H), lambda i: (0, 0)),
            pl.BlockSpec((D_H, D_H), lambda i: (0, 0)),
            pl.BlockSpec((1, D_H), lambda i: (0, 0)),
            pl.BlockSpec((1, D_H), lambda i: (0, 0)),
            pl.BlockSpec((1, D_H), lambda i: (0, 0)),
            pl.BlockSpec((2, D_H), lambda i: (0, 0)),
        ],
        out_specs=pl.BlockSpec((2, _RB), lambda i: (0, i)),
        out_shape=jax.ShapeDtypeStruct((2, N2), f32),
    )(agg1p, cntp, h1s, W_l1, W_r1, b1r, g1r, be1r, w2cat)

    t2 = tr[0]
    r2row = tr[1:2]
    t2p = _agg2(t2, src_p, dst_p, zvec)

    outrow = pl.pallas_call(
        _tc_final,
        in_specs=[
            pl.BlockSpec((NC, N2), lambda: (0, 0)),
            pl.BlockSpec((NC, N2), lambda: (0, 0)),
            pl.BlockSpec((1, N2), lambda: (0, 0)),
            pl.BlockSpec((1, 1), lambda: (0, 0)),
        ],
        out_specs=pl.BlockSpec((1, N2), lambda: (0, 0)),
        out_shape=jax.ShapeDtypeStruct((1, N2), f32),
    )(t2p, cntp, r2row, b2r)

    return outrow[0, :N].reshape(N, 1)

# --- scband reference (transcript-rebuilt; emitter-appended) ---
"""Pipeline reference for scband-hybrid-ghost-gnn-40750649705067 (READ-ONLY COPY).

The authoritative reference and input builder live on the scoring server;
editing this copy changes nothing except your own understanding.
"""

import jax, jax.numpy as jnp
import numpy as np

N = 10000
E = 320000
D_IN = 128
D_H = 256
EPS = 1e-5


def _uniform(key, shape, fan_in):
    bound = 1.0 / np.sqrt(fan_in)
    return jax.random.uniform(key, shape, jnp.float32, -bound, bound)


def setup_inputs(seed: int = 0) -> dict:
    key = jax.random.key(seed)
    ks = jax.random.split(key, 16)
    x = jax.random.normal(ks[0], (N, D_IN), jnp.float32)
    edge_index = jax.random.randint(ks[1], (2, E), 0, N, dtype=jnp.int32)
    # SAGEConv 0: in 128 -> 256 (lin_l with bias on aggregated msgs, lin_r root)
    W_l0 = _uniform(ks[2], (D_H, D_IN), D_IN)
    b0 = _uniform(ks[3], (D_H,), D_IN)
    W_r0 = _uniform(ks[4], (D_H, D_IN), D_IN)
    gamma0 = jnp.ones((D_H,), jnp.float32)
    beta0 = jnp.zeros((D_H,), jnp.float32)
    # SAGEConv 1: 256 -> 256
    W_l1 = _uniform(ks[5], (D_H, D_H), D_H)
    b1 = _uniform(ks[6], (D_H,), D_H)
    W_r1 = _uniform(ks[7], (D_H, D_H), D_H)
    gamma1 = jnp.ones((D_H,), jnp.float32)
    beta1 = jnp.zeros((D_H,), jnp.float32)
    # SAGEConv 2: 256 -> 1
    W_l2 = _uniform(ks[8], (1, D_H), D_H)
    b2 = _uniform(ks[9], (1,), D_H)
    W_r2 = _uniform(ks[10], (1, D_H), D_H)
    return {
        "x": x, "edge_index": edge_index,
        "W_l0": W_l0, "b0": b0, "W_r0": W_r0, "gamma0": gamma0, "beta0": beta0,
        "W_l1": W_l1, "b1": b1, "W_r1": W_r1, "gamma1": gamma1, "beta1": beta1,
        "W_l2": W_l2, "b2": b2, "W_r2": W_r2,
    }


def _sage_conv(x, edge_index, W_l, W_r, b):
    # PyG SAGEConv, aggr='mean', root_weight=True
    src = edge_index[0]
    dst = edge_index[1]
    msgs = jnp.take(x, src, axis=0)
    agg = jax.ops.segment_sum(msgs, dst, num_segments=x.shape[0])
    cnt = jax.ops.segment_sum(jnp.ones((edge_index.shape[1],), x.dtype), dst, num_segments=x.shape[0])
    agg = agg / jnp.clip(cnt, 1.0, None)[:, None]
    return agg @ W_l.T + b + x @ W_r.T


def _batch_norm_eval(x, gamma, beta):
    # eval-mode BatchNorm1d: running_mean=0, running_var=1
    return (x / jnp.sqrt(1.0 + EPS)) * gamma + beta


def reference(x, edge_index, W_l0, b0, W_r0, gamma0, beta0,
              W_l1, b1, W_r1, gamma1, beta1, W_l2, b2, W_r2):
    h = _sage_conv(x, edge_index, W_l0, W_r0, b0)
    h = _batch_norm_eval(h, gamma0, beta0)
    h = jax.nn.relu(h)
    # dropout inactive (eval mode)
    h = _sage_conv(h, edge_index, W_l1, W_r1, b1)
    h = _batch_norm_eval(h, gamma1, beta1)
    h = jax.nn.relu(h)
    h = _sage_conv(h, edge_index, W_l2, W_r2, b2)
    return jax.nn.sigmoid(h)

if __name__ == "__main__":
    import jax
    _d = setup_inputs()
    print(jax.jit(kernel)(*tuple(_d.values())))

</pallas_src>

<mosaic_0001>
#map = affine_map<(d0, d1) -> (0)>
#map1 = affine_map<(d0, d1) -> (0, 0)>
module attributes {stable_mosaic.version = 14 : i64} {
  func.func @_sc_agg2(%arg0: i32, %arg1: i32, %arg2: memref<10240xf32, #tpu.memory_space<hbm>>, %arg3: memref<327680xi32, #tpu.memory_space<hbm>>, %arg4: memref<327680xi32, #tpu.memory_space<hbm>>, %arg5: memref<10240xf32, #tpu.memory_space<hbm>>, %arg6: memref<2x10240xf32, #tpu.memory_space<hbm>>, %arg7: memref<2560xi32, #tpu.memory_space<vmem>>, %arg8: memref<2560xi32, #tpu.memory_space<vmem>>, %arg9: memref<2560xi32, #tpu.memory_space<vmem>>, %arg10: memref<2560xi32, #tpu.memory_space<vmem>>, %arg11: memref<2560xf32, #tpu.memory_space<vmem>>, %arg12: memref<2560xf32, #tpu.memory_space<vmem>>, %arg13: memref<10240xf32, #tpu.memory_space<vmem_shared>>, %arg14: memref<2x!tpu.dma_semaphore, #tpu.memory_space<semaphore_mem>>, %arg15: memref<2x!tpu.dma_semaphore, #tpu.memory_space<semaphore_mem>>, %arg16: memref<2x!tpu.dma_semaphore, #tpu.memory_space<semaphore_mem>>, %arg17: memref<2x!tpu.dma_semaphore, #tpu.memory_space<semaphore_mem>>) attributes {dimension_semantics = [#tpu.dimension_semantics<core_parallel>, #tpu.dimension_semantics<subcore_parallel>], iteration_bounds = array<i64: 2, 16>, scalar_prefetch = 0 : i64, scratch_operands = 11 : i64, tpu.core_type = #tpu.core_type<sc_vector_subcore>, window_params = [{transform_indices = #map}, {transform_indices = #map}, {transform_indices = #map}, {transform_indices = #map}, {transform_indices = #map1}]} {
    %mul3A = arith.constant 640 : i32
    %mul3A_0 = arith.muli %arg1, %mul3A : i32
    %mul3A_1 = arith.constant 640 : i32
    %mul3A_2 = arith.muli %arg1, %mul3A_1 : i32
    %dma_start3A = arith.constant 0 : i32
    %dma_start3A_3 = tpu.memref_slice %arg17[%dma_start3A] : memref<2x!tpu.dma_semaphore, #tpu.memory_space<semaphore_mem>> -> memref<1x!tpu.dma_semaphore, #tpu.memory_space<semaphore_mem>>
    %dma_start3A_4 = tpu.memref_squeeze %dma_start3A_3 : memref<1x!tpu.dma_semaphore, #tpu.memory_space<semaphore_mem>> -> memref<!tpu.dma_semaphore, #tpu.memory_space<semaphore_mem>>
    %dma_start3A_5 = tpu.memref_slice %arg13[%mul3A_2] : memref<10240xf32, #tpu.memory_space<vmem_shared>> -> memref<640xf32, #tpu.memory_space<vmem_shared>>
    %dma_start3A_6 = tpu.memref_slice %arg5[%mul3A_0] : memref<10240xf32, #tpu.memory_space<hbm>> -> memref<640xf32, #tpu.memory_space<hbm>>
    tpu.enqueue_dma source(%dma_start3A_6 : memref<640xf32, #tpu.memory_space<hbm>>) target(%dma_start3A_5 : memref<640xf32, #tpu.memory_space<vmem_shared>>) target_semaphore(%dma_start3A_4 : memref<!tpu.dma_semaphore, #tpu.memory_space<semaphore_mem>>)
    %mul3A_7 = arith.constant 163840 : i32
    %mul3A_8 = arith.muli %arg0, %mul3A_7 : i32
    %mul3A_9 = arith.constant 10240 : i32
    %mul3A_10 = arith.muli %arg1, %mul3A_9 : i32
    %add3A = arith.addi %mul3A_8, %mul3A_10 : i32
    "tpu.region"() ({
      %run_scoped3A = tpu.sem_alloc : memref<!tpu.dma_semaphore, #tpu.memory_space<semaphore_mem>>
      %dma_start3A_43 = tpu.memref_slice %arg3[%add3A] : memref<327680xi32, #tpu.memory_space<hbm>> -> memref<2560xi32, #tpu.memory_space<hbm>>
      %dma_start3A_44 = tpu.memref_slice %arg3[%add3A] : memref<327680xi32, #tpu.memory_space<hbm>> -> memref<2560xi32, #tpu.memory_space<hbm>>
      tpu.enqueue_dma source(%dma_start3A_44 : memref<2560xi32, #tpu.memory_space<hbm>>) target(%arg7 : memref<2560xi32, #tpu.memory_space<vmem>>) target_semaphore(%run_scoped3A : memref<!tpu.dma_semaphore, #tpu.memory_space<semaphore_mem>>)
      %dma_wait3A_45 = tpu.memref_slice %arg3[%add3A] : memref<327680xi32, #tpu.memory_space<hbm>> -> memref<2560xi32, #tpu.memory_space<hbm>>
      %dma_wait3A_46 = tpu.memref_slice %arg3[%add3A] : memref<327680xi32, #tpu.memory_space<hbm>> -> memref<2560xi32, #tpu.memory_space<hbm>>
      tpu.wait_dma2 semaphore(%run_scoped3A : memref<!tpu.dma_semaphore, #tpu.memory_space<semaphore_mem>>) src(%dma_wait3A_46 : memref<2560xi32, #tpu.memory_space<hbm>>) dst(%arg7 : memref<2560xi32, #tpu.memory_space<vmem>>)
      tpu.yield
    }) : () -> ()
    "tpu.region"() ({
      %run_scoped3A = tpu.sem_alloc : memref<!tpu.dma_semaphore, #tpu.memory_space<semaphore_mem>>
      %dma_start3A_43 = tpu.memref_slice %arg4[%add3A] : memref<327680xi32, #tpu.memory_space<hbm>> -> memref<2560xi32, #tpu.memory_space<hbm>>
      %dma_start3A_44 = tpu.memref_slice %arg4[%add3A] : memref<327680xi32, #tpu.memory_space<hbm>> -> memref<2560xi32, #tpu.memory_space<hbm>>
      tpu.enqueue_dma source(%dma_start3A_44 : memref<2560xi32, #tpu.memory_space<hbm>>) target(%arg9 : memref<2560xi32, #tpu.memory_space<vmem>>) target_semaphore(%run_scoped3A : memref<!tpu.dma_semaphore, #tpu.memory_space<semaphore_mem>>)
      %dma_wait3A_45 = tpu.memref_slice %arg4[%add3A] : memref<327680xi32, #tpu.memory_space<hbm>> -> memref<2560xi32, #tpu.memory_space<hbm>>
      %dma_wait3A_46 = tpu.memref_slice %arg4[%add3A] : memref<327680xi32, #tpu.memory_space<hbm>> -> memref<2560xi32, #tpu.memory_space<hbm>>
      tpu.wait_dma2 semaphore(%run_scoped3A : memref<!tpu.dma_semaphore, #tpu.memory_space<semaphore_mem>>) src(%dma_wait3A_46 : memref<2560xi32, #tpu.memory_space<hbm>>) dst(%arg9 : memref<2560xi32, #tpu.memory_space<vmem>>)
      tpu.yield
    }) : () -> ()
    %add3A_11 = arith.constant 2560 : i32
    %add3A_12 = arith.addi %add3A, %add3A_11 : i32
    "tpu.region"() ({
      %run_scoped3A = tpu.sem_alloc : memref<!tpu.dma_semaphore, #tpu.memory_space<semaphore_mem>>
      %dma_start3A_43 = tpu.memref_slice %arg3[%add3A_12] : memref<327680xi32, #tpu.memory_space<hbm>> -> memref<2560xi32, #tpu.memory_space<hbm>>
      %dma_start3A_44 = tpu.memref_slice %arg3[%add3A_12] : memref<327680xi32, #tpu.memory_space<hbm>> -> memref<2560xi32, #tpu.memory_space<hbm>>
      tpu.enqueue_dma source(%dma_start3A_44 : memref<2560xi32, #tpu.memory_space<hbm>>) target(%arg8 : memref<2560xi32, #tpu.memory_space<vmem>>) target_semaphore(%run_scoped3A : memref<!tpu.dma_semaphore, #tpu.memory_space<semaphore_mem>>)
      %dma_wait3A_45 = tpu.memref_slice %arg3[%add3A_12] : memref<327680xi32, #tpu.memory_space<hbm>> -> memref<2560xi32, #tpu.memory_space<hbm>>
      %dma_wait3A_46 = tpu.memref_slice %arg3[%add3A_12] : memref<327680xi32, #tpu.memory_space<hbm>> -> memref<2560xi32, #tpu.memory_space<hbm>>
      tpu.wait_dma2 semaphore(%run_scoped3A : memref<!tpu.dma_semaphore, #tpu.memory_space<semaphore_mem>>) src(%dma_wait3A_46 : memref<2560xi32, #tpu.memory_space<hbm>>) dst(%arg8 : memref<2560xi32, #tpu.memory_space<vmem>>)
      tpu.yield
    }) : () -> ()
    %add3A_13 = arith.constant 2560 : i32
    %add3A_14 = arith.addi %add3A, %add3A_13 : i32
    "tpu.region"() ({
      %run_scoped3A = tpu.sem_alloc : memref<!tpu.dma_semaphore, #tpu.memory_space<semaphore_mem>>
      %dma_start3A_43 = tpu.memref_slice %arg4[%add3A_14] : memref<327680xi32, #tpu.memory_space<hbm>> -> memref<2560xi32, #tpu.memory_space<hbm>>
      %dma_start3A_44 = tpu.memref_slice %arg4[%add3A_14] : memref<327680xi32, #tpu.memory_space<hbm>> -> memref<2560xi32, #tpu.memory_space<hbm>>
      tpu.enqueue_dma source(%dma_start3A_44 : memref<2560xi32, #tpu.memory_space<hbm>>) target(%arg10 : memref<2560xi32, #tpu.memory_space<vmem>>) target_semaphore(%run_scoped3A : memref<!tpu.dma_semaphore, #tpu.memory_space<semaphore_mem>>)
      %dma_wait3A_45 = tpu.memref_slice %arg4[%add3A_14] : memref<327680xi32, #tpu.memory_space<hbm>> -> memref<2560xi32, #tpu.memory_space<hbm>>
      %dma_wait3A_46 = tpu.memref_slice %arg4[%add3A_14] : memref<327680xi32, #tpu.memory_space<hbm>> -> memref<2560xi32, #tpu.memory_space<hbm>>
      tpu.wait_dma2 semaphore(%run_scoped3A : memref<!tpu.dma_semaphore, #tpu.memory_space<semaphore_mem>>) src(%dma_wait3A_46 : memref<2560xi32, #tpu.memory_space<hbm>>) dst(%arg10 : memref<2560xi32, #tpu.memory_space<vmem>>)
      tpu.yield
    }) : () -> ()
    %dma_start3A_15 = arith.constant 0 : i32
    %dma_start3A_16 = arith.constant 0 : i32
    %dma_start3A_17 = tpu.memref_slice %arg2[%dma_start3A_16] : memref<10240xf32, #tpu.memory_space<hbm>> -> memref<10240xf32, #tpu.memory_space<hbm>>
    %dma_start3A_18 = tpu.memref_slice %arg16[%dma_start3A_15] : memref<2x!tpu.dma_semaphore, #tpu.memory_space<semaphore_mem>> -> memref<1x!tpu.dma_semaphore, #tpu.memory_space<semaphore_mem>>
    %dma_start3A_19 = tpu.memref_squeeze %dma_start3A_18 : memref<1x!tpu.dma_semaphore, #tpu.memory_space<semaphore_mem>> -> memref<!tpu.dma_semaphore, #tpu.memory_space<semaphore_mem>>
    tpu.enqueue_indirect_dma source(%dma_start3A_17 : memref<10240xf32, #tpu.memory_space<hbm>>) target(%arg11 : memref<2560xf32, #tpu.memory_space<vmem>>) offsets(%arg7 : memref<2560xi32, #tpu.memory_space<vmem>>) semaphore(%dma_start3A_19 : memref<!tpu.dma_semaphore, #tpu.memory_space<semaphore_mem>>)
    %mul3A_20 = arith.constant 640 : i32
    %mul3A_21 = arith.muli %arg1, %mul3A_20 : i32
    %mul3A_22 = arith.constant 640 : i32
    %mul3A_23 = arith.muli %arg1, %mul3A_22 : i32
    %dma_wait3A = arith.constant 0 : i32
    %dma_wait3A_24 = tpu.memref_slice %arg17[%dma_wait3A] : memref<2x!tpu.dma_semaphore, #tpu.memory_space<semaphore_mem>> -> memref<1x!tpu.dma_semaphore, #tpu.memory_space<semaphore_mem>>
    %dma_wait3A_25 = tpu.memref_squeeze %dma_wait3A_24 : memref<1x!tpu.dma_semaphore, #tpu.memory_space<semaphore_mem>> -> memref<!tpu.dma_semaphore, #tpu.memory_space<semaphore_mem>>
    %dma_wait3A_26 = tpu.memref_slice %arg13[%mul3A_23] : memref<10240xf32, #tpu.memory_space<vmem_shared>> -> memref<640xf32, #tpu.memory_space<vmem_shared>>
    %dma_wait3A_27 = tpu.memref_slice %arg5[%mul3A_21] : memref<10240xf32, #tpu.memory_space<hbm>> -> memref<640xf32, #tpu.memory_space<hbm>>
    tpu.wait_dma2 semaphore(%dma_wait3A_25 : memref<!tpu.dma_semaphore, #tpu.memory_space<semaphore_mem>>) src(%dma_wait3A_27 : memref<640xf32, #tpu.memory_space<hbm>>) dst(%dma_wait3A_26 : memref<640xf32, #tpu.memory_space<vmem_shared>>)
    %barrier3A = arith.constant 0 : index
    tpu.barrier barrier_id(%barrier3A)
    %scan3A = arith.constant 0 : i32
    %scan3A_28 = arith.constant 0 : i32
    %scan3A_29 = arith.constant 2 : i32
    %scan3A_30 = arith.addi %scan3A_28, %scan3A_29 : i32
    %scan3A_31 = arith.constant 1 : i32
    scf.for %scan3A_43 = %scan3A_28 to %scan3A_30 step %scan3A_31  : i32 {
      %mul3A_44 = arith.constant 2 : i32
      %mul3A_45 = arith.muli %mul3A_44, %scan3A_43 : i32
      %add3A_46 = arith.constant 0 : i32
      %add3A_47 = arith.addi %mul3A_45, %add3A_46 : i32
      %dma_wait3A_48 = arith.constant 0 : i32
      %dma_wait3A_49 = arith.constant 0 : i32
      %dma_wait3A_50 = tpu.memref_slice %arg2[%dma_wait3A_49] : memref<10240xf32, #tpu.memory_space<hbm>> -> memref<10240xf32, #tpu.memory_space<hbm>>
      %dma_wait3A_51 = tpu.memref_slice %arg16[%dma_wait3A_48] : memref<2x!tpu.dma_semaphore, #tpu.memory_space<semaphore_mem>> -> memref<1x!tpu.dma_semaphore, #tpu.memory_space<semaphore_mem>>
      %dma_wait3A_52 = tpu.memref_squeeze %dma_wait3A_51 : memref<1x!tpu.dma_semaphore, #tpu.memory_space<semaphore_mem>> -> memref<!tpu.dma_semaphore, #tpu.memory_space<semaphore_mem>>
      tpu.wait_indirect_dma semaphore(%dma_wait3A_52 : memref<!tpu.dma_semaphore, #tpu.memory_space<semaphore_mem>>) src(%dma_wait3A_50 : memref<10240xf32, #tpu.memory_space<hbm>>) dst(%arg11 : memref<2560xf32, #tpu.memory_space<vmem>>)
      %add3A_53 = arith.constant 2 : i32
      %add3A_54 = arith.addi %add3A_47, %add3A_53 : i32
      %lt3A = arith.constant 4 : i32
      %lt3A_55 = arith.cmpi slt, %add3A_54, %lt3A : i32
      %convert_element_type3A = arith.extui %lt3A_55 : i1 to i32
      %cond3A = arith.constant 0 : i32
      %cond3A_56 = arith.cmpi ne, %convert_element_type3A, %cond3A : i32
      scf.if %cond3A_56 {
        %add3A_135 = arith.constant 2 : i32
        %add3A_136 = arith.addi %add3A_47, %add3A_135 : i32
        %mul3A_137 = arith.constant 2560 : i32
        %mul3A_138 = arith.muli %add3A_136, %mul3A_137 : i32
        %add3A_139 = arith.addi %add3A, %mul3A_138 : i32
        %dma_start3A_140 = arith.constant 0 : i32
        %dma_start3A_141 = tpu.memref_slice %arg3[%add3A_139] : memref<327680xi32, #tpu.memory_space<hbm>> -> memref<2560xi32, #tpu.memory_space<hbm>>
        %dma_start3A_142 = tpu.memref_slice %arg14[%dma_start3A_140] : memref<2x!tpu.dma_semaphore, #tpu.memory_space<semaphore_mem>> -> memref<1x!tpu.dma_semaphore, #tpu.memory_space<semaphore_mem>>
        %dma_start3A_143 = tpu.memref_squeeze %dma_start3A_142 : memref<1x!tpu.dma_semaphore, #tpu.memory_space<semaphore_mem>> -> memref<!tpu.dma_semaphore, #tpu.memory_space<semaphore_mem>>
        %dma_start3A_144 = tpu.memref_slice %arg3[%add3A_139] : memref<327680xi32, #tpu.memory_space<hbm>> -> memref<2560xi32, #tpu.memory_space<hbm>>
        tpu.enqueue_dma source(%dma_start3A_144 : memref<2560xi32, #tpu.memory_space<hbm>>) target(%arg7 : memref<2560xi32, #tpu.memory_space<vmem>>) target_semaphore(%dma_start3A_143 : memref<!tpu.dma_semaphore, #tpu.memory_space<semaphore_mem>>)
      } else {
      }
      %ge3A = arith.constant 2 : i32
      %ge3A_57 = arith.cmpi sge, %add3A_47, %ge3A : i32
      %convert_element_type3A_58 = arith.extui %ge3A_57 : i1 to i32
      %cond3A_59 = arith.constant 0 : i32
      %cond3A_60 = arith.cmpi ne, %convert_element_type3A_58, %cond3A_59 : i32
      scf.if %cond3A_60 {
        %dma_wait3A_135 = arith.constant 0 : i32
        %dma_wait3A_136 = tpu.memref_slice %arg4[%add3A] : memref<327680xi32, #tpu.memory_space<hbm>> -> memref<2560xi32, #tpu.memory_space<hbm>>
        %dma_wait3A_137 = tpu.memref_slice %arg15[%dma_wait3A_135] : memref<2x!tpu.dma_semaphore, #tpu.memory_space<semaphore_mem>> -> memref<1x!tpu.dma_semaphore, #tpu.memory_space<semaphore_mem>>
        %dma_wait3A_138 = tpu.memref_squeeze %dma_wait3A_137 : memref<1x!tpu.dma_semaphore, #tpu.memory_space<semaphore_mem>> -> memref<!tpu.dma_semaphore, #tpu.memory_space<semaphore_mem>>
        %dma_wait3A_139 = tpu.memref_slice %arg4[%add3A] : memref<327680xi32, #tpu.memory_space<hbm>> -> memref<2560xi32, #tpu.memory_space<hbm>>
        tpu.wait_dma2 semaphore(%dma_wait3A_138 : memref<!tpu.dma_semaphore, #tpu.memory_space<semaphore_mem>>) src(%dma_wait3A_139 : memref<2560xi32, #tpu.memory_space<hbm>>) dst(%arg9 : memref<2560xi32, #tpu.memory_space<vmem>>)
      } else {
      }
      %dma_start3A_61 = arith.constant 0 : i32
      %dma_start3A_62 = arith.constant 0 : i32
      %dma_start3A_63 = tpu.memref_slice %arg13[%dma_start3A_62] : memref<10240xf32, #tpu.memory_space<vmem_shared>> -> memref<10240xf32, #tpu.memory_space<vmem_shared>>
      %dma_start3A_64 = tpu.memref_slice %arg17[%dma_start3A_61] : memref<2x!tpu.dma_semaphore, #tpu.memory_space<semaphore_mem>> -> memref<1x!tpu.dma_semaphore, #tpu.memory_space<semaphore_mem>>
      %dma_start3A_65 = tpu.memref_squeeze %dma_start3A_64 : memref<1x!tpu.dma_semaphore, #tpu.memory_space<semaphore_mem>> -> memref<!tpu.dma_semaphore, #tpu.memory_space<semaphore_mem>>
      tpu.enqueue_indirect_dma source(%arg11 : memref<2560xf32, #tpu.memory_space<vmem>>) target(%dma_start3A_63 : memref<10240xf32, #tpu.memory_space<vmem_shared>>) offsets(%arg9 : memref<2560xi32, #tpu.memory_space<vmem>>) semaphore(%dma_start3A_65 : memref<!tpu.dma_semaphore, #tpu.memory_space<semaphore_mem>>) {add = true}
      %ge3A_66 = arith.constant 1 : i32
      %ge3A_67 = arith.cmpi sge, %add3A_47, %ge3A_66 : i32
      %convert_element_type3A_68 = arith.extui %ge3A_67 : i1 to i32
      %cond3A_69 = arith.constant 0 : i32
      %cond3A_70 = arith.cmpi ne, %convert_element_type3A_68, %cond3A_69 : i32
      scf.if %cond3A_70 {
        %dma_wait3A_135 = arith.constant 1 : i32
        %dma_wait3A_136 = arith.constant 0 : i32
        %dma_wait3A_137 = tpu.memref_slice %arg13[%dma_wait3A_136] : memref<10240xf32, #tpu.memory_space<vmem_shared>> -> memref<10240xf32, #tpu.memory_space<vmem_shared>>
        %dma_wait3A_138 = tpu.memref_slice %arg17[%dma_wait3A_135] : memref<2x!tpu.dma_semaphore, #tpu.memory_space<semaphore_mem>> -> memref<1x!tpu.dma_semaphore, #tpu.memory_space<semaphore_mem>>
        %dma_wait3A_139 = tpu.memref_squeeze %dma_wait3A_138 : memref<1x!tpu.dma_semaphore, #tpu.memory_space<semaphore_mem>> -> memref<!tpu.dma_semaphore, #tpu.memory_space<semaphore_mem>>
        tpu.wait_indirect_dma semaphore(%dma_wait3A_139 : memref<!tpu.dma_semaphore, #tpu.memory_space<semaphore_mem>>) src(%arg12 : memref<2560xf32, #tpu.memory_space<vmem>>) dst(%dma_wait3A_137 : memref<10240xf32, #tpu.memory_space<vmem_shared>>)
      } else {
      }
      %ge3A_71 = arith.constant 1 : i32
      %ge3A_72 = arith.cmpi sge, %add3A_47, %ge3A_71 : i32
      %add3A_73 = arith.constant 1 : i32
      %add3A_74 = arith.addi %add3A_47, %add3A_73 : i32
      %lt3A_75 = arith.constant 4 : i32
      %lt3A_76 = arith.cmpi slt, %add3A_74, %lt3A_75 : i32
      %and3A = arith.andi %ge3A_72, %lt3A_76 : i1
      %convert_element_type3A_77 = arith.extui %and3A : i1 to i32
      %cond3A_78 = arith.constant 0 : i32
      %cond3A_79 = arith.cmpi ne, %convert_element_type3A_77, %cond3A_78 : i32
      scf.if %cond3A_79 {
        %add3A_135 = arith.constant 1 : i32
        %add3A_136 = arith.addi %add3A_47, %add3A_135 : i32
        %mul3A_137 = arith.constant 2560 : i32
        %mul3A_138 = arith.muli %add3A_136, %mul3A_137 : i32
        %add3A_139 = arith.addi %add3A, %mul3A_138 : i32
        %dma_start3A_140 = arith.constant 1 : i32
        %dma_start3A_141 = tpu.memref_slice %arg4[%add3A_139] : memref<327680xi32, #tpu.memory_space<hbm>> -> memref<2560xi32, #tpu.memory_space<hbm>>
        %dma_start3A_142 = tpu.memref_slice %arg15[%dma_start3A_140] : memref<2x!tpu.dma_semaphore, #tpu.memory_space<semaphore_mem>> -> memref<1x!tpu.dma_semaphore, #tpu.memory_space<semaphore_mem>>
        %dma_start3A_143 = tpu.memref_squeeze %dma_start3A_142 : memref<1x!tpu.dma_semaphore, #tpu.memory_space<semaphore_mem>> -> memref<!tpu.dma_semaphore, #tpu.memory_space<semaphore_mem>>
        %dma_start3A_144 = tpu.memref_slice %arg4[%add3A_139] : memref<327680xi32, #tpu.memory_space<hbm>> -> memref<2560xi32, #tpu.memory_space<hbm>>
        tpu.enqueue_dma source(%dma_start3A_144 : memref<2560xi32, #tpu.memory_space<hbm>>) target(%arg10 : memref<2560xi32, #tpu.memory_space<vmem>>) target_semaphore(%dma_start3A_143 : memref<!tpu.dma_semaphore, #tpu.memory_space<semaphore_mem>>)
      } else {
      }
      %add3A_80 = arith.constant 1 : i32
      %add3A_81 = arith.addi %add3A_47, %add3A_80 : i32
      %lt3A_82 = arith.constant 4 : i32
      %lt3A_83 = arith.cmpi slt, %add3A_81, %lt3A_82 : i32
      %convert_element_type3A_84 = arith.extui %lt3A_83 : i1 to i32
      %cond3A_85 = arith.constant 0 : i32
      %cond3A_86 = arith.cmpi ne, %convert_element_type3A_84, %cond3A_85 : i32
      scf.if %cond3A_86 {
        %ge3A_135 = arith.constant 1 : i32
        %ge3A_136 = arith.cmpi sge, %add3A_47, %ge3A_135 : i32
        %convert_element_type3A_137 = arith.extui %ge3A_136 : i1 to i32
        %cond3A_138 = arith.constant 0 : i32
        %cond3A_139 = arith.cmpi ne, %convert_element_type3A_137, %cond3A_138 : i32
        scf.if %cond3A_139 {
          %dma_wait3A_145 = arith.constant 1 : i32
          %dma_wait3A_146 = tpu.memref_slice %arg3[%add3A] : memref<327680xi32, #tpu.memory_space<hbm>> -> memref<2560xi32, #tpu.memory_space<hbm>>
          %dma_wait3A_147 = tpu.memref_slice %arg14[%dma_wait3A_145] : memref<2x!tpu.dma_semaphore, #tpu.memory_space<semaphore_mem>> -> memref<1x!tpu.dma_semaphore, #tpu.memory_space<semaphore_mem>>
          %dma_wait3A_148 = tpu.memref_squeeze %dma_wait3A_147 : memref<1x!tpu.dma_semaphore, #tpu.memory_space<semaphore_mem>> -> memref<!tpu.dma_semaphore, #tpu.memory_space<semaphore_mem>>
          %dma_wait3A_149 = tpu.memref_slice %arg3[%add3A] : memref<327680xi32, #tpu.memory_space<hbm>> -> memref<2560xi32, #tpu.memory_space<hbm>>
          tpu.wait_dma2 semaphore(%dma_wait3A_148 : memref<!tpu.dma_semaphore, #tpu.memory_space<semaphore_mem>>) src(%dma_wait3A_149 : memref<2560xi32, #tpu.memory_space<hbm>>) dst(%arg8 : memref<2560xi32, #tpu.memory_space<vmem>>)
        } else {
        }
        %dma_start3A_140 = arith.constant 1 : i32
        %dma_start3A_141 = arith.constant 0 : i32
        %dma_start3A_142 = tpu.memref_slice %arg2[%dma_start3A_141] : memref<10240xf32, #tpu.memory_space<hbm>> -> memref<10240xf32, #tpu.memory_space<hbm>>
        %dma_start3A_143 = tpu.memref_slice %arg16[%dma_start3A_140] : memref<2x!tpu.dma_semaphore, #tpu.memory_space<semaphore_mem>> -> memref<1x!tpu.dma_semaphore, #tpu.memory_space<semaphore_mem>>
        %dma_start3A_144 = tpu.memref_squeeze %dma_start3A_143 : memref<1x!tpu.dma_semaphore, #tpu.memory_space<semaphore_mem>> -> memref<!tpu.dma_semaphore, #tpu.memory_space<semaphore_mem>>
        tpu.enqueue_indirect_dma source(%dma_start3A_142 : memref<10240xf32, #tpu.memory_space<hbm>>) target(%arg12 : memref<2560xf32, #tpu.memory_space<vmem>>) offsets(%arg8 : memref<2560xi32, #tpu.memory_space<vmem>>) semaphore(%dma_start3A_144 : memref<!tpu.dma_semaphore, #tpu.memory_space<semaphore_mem>>)
      } else {
      }
      %mul3A_87 = arith.constant 2 : i32
      %mul3A_88 = arith.muli %mul3A_87, %scan3A_43 : i32
      %add3A_89 = arith.constant 1 : i32
      %add3A_90 = arith.addi %mul3A_88, %add3A_89 : i32
      %dma_wait3A_91 = arith.constant 1 : i32
      %dma_wait3A_92 = arith.constant 0 : i32
      %dma_wait3A_93 = tpu.memref_slice %arg2[%dma_wait3A_92] : memref<10240xf32, #tpu.memory_space<hbm>> -> memref<10240xf32, #tpu.memory_space<hbm>>
      %dma_wait3A_94 = tpu.memref_slice %arg16[%dma_wait3A_91] : memref<2x!tpu.dma_semaphore, #tpu.memory_space<semaphore_mem>> -> memref<1x!tpu.dma_semaphore, #tpu.memory_space<semaphore_mem>>
      %dma_wait3A_95 = tpu.memref_squeeze %dma_wait3A_94 : memref<1x!tpu.dma_semaphore, #tpu.memory_space<semaphore_mem>> -> memref<!tpu.dma_semaphore, #tpu.memory_space<semaphore_mem>>
      tpu.wait_indirect_dma semaphore(%dma_wait3A_95 : memref<!tpu.dma_semaphore, #tpu.memory_space<semaphore_mem>>) src(%dma_wait3A_93 : memref<10240xf32, #tpu.memory_space<hbm>>) dst(%arg12 : memref<2560xf32, #tpu.memory_space<vmem>>)
      %add3A_96 = arith.constant 2 : i32
      %add3A_97 = arith.addi %add3A_90, %add3A_96 : i32
      %lt3A_98 = arith.constant 4 : i32
      %lt3A_99 = arith.cmpi slt, %add3A_97, %lt3A_98 : i32
      %convert_element_type3A_100 = arith.extui %lt3A_99 : i1 to i32
      %cond3A_101 = arith.constant 0 : i32
      %cond3A_102 = arith.cmpi ne, %convert_element_type3A_100, %cond3A_101 : i32
      scf.if %cond3A_102 {
        %add3A_135 = arith.constant 2 : i32
        %add3A_136 = arith.addi %add3A_90, %add3A_135 : i32
        %mul3A_137 = arith.constant 2560 : i32
        %mul3A_138 = arith.muli %add3A_136, %mul3A_137 : i32
        %add3A_139 = arith.addi %add3A, %mul3A_138 : i32
        %dma_start3A_140 = arith.constant 1 : i32
        %dma_start3A_141 = tpu.memref_slice %arg3[%add3A_139] : memref<327680xi32, #tpu.memory_space<hbm>> -> memref<2560xi32, #tpu.memory_space<hbm>>
        %dma_start3A_142 = tpu.memref_slice %arg14[%dma_start3A_140] : memref<2x!tpu.dma_semaphore, #tpu.memory_space<semaphore_mem>> -> memref<1x!tpu.dma_semaphore, #tpu.memory_space<semaphore_mem>>
        %dma_start3A_143 = tpu.memref_squeeze %dma_start3A_142 : memref<1x!tpu.dma_semaphore, #tpu.memory_space<semaphore_mem>> -> memref<!tpu.dma_semaphore, #tpu.memory_space<semaphore_mem>>
        %dma_start3A_144 = tpu.memref_slice %arg3[%add3A_139] : memref<327680xi32, #tpu.memory_space<hbm>> -> memref<2560xi32, #tpu.memory_space<hbm>>
        tpu.enqueue_dma source(%dma_start3A_144 : memref<2560xi32, #tpu.memory_space<hbm>>) target(%arg8 : memref<2560xi32, #tpu.memory_space<vmem>>) target_semaphore(%dma_start3A_143 : memref<!tpu.dma_semaphore, #tpu.memory_space<semaphore_mem>>)
      } else {
      }
      %ge3A_103 = arith.constant 2 : i32
      %ge3A_104 = arith.cmpi sge, %add3A_90, %ge3A_103 : i32
      %convert_element_type3A_105 = arith.extui %ge3A_104 : i1 to i32
      %cond3A_106 = arith.constant 0 : i32
      %cond3A_107 = arith.cmpi ne, %convert_element_type3A_105, %cond3A_106 : i32
      scf.if %cond3A_107 {
        %dma_wait3A_135 = arith.constant 1 : i32
        %dma_wait3A_136 = tpu.memref_slice %arg4[%add3A] : memref<327680xi32, #tpu.memory_space<hbm>> -> memref<2560xi32, #tpu.memory_space<hbm>>
        %dma_wait3A_137 = tpu.memref_slice %arg15[%dma_wait3A_135] : memref<2x!tpu.dma_semaphore, #tpu.memory_space<semaphore_mem>> -> memref<1x!tpu.dma_semaphore, #tpu.memory_space<semaphore_mem>>
        %dma_wait3A_138 = tpu.memref_squeeze %dma_wait3A_137 : memref<1x!tpu.dma_semaphore, #tpu.memory_space<semaphore_mem>> -> memref<!tpu.dma_semaphore, #tpu.memory_space<semaphore_mem>>
        %dma_wait3A_139 = tpu.memref_slice %arg4[%add3A] : memref<327680xi32, #tpu.memory_space<hbm>> -> memref<2560xi32, #tpu.memory_space<hbm>>
        tpu.wait_dma2 semaphore(%dma_wait3A_138 : memref<!tpu.dma_semaphore, #tpu.memory_space<semaphore_mem>>) src(%dma_wait3A_139 : memref<2560xi32, #tpu.memory_space<hbm>>) dst(%arg10 : memref<2560xi32, #tpu.memory_space<vmem>>)
      } else {
      }
      %dma_start3A_108 = arith.constant 1 : i32
      %dma_start3A_109 = arith.constant 0 : i32
      %dma_start3A_110 = tpu.memref_slice %arg13[%dma_start3A_109] : memref<10240xf32, #tpu.memory_space<vmem_shared>> -> memref<10240xf32, #tpu.memory_space<vmem_shared>>
      %dma_start3A_111 = tpu.memref_slice %arg17[%dma_start3A_108] : memref<2x!tpu.dma_semaphore, #tpu.memory_space<semaphore_mem>> -> memref<1x!tpu.dma_semaphore, #tpu.memory_space<semaphore_mem>>
      %dma_start3A_112 = tpu.memref_squeeze %dma_start3A_111 : memref<1x!tpu.dma_semaphore, #tpu.memory_space<semaphore_mem>> -> memref<!tpu.dma_semaphore, #tpu.memory_space<semaphore_mem>>
      tpu.enqueue_indirect_dma source(%arg12 : memref<2560xf32, #tpu.memory_space<vmem>>) target(%dma_start3A_110 : memref<10240xf32, #tpu.memory_space<vmem_shared>>) offsets(%arg10 : memref<2560xi32, #tpu.memory_space<vmem>>) semaphore(%dma_start3A_112 : memref<!tpu.dma_semaphore, #tpu.memory_space<semaphore_mem>>) {add = true}
      %ge3A_113 = arith.constant 1 : i32
      %ge3A_114 = arith.cmpi sge, %add3A_90, %ge3A_113 : i32
      %convert_element_type3A_115 = arith.extui %ge3A_114 : i1 to i32
      %cond3A_116 = arith.constant 0 : i32
      %cond3A_117 = arith.cmpi ne, %convert_element_type3A_115, %cond3A_116 : i32
      scf.if %cond3A_117 {
        %dma_wait3A_135 = arith.constant 0 : i32
        %dma_wait3A_136 = arith.constant 0 : i32
        %dma_wait3A_137 = tpu.memref_slice %arg13[%dma_wait3A_136] : memref<10240xf32, #tpu.memory_space<vmem_shared>> -> memref<10240xf32, #tpu.memory_space<vmem_shared>>
        %dma_wait3A_138 = tpu.memref_slice %arg17[%dma_wait3A_135] : memref<2x!tpu.dma_semaphore, #tpu.memory_space<semaphore_mem>> -> memref<1x!tpu.dma_semaphore, #tpu.memory_space<semaphore_mem>>
        %dma_wait3A_139 = tpu.memref_squeeze %dma_wait3A_138 : memref<1x!tpu.dma_semaphore, #tpu.memory_space<semaphore_mem>> -> memref<!tpu.dma_semaphore, #tpu.memory_space<semaphore_mem>>
        tpu.wait_indirect_dma semaphore(%dma_wait3A_139 : memref<!tpu.dma_semaphore, #tpu.memory_space<semaphore_mem>>) src(%arg11 : memref<2560xf32, #tpu.memory_space<vmem>>) dst(%dma_wait3A_137 : memref<10240xf32, #tpu.memory_space<vmem_shared>>)
      } else {
      }
      %ge3A_118 = arith.constant 1 : i32
      %ge3A_119 = arith.cmpi sge, %add3A_90, %ge3A_118 : i32
      %add3A_120 = arith.constant 1 : i32
      %add3A_121 = arith.addi %add3A_90, %add3A_120 : i32
      %lt3A_122 = arith.constant 4 : i32
      %lt3A_123 = arith.cmpi slt, %add3A_121, %lt3A_122 : i32
      %and3A_124 = arith.andi %ge3A_119, %lt3A_123 : i1
      %convert_element_type3A_125 = arith.extui %and3A_124 : i1 to i32
      %cond3A_126 = arith.constant 0 : i32
      %cond3A_127 = arith.cmpi ne, %convert_element_type3A_125, %cond3A_126 : i32
      scf.if %cond3A_127 {
        %add3A_135 = arith.constant 1 : i32
        %add3A_136 = arith.addi %add3A_90, %add3A_135 : i32
        %mul3A_137 = arith.constant 2560 : i32
        %mul3A_138 = arith.muli %add3A_136, %mul3A_137 : i32
        %add3A_139 = arith.addi %add3A, %mul3A_138 : i32
        %dma_start3A_140 = arith.constant 0 : i32
        %dma_start3A_141 = tpu.memref_slice %arg4[%add3A_139] : memref<327680xi32, #tpu.memory_space<hbm>> -> memref<2560xi32, #tpu.memory_space<hbm>>
        %dma_start3A_142 = tpu.memref_slice %arg15[%dma_start3A_140] : memref<2x!tpu.dma_semaphore, #tpu.memory_space<semaphore_mem>> -> memref<1x!tpu.dma_semaphore, #tpu.memory_space<semaphore_mem>>
        %dma_start3A_143 = tpu.memref_squeeze %dma_start3A_142 : memref<1x!tpu.dma_semaphore, #tpu.memory_space<semaphore_mem>> -> memref<!tpu.dma_semaphore, #tpu.memory_space<semaphore_mem>>
        %dma_start3A_144 = tpu.memref_slice %arg4[%add3A_139] : memref<327680xi32, #tpu.memory_space<hbm>> -> memref<2560xi32, #tpu.memory_space<hbm>>
        tpu.enqueue_dma source(%dma_start3A_144 : memref<2560xi32, #tpu.memory_space<hbm>>) target(%arg9 : memref<2560xi32, #tpu.memory_space<vmem>>) target_semaphore(%dma_start3A_143 : memref<!tpu.dma_semaphore, #tpu.memory_space<semaphore_mem>>)
      } else {
      }
      %add3A_128 = arith.constant 1 : i32
      %add3A_129 = arith.addi %add3A_90, %add3A_128 : i32
      %lt3A_130 = arith.constant 4 : i32
      %lt3A_131 = arith.cmpi slt, %add3A_129, %lt3A_130 : i32
      %convert_element_type3A_132 = arith.extui %lt3A_131 : i1 to i32
      %cond3A_133 = arith.constant 0 : i32
      %cond3A_134 = arith.cmpi ne, %convert_element_type3A_132, %cond3A_133 : i32
      scf.if %cond3A_134 {
        %ge3A_135 = arith.constant 1 : i32
        %ge3A_136 = arith.cmpi sge, %add3A_90, %ge3A_135 : i32
        %convert_element_type3A_137 = arith.extui %ge3A_136 : i1 to i32
        %cond3A_138 = arith.constant 0 : i32
        %cond3A_139 = arith.cmpi ne, %convert_element_type3A_137, %cond3A_138 : i32
        scf.if %cond3A_139 {
          %dma_wait3A_145 = arith.constant 0 : i32
          %dma_wait3A_146 = tpu.memref_slice %arg3[%add3A] : memref<327680xi32, #tpu.memory_space<hbm>> -> memref<2560xi32, #tpu.memory_space<hbm>>
          %dma_wait3A_147 = tpu.memref_slice %arg14[%dma_wait3A_145] : memref<2x!tpu.dma_semaphore, #tpu.memory_space<semaphore_mem>> -> memref<1x!tpu.dma_semaphore, #tpu.memory_space<semaphore_mem>>
          %dma_wait3A_148 = tpu.memref_squeeze %dma_wait3A_147 : memref<1x!tpu.dma_semaphore, #tpu.memory_space<semaphore_mem>> -> memref<!tpu.dma_semaphore, #tpu.memory_space<semaphore_mem>>
          %dma_wait3A_149 = tpu.memref_slice %arg3[%add3A] : memref<327680xi32, #tpu.memory_space<hbm>> -> memref<2560xi32, #tpu.memory_space<hbm>>
          tpu.wait_dma2 semaphore(%dma_wait3A_148 : memref<!tpu.dma_semaphore, #tpu.memory_space<semaphore_mem>>) src(%dma_wait3A_149 : memref<2560xi32, #tpu.memory_space<hbm>>) dst(%arg7 : memref<2560xi32, #tpu.memory_space<vmem>>)
        } else {
        }
        %dma_start3A_140 = arith.constant 0 : i32
        %dma_start3A_141 = arith.constant 0 : i32
        %dma_start3A_142 = tpu.memref_slice %arg2[%dma_start3A_141] : memref<10240xf32, #tpu.memory_space<hbm>> -> memref<10240xf32, #tpu.memory_space<hbm>>
        %dma_start3A_143 = tpu.memref_slice %arg16[%dma_start3A_140] : memref<2x!tpu.dma_semaphore, #tpu.memory_space<semaphore_mem>> -> memref<1x!tpu.dma_semaphore, #tpu.memory_space<semaphore_mem>>
        %dma_start3A_144 = tpu.memref_squeeze %dma_start3A_143 : memref<1x!tpu.dma_semaphore, #tpu.memory_space<semaphore_mem>> -> memref<!tpu.dma_semaphore, #tpu.memory_space<semaphore_mem>>
        tpu.enqueue_indirect_dma source(%dma_start3A_142 : memref<10240xf32, #tpu.memory_space<hbm>>) target(%arg11 : memref<2560xf32, #tpu.memory_space<vmem>>) offsets(%arg7 : memref<2560xi32, #tpu.memory_space<vmem>>) semaphore(%dma_start3A_144 : memref<!tpu.dma_semaphore, #tpu.memory_space<semaphore_mem>>)
      } else {
      }
    }
    %scan3A_32 = arith.constant 2 : i32
    %dma_wait3A_33 = arith.constant 1 : i32
    %dma_wait3A_34 = arith.constant 0 : i32
    %dma_wait3A_35 = tpu.memref_slice %arg13[%dma_wait3A_34] : memref<10240xf32, #tpu.memory_space<vmem_shared>> -> memref<10240xf32, #tpu.memory_space<vmem_shared>>
    %dma_wait3A_36 = tpu.memref_slice %arg17[%dma_wait3A_33] : memref<2x!tpu.dma_semaphore, #tpu.memory_space<semaphore_mem>> -> memref<1x!tpu.dma_semaphore, #tpu.memory_space<semaphore_mem>>
    %dma_wait3A_37 = tpu.memref_squeeze %dma_wait3A_36 : memref<1x!tpu.dma_semaphore, #tpu.memory_space<semaphore_mem>> -> memref<!tpu.dma_semaphore, #tpu.memory_space<semaphore_mem>>
    tpu.wait_indirect_dma semaphore(%dma_wait3A_37 : memref<!tpu.dma_semaphore, #tpu.memory_space<semaphore_mem>>) src(%arg12 : memref<2560xf32, #tpu.memory_space<vmem>>) dst(%dma_wait3A_35 : memref<10240xf32, #tpu.memory_space<vmem_shared>>)
    %barrier3A_38 = arith.constant 0 : index
    tpu.barrier barrier_id(%barrier3A_38)
    %mul3A_39 = arith.constant 640 : i32
    %mul3A_40 = arith.muli %arg1, %mul3A_39 : i32
    %mul3A_41 = arith.constant 640 : i32
    %mul3A_42 = arith.muli %arg1, %mul3A_41 : i32
    "tpu.region"() ({
      %run_scoped3A = tpu.sem_alloc : memref<!tpu.dma_semaphore, #tpu.memory_space<semaphore_mem>>
      %dma_start3A_43 = tpu.memref_slice %arg6[%arg0, %mul3A_42] : memref<2x10240xf32, #tpu.memory_space<hbm>> -> memref<1x640xf32, #tpu.memory_space<hbm>>
      %dma_start3A_44 = tpu.memref_squeeze %dma_start3A_43 : memref<1x640xf32, #tpu.memory_space<hbm>> -> memref<640xf32, #tpu.memory_space<hbm>>
      %dma_start3A_45 = tpu.memref_slice %arg13[%mul3A_40] : memref<10240xf32, #tpu.memory_space<vmem_shared>> -> memref<640xf32, #tpu.memory_space<vmem_shared>>
      tpu.enqueue_dma source(%dma_start3A_45 : memref<640xf32, #tpu.memory_space<vmem_shared>>) target(%dma_start3A_44 : memref<640xf32, #tpu.memory_space<hbm>>) target_semaphore(%run_scoped3A : memref<!tpu.dma_semaphore, #tpu.memory_space<semaphore_mem>>)
      %dma_wait3A_46 = tpu.memref_slice %arg6[%arg0, %mul3A_42] : memref<2x10240xf32, #tpu.memory_space<hbm>> -> memref<1x640xf32, #tpu.memory_space<hbm>>
      %dma_wait3A_47 = tpu.memref_squeeze %dma_wait3A_46 : memref<1x640xf32, #tpu.memory_space<hbm>> -> memref<640xf32, #tpu.memory_space<hbm>>
      %dma_wait3A_48 = tpu.memref_slice %arg13[%mul3A_40] : memref<10240xf32, #tpu.memory_space<vmem_shared>> -> memref<640xf32, #tpu.memory_space<vmem_shared>>
      tpu.wait_dma2 semaphore(%run_scoped3A : memref<!tpu.dma_semaphore, #tpu.memory_space<semaphore_mem>>) src(%dma_wait3A_48 : memref<640xf32, #tpu.memory_space<vmem_shared>>) dst(%dma_wait3A_47 : memref<640xf32, #tpu.memory_space<hbm>>)
      tpu.yield
    }) : () -> ()
    return
  }
}

#map = affine_map<(d0, d1) -> (0, 0)>
#map1 = affine_map<(d0, d1) -> (0)>
#map2 = affine_map<(d0, d1) -> (0, 0, 0)>
module attributes {stable_mosaic.version = 14 : i64} {
  func.func @_sc_agg0(%arg0: i32, %arg1: i32, %arg2: memref<10240x128xf32, #tpu.memory_space<hbm>>, %arg3: memref<327680xi32, #tpu.memory_space<hbm>>, %arg4: memref<327680xi32, #tpu.memory_space<hbm>>, %arg5: memref<10240x128xf32, #tpu.memory_space<hbm>>, %arg6: memref<10240xf32, #tpu.memory_space<hbm>>, %arg7: memref<2x10240x128xf32, #tpu.memory_space<hbm>>, %arg8: memref<2x10240xf32, #tpu.memory_space<hbm>>, %arg9: memref<160xi32, #tpu.memory_space<vmem>>, %arg10: memref<160xi32, #tpu.memory_space<vmem>>, %arg11: memref<160xi32, #tpu.memory_space<vmem>>, %arg12: memref<160xi32, #tpu.memory_space<vmem>>, %arg13: memref<160x128xf32, #tpu.memory_space<vmem>>, %arg14: memref<160x128xf32, #tpu.memory_space<vmem>>, %arg15: memref<160xf32, #tpu.memory_space<vmem>>, %arg16: memref<10240x128xf32, #tpu.memory_space<vmem_shared>>, %arg17: memref<10240xf32, #tpu.memory_space<vmem_shared>>, %arg18: memref<2x!tpu.dma_semaphore, #tpu.memory_space<semaphore_mem>>, %arg19: memref<2x!tpu.dma_semaphore, #tpu.memory_space<semaphore_mem>>, %arg20: memref<2x!tpu.dma_semaphore, #tpu.memory_space<semaphore_mem>>, %arg21: memref<2x!tpu.dma_semaphore, #tpu.memory_space<semaphore_mem>>, %arg22: memref<!tpu.dma_semaphore, #tpu.memory_space<semaphore_mem>>) attributes {dimension_semantics = [#tpu.dimension_semantics<core_parallel>, #tpu.dimension_semantics<subcore_parallel>], iteration_bounds = array<i64: 2, 16>, scalar_prefetch = 0 : i64, scratch_operands = 14 : i64, tpu.core_type = #tpu.core_type<sc_vector_subcore>, window_params = [{transform_indices = #map}, {transform_indices = #map1}, {transform_indices = #map1}, {transform_indices = #map}, {transform_indices = #map1}, {transform_indices = #map2}, {transform_indices = #map}]} {
    %mul3A = arith.constant 640 : i32
    %mul3A_0 = arith.muli %arg1, %mul3A : i32
    %mul3A_1 = arith.constant 640 : i32
    %mul3A_2 = arith.muli %arg1, %mul3A_1 : i32
    %dma_start3A = arith.constant 0 : i32
    %dma_start3A_3 = tpu.memref_slice %arg21[%dma_start3A] : memref<2x!tpu.dma_semaphore, #tpu.memory_space<semaphore_mem>> -> memref<1x!tpu.dma_semaphore, #tpu.memory_space<semaphore_mem>>
    %dma_start3A_4 = tpu.memref_squeeze %dma_start3A_3 : memref<1x!tpu.dma_semaphore, #tpu.memory_space<semaphore_mem>> -> memref<!tpu.dma_semaphore, #tpu.memory_space<semaphore_mem>>
    %dma_start3A_5 = arith.constant 0 : i32
    %dma_start3A_6 = tpu.memref_slice %arg16[%mul3A_2, %dma_start3A_5] : memref<10240x128xf32, #tpu.memory_space<vmem_shared>> -> memref<640x128xf32, #tpu.memory_space<vmem_shared>>
    %dma_start3A_7 = arith.constant 0 : i32
    %dma_start3A_8 = tpu.memref_slice %arg5[%mul3A_0, %dma_start3A_7] : memref<10240x128xf32, #tpu.memory_space<hbm>> -> memref<640x128xf32, #tpu.memory_space<hbm>>
    tpu.enqueue_dma source(%dma_start3A_8 : memref<640x128xf32, #tpu.memory_space<hbm>>) target(%dma_start3A_6 : memref<640x128xf32, #tpu.memory_space<vmem_shared>>) target_semaphore(%dma_start3A_4 : memref<!tpu.dma_semaphore, #tpu.memory_space<semaphore_mem>>)
    %mul3A_9 = arith.constant 640 : i32
    %mul3A_10 = arith.muli %arg1, %mul3A_9 : i32
    %mul3A_11 = arith.constant 640 : i32
    %mul3A_12 = arith.muli %arg1, %mul3A_11 : i32
    %dma_start3A_13 = tpu.memref_slice %arg17[%mul3A_12] : memref<10240xf32, #tpu.memory_space<vmem_shared>> -> memref<640xf32, #tpu.memory_space<vmem_shared>>
    %dma_start3A_14 = tpu.memref_slice %arg6[%mul3A_10] : memref<10240xf32, #tpu.memory_space<hbm>> -> memref<640xf32, #tpu.memory_space<hbm>>
    tpu.enqueue_dma source(%dma_start3A_14 : memref<640xf32, #tpu.memory_space<hbm>>) target(%dma_start3A_13 : memref<640xf32, #tpu.memory_space<vmem_shared>>) target_semaphore(%arg22 : memref<!tpu.dma_semaphore, #tpu.memory_space<semaphore_mem>>)
    %broadcast_in_dim3A = arith.constant 1.000000e+00 : f32
    %broadcast_in_dim3A_15 = vector.broadcast %broadcast_in_dim3A : f32 to vector<16xf32>
    %swap3A = arith.constant 0 : index
    %swap3A_16 = tpu.vector_load %arg15[%swap3A] {strides = array<i32>} : memref<160xf32, #tpu.memory_space<vmem>>, vector<16xf32>,
    %swap3A_17 = vector.shape_cast %swap3A_16 : vector<16xf32> to vector<16xf32>
    %swap3A_18 = vector.shape_cast %broadcast_in_dim3A_15 : vector<16xf32> to vector<16xf32>
    tpu.vector_store %arg15[%swap3A], %swap3A_18 {strides = array<i32>} : memref<160xf32, #tpu.memory_space<vmem>>, vector<16xf32>,
    %broadcast_in_dim3A_19 = arith.constant 1.000000e+00 : f32
    %broadcast_in_dim3A_20 = vector.broadcast %broadcast_in_dim3A_19 : f32 to vector<16xf32>
    %swap3A_21 = arith.constant 16 : index
    %swap3A_22 = tpu.vector_load %arg15[%swap3A_21] {strides = array<i32>} : memref<160xf32, #tpu.memory_space<vmem>>, vector<16xf32>,
    %swap3A_23 = vector.shape_cast %swap3A_22 : vector<16xf32> to vector<16xf32>
    %swap3A_24 = vector.shape_cast %broadcast_in_dim3A_20 : vector<16xf32> to vector<16xf32>
    tpu.vector_store %arg15[%swap3A_21], %swap3A_24 {strides = array<i32>} : memref<160xf32, #tpu.memory_space<vmem>>, vector<16xf32>,
    %broadcast_in_dim3A_25 = arith.constant 1.000000e+00 : f32
    %broadcast_in_dim3A_26 = vector.broadcast %broadcast_in_dim3A_25 : f32 to vector<16xf32>
    %swap3A_27 = arith.constant 32 : index
    %swap3A_28 = tpu.vector_load %arg15[%swap3A_27] {strides = array<i32>} : memref<160xf32, #tpu.memory_space<vmem>>, vector<16xf32>,
    %swap3A_29 = vector.shape_cast %swap3A_28 : vector<16xf32> to vector<16xf32>
    %swap3A_30 = vector.shape_cast %broadcast_in_dim3A_26 : vector<16xf32> to vector<16xf32>
    tpu.vector_store %arg15[%swap3A_27], %swap3A_30 {strides = array<i32>} : memref<160xf32, #tpu.memory_space<vmem>>, vector<16xf32>,
    %broadcast_in_dim3A_31 = arith.constant 1.000000e+00 : f32
    %broadcast_in_dim3A_32 = vector.broadcast %broadcast_in_dim3A_31 : f32 to vector<16xf32>
    %swap3A_33 = arith.constant 48 : index
    %swap3A_34 = tpu.vector_load %arg15[%swap3A_33] {strides = array<i32>} : memref<160xf32, #tpu.memory_space<vmem>>, vector<16xf32>,
    %swap3A_35 = vector.shape_cast %swap3A_34 : vector<16xf32> to vector<16xf32>
    %swap3A_36 = vector.shape_cast %broadcast_in_dim3A_32 : vector<16xf32> to vector<16xf32>
    tpu.vector_store %arg15[%swap3A_33], %swap3A_36 {strides = array<i32>} : memref<160xf32, #tpu.memory_space<vmem>>, vector<16xf32>,
    %broadcast_in_dim3A_37 = arith.constant 1.000000e+00 : f32
    %broadcast_in_dim3A_38 = vector.broadcast %broadcast_in_dim3A_37 : f32 to vector<16xf32>
    %swap3A_39 = arith.constant 64 : index
    %swap3A_40 = tpu.vector_load %arg15[%swap3A_39] {strides = array<i32>} : memref<160xf32, #tpu.memory_space<vmem>>, vector<16xf32>,
    %swap3A_41 = vector.shape_cast %swap3A_40 : vector<16xf32> to vector<16xf32>
    %swap3A_42 = vector.shape_cast %broadcast_in_dim3A_38 : vector<16xf32> to vector<16xf32>
    tpu.vector_store %arg15[%swap3A_39], %swap3A_42 {strides = array<i32>} : memref<160xf32, #tpu.memory_space<vmem>>, vector<16xf32>,
    %broadcast_in_dim3A_43 = arith.constant 1.000000e+00 : f32
    %broadcast_in_dim3A_44 = vector.broadcast %broadcast_in_dim3A_43 : f32 to vector<16xf32>
    %swap3A_45 = arith.constant 80 : index
    %swap3A_46 = tpu.vector_load %arg15[%swap3A_45] {strides = array<i32>} : memref<160xf32, #tpu.memory_space<vmem>>, vector<16xf32>,
    %swap3A_47 = vector.shape_cast %swap3A_46 : vector<16xf32> to vector<16xf32>
    %swap3A_48 = vector.shape_cast %broadcast_in_dim3A_44 : vector<16xf32> to vector<16xf32>
    tpu.vector_store %arg15[%swap3A_45], %swap3A_48 {strides = array<i32>} : memref<160xf32, #tpu.memory_space<vmem>>, vector<16xf32>,
    %broadcast_in_dim3A_49 = arith.constant 1.000000e+00 : f32
    %broadcast_in_dim3A_50 = vector.broadcast %broadcast_in_dim3A_49 : f32 to vector<16xf32>
    %swap3A_51 = arith.constant 96 : index
    %swap3A_52 = tpu.vector_load %arg15[%swap3A_51] {strides = array<i32>} : memref<160xf32, #tpu.memory_space<vmem>>, vector<16xf32>,
    %swap3A_53 = vector.shape_cast %swap3A_52 : vector<16xf32> to vector<16xf32>
    %swap3A_54 = vector.shape_cast %broadcast_in_dim3A_50 : vector<16xf32> to vector<16xf32>
    tpu.vector_store %arg15[%swap3A_51], %swap3A_54 {strides = array<i32>} : memref<160xf32, #tpu.memory_space<vmem>>, vector<16xf32>,
    %broadcast_in_dim3A_55 = arith.constant 1.000000e+00 : f32
    %broadcast_in_dim3A_56 = vector.broadcast %broadcast_in_dim3A_55 : f32 to vector<16xf32>
    %swap3A_57 = arith.constant 112 : index
    %swap3A_58 = tpu.vector_load %arg15[%swap3A_57] {strides = array<i32>} : memref<160xf32, #tpu.memory_space<vmem>>, vector<16xf32>,
    %swap3A_59 = vector.shape_cast %swap3A_58 : vector<16xf32> to vector<16xf32>
    %swap3A_60 = vector.shape_cast %broadcast_in_dim3A_56 : vector<16xf32> to vector<16xf32>
    tpu.vector_store %arg15[%swap3A_57], %swap3A_60 {strides = array<i32>} : memref<160xf32, #tpu.memory_space<vmem>>, vector<16xf32>,
    %broadcast_in_dim3A_61 = arith.constant 1.000000e+00 : f32
    %broadcast_in_dim3A_62 = vector.broadcast %broadcast_in_dim3A_61 : f32 to vector<16xf32>
    %swap3A_63 = arith.constant 128 : index
    %swap3A_64 = tpu.vector_load %arg15[%swap3A_63] {strides = array<i32>} : memref<160xf32, #tpu.memory_space<vmem>>, vector<16xf32>,
    %swap3A_65 = vector.shape_cast %swap3A_64 : vector<16xf32> to vector<16xf32>
    %swap3A_66 = vector.shape_cast %broadcast_in_dim3A_62 : vector<16xf32> to vector<16xf32>
    tpu.vector_store %arg15[%swap3A_63], %swap3A_66 {strides = array<i32>} : memref<160xf32, #tpu.memory_space<vmem>>, vector<16xf32>,
    %broadcast_in_dim3A_67 = arith.constant 1.000000e+00 : f32
    %broadcast_in_dim3A_68 = vector.broadcast %broadcast_in_dim3A_67 : f32 to vector<16xf32>
    %swap3A_69 = arith.constant 144 : index
    %swap3A_70 = tpu.vector_load %arg15[%swap3A_69] {strides = array<i32>} : memref<160xf32, #tpu.memory_space<vmem>>, vector<16xf32>,
    %swap3A_71 = vector.shape_cast %swap3A_70 : vector<16xf32> to vector<16xf32>
    %swap3A_72 = vector.shape_cast %broadcast_in_dim3A_68 : vector<16xf32> to vector<16xf32>
    tpu.vector_store %arg15[%swap3A_69], %swap3A_72 {strides = array<i32>} : memref<160xf32, #tpu.memory_space<vmem>>, vector<16xf32>,
    %mul3A_73 = arith.constant 163840 : i32
    %mul3A_74 = arith.muli %arg0, %mul3A_73 : i32
    %mul3A_75 = arith.constant 10240 : i32
    %mul3A_76 = arith.muli %arg1, %mul3A_75 : i32
    %add3A = arith.addi %mul3A_74, %mul3A_76 : i32
    "tpu.region"() ({
      %run_scoped3A = tpu.sem_alloc : memref<!tpu.dma_semaphore, #tpu.memory_space<semaphore_mem>>
      %dma_start3A_125 = tpu.memref_slice %arg3[%add3A] : memref<327680xi32, #tpu.memory_space<hbm>> -> memref<160xi32, #tpu.memory_space<hbm>>
      %dma_start3A_126 = tpu.memref_slice %arg3[%add3A] : memref<327680xi32, #tpu.memory_space<hbm>> -> memref<160xi32, #tpu.memory_space<hbm>>
      tpu.enqueue_dma source(%dma_start3A_126 : memref<160xi32, #tpu.memory_space<hbm>>) target(%arg9 : memref<160xi32, #tpu.memory_space<vmem>>) target_semaphore(%run_scoped3A : memref<!tpu.dma_semaphore, #tpu.memory_space<semaphore_mem>>)
      %dma_wait3A_127 = tpu.memref_slice %arg3[%add3A] : memref<327680xi32, #tpu.memory_space<hbm>> -> memref<160xi32, #tpu.memory_space<hbm>>
      %dma_wait3A_128 = tpu.memref_slice %arg3[%add3A] : memref<327680xi32, #tpu.memory_space<hbm>> -> memref<160xi32, #tpu.memory_space<hbm>>
      tpu.wait_dma2 semaphore(%run_scoped3A : memref<!tpu.dma_semaphore, #tpu.memory_space<semaphore_mem>>) src(%dma_wait3A_128 : memref<160xi32, #tpu.memory_space<hbm>>) dst(%arg9 : memref<160xi32, #tpu.memory_space<vmem>>)
      tpu.yield
    }) : () -> ()
    "tpu.region"() ({
      %run_scoped3A = tpu.sem_alloc : memref<!tpu.dma_semaphore, #tpu.memory_space<semaphore_mem>>
      %dma_start3A_125 = tpu.memref_slice %arg4[%add3A] : memref<327680xi32, #tpu.memory_space<hbm>> -> memref<160xi32, #tpu.memory_space<hbm>>
      %dma_start3A_126 = tpu.memref_slice %arg4[%add3A] : memref<327680xi32, #tpu.memory_space<hbm>> -> memref<160xi32, #tpu.memory_space<hbm>>
      tpu.enqueue_dma source(%dma_start3A_126 : memref<160xi32, #tpu.memory_space<hbm>>) target(%arg11 : memref<160xi32, #tpu.memory_space<vmem>>) target_semaphore(%run_scoped3A : memref<!tpu.dma_semaphore, #tpu.memory_space<semaphore_mem>>)
      %dma_wait3A_127 = tpu.memref_slice %arg4[%add3A] : memref<327680xi32, #tpu.memory_space<hbm>> -> memref<160xi32, #tpu.memory_space<hbm>>
      %dma_wait3A_128 = tpu.memref_slice %arg4[%add3A] : memref<327680xi32, #tpu.memory_space<hbm>> -> memref<160xi32, #tpu.memory_space<hbm>>
      tpu.wait_dma2 semaphore(%run_scoped3A : memref<!tpu.dma_semaphore, #tpu.memory_space<semaphore_mem>>) src(%dma_wait3A_128 : memref<160xi32, #tpu.memory_space<hbm>>) dst(%arg11 : memref<160xi32, #tpu.memory_space<vmem>>)
      tpu.yield
    }) : () -> ()
    %add3A_77 = arith.constant 160 : i32
    %add3A_78 = arith.addi %add3A, %add3A_77 : i32
    "tpu.region"() ({
      %run_scoped3A = tpu.sem_alloc : memref<!tpu.dma_semaphore, #tpu.memory_space<semaphore_mem>>
      %dma_start3A_125 = tpu.memref_slice %arg3[%add3A_78] : memref<327680xi32, #tpu.memory_space<hbm>> -> memref<160xi32, #tpu.memory_space<hbm>>
      %dma_start3A_126 = tpu.memref_slice %arg3[%add3A_78] : memref<327680xi32, #tpu.memory_space<hbm>> -> memref<160xi32, #tpu.memory_space<hbm>>
      tpu.enqueue_dma source(%dma_start3A_126 : memref<160xi32, #tpu.memory_space<hbm>>) target(%arg10 : memref<160xi32, #tpu.memory_space<vmem>>) target_semaphore(%run_scoped3A : memref<!tpu.dma_semaphore, #tpu.memory_space<semaphore_mem>>)
      %dma_wait3A_127 = tpu.memref_slice %arg3[%add3A_78] : memref<327680xi32, #tpu.memory_space<hbm>> -> memref<160xi32, #tpu.memory_space<hbm>>
      %dma_wait3A_128 = tpu.memref_slice %arg3[%add3A_78] : memref<327680xi32, #tpu.memory_space<hbm>> -> memref<160xi32, #tpu.memory_space<hbm>>
      tpu.wait_dma2 semaphore(%run_scoped3A : memref<!tpu.dma_semaphore, #tpu.memory_space<semaphore_mem>>) src(%dma_wait3A_128 : memref<160xi32, #tpu.memory_space<hbm>>) dst(%arg10 : memref<160xi32, #tpu.memory_space<vmem>>)
      tpu.yield
    }) : () -> ()
    %add3A_79 = arith.constant 160 : i32
    %add3A_80 = arith.addi %add3A, %add3A_79 : i32
    "tpu.region"() ({
      %run_scoped3A = tpu.sem_alloc : memref<!tpu.dma_semaphore, #tpu.memory_space<semaphore_mem>>
      %dma_start3A_125 = tpu.memref_slice %arg4[%add3A_80] : memref<327680xi32, #tpu.memory_space<hbm>> -> memref<160xi32, #tpu.memory_space<hbm>>
      %dma_start3A_126 = tpu.memref_slice %arg4[%add3A_80] : memref<327680xi32, #tpu.memory_space<hbm>> -> memref<160xi32, #tpu.memory_space<hbm>>
      tpu.enqueue_dma source(%dma_start3A_126 : memref<160xi32, #tpu.memory_space<hbm>>) target(%arg12 : memref<160xi32, #tpu.memory_space<vmem>>) target_semaphore(%run_scoped3A : memref<!tpu.dma_semaphore, #tpu.memory_space<semaphore_mem>>)
      %dma_wait3A_127 = tpu.memref_slice %arg4[%add3A_80] : memref<327680xi32, #tpu.memory_space<hbm>> -> memref<160xi32, #tpu.memory_space<hbm>>
      %dma_wait3A_128 = tpu.memref_slice %arg4[%add3A_80] : memref<327680xi32, #tpu.memory_space<hbm>> -> memref<160xi32, #tpu.memory_space<hbm>>
      tpu.wait_dma2 semaphore(%run_scoped3A : memref<!tpu.dma_semaphore, #tpu.memory_space<semaphore_mem>>) src(%dma_wait3A_128 : memref<160xi32, #tpu.memory_space<hbm>>) dst(%arg12 : memref<160xi32, #tpu.memory_space<vmem>>)
      tpu.yield
    }) : () -> ()
    %dma_start3A_81 = arith.constant 0 : i32
    %dma_start3A_82 = arith.constant 0 : i32
    %dma_start3A_83 = arith.constant 0 : i32
    %dma_start3A_84 = tpu.memref_slice %arg2[%dma_start3A_82, %dma_start3A_83] : memref<10240x128xf32, #tpu.memory_space<hbm>> -> memref<10240x128xf32, #tpu.memory_space<hbm>>
    %dma_start3A_85 = tpu.memref_slice %arg20[%dma_start3A_81] : memref<2x!tpu.dma_semaphore, #tpu.memory_space<semaphore_mem>> -> memref<1x!tpu.dma_semaphore, #tpu.memory_space<semaphore_mem>>
    %dma_start3A_86 = tpu.memref_squeeze %dma_start3A_85 : memref<1x!tpu.dma_semaphore, #tpu.memory_space<semaphore_mem>> -> memref<!tpu.dma_semaphore, #tpu.memory_space<semaphore_mem>>
    tpu.enqueue_indirect_dma source(%dma_start3A_84 : memref<10240x128xf32, #tpu.memory_space<hbm>>) target(%arg13 : memref<160x128xf32, #tpu.memory_space<vmem>>) offsets(%arg9 : memref<160xi32, #tpu.memory_space<vmem>>) semaphore(%dma_start3A_86 : memref<!tpu.dma_semaphore, #tpu.memory_space<semaphore_mem>>)
    %mul3A_87 = arith.constant 640 : i32
    %mul3A_88 = arith.muli %arg1, %mul3A_87 : i32
    %mul3A_89 = arith.constant 640 : i32
    %mul3A_90 = arith.muli %arg1, %mul3A_89 : i32
    %dma_wait3A = arith.constant 0 : i32
    %dma_wait3A_91 = tpu.memref_slice %arg21[%dma_wait3A] : memref<2x!tpu.dma_semaphore, #tpu.memory_space<semaphore_mem>> -> memref<1x!tpu.dma_semaphore, #tpu.memory_space<semaphore_mem>>
    %dma_wait3A_92 = tpu.memref_squeeze %dma_wait3A_91 : memref<1x!tpu.dma_semaphore, #tpu.memory_space<semaphore_mem>> -> memref<!tpu.dma_semaphore, #tpu.memory_space<semaphore_mem>>
    %dma_wait3A_93 = arith.constant 0 : i32
    %dma_wait3A_94 = tpu.memref_slice %arg16[%mul3A_90, %dma_wait3A_93] : memref<10240x128xf32, #tpu.memory_space<vmem_shared>> -> memref<640x128xf32, #tpu.memory_space<vmem_shared>>
    %dma_wait3A_95 = arith.constant 0 : i32
    %dma_wait3A_96 = tpu.memref_slice %arg5[%mul3A_88, %dma_wait3A_95] : memref<10240x128xf32, #tpu.memory_space<hbm>> -> memref<640x128xf32, #tpu.memory_space<hbm>>
    tpu.wait_dma2 semaphore(%dma_wait3A_92 : memref<!tpu.dma_semaphore, #tpu.memory_space<semaphore_mem>>) src(%dma_wait3A_96 : memref<640x128xf32, #tpu.memory_space<hbm>>) dst(%dma_wait3A_94 : memref<640x128xf32, #tpu.memory_space<vmem_shared>>)
    %mul3A_97 = arith.constant 640 : i32
    %mul3A_98 = arith.muli %arg1, %mul3A_97 : i32
    %mul3A_99 = arith.constant 640 : i32
    %mul3A_100 = arith.muli %arg1, %mul3A_99 : i32
    %dma_wait3A_101 = tpu.memref_slice %arg17[%mul3A_100] : memref<10240xf32, #tpu.memory_space<vmem_shared>> -> memref<640xf32, #tpu.memory_space<vmem_shared>>
    %dma_wait3A_102 = tpu.memref_slice %arg6[%mul3A_98] : memref<10240xf32, #tpu.memory_space<hbm>> -> memref<640xf32, #tpu.memory_space<hbm>>
    tpu.wait_dma2 semaphore(%arg22 : memref<!tpu.dma_semaphore, #tpu.memory_space<semaphore_mem>>) src(%dma_wait3A_102 : memref<640xf32, #tpu.memory_space<hbm>>) dst(%dma_wait3A_101 : memref<640xf32, #tpu.memory_space<vmem_shared>>)
    %barrier3A = arith.constant 0 : index
    tpu.barrier barrier_id(%barrier3A)
    %scan3A = arith.constant 0 : i32
    %scan3A_103 = arith.constant 0 : i32
    %scan3A_104 = arith.constant 32 : i32
    %scan3A_105 = arith.addi %scan3A_103, %scan3A_104 : i32
    %scan3A_106 = arith.constant 1 : i32
    scf.for %scan3A_125 = %scan3A_103 to %scan3A_105 step %scan3A_106  : i32 {
      %mul3A_126 = arith.constant 2 : i32
      %mul3A_127 = arith.muli %mul3A_126, %scan3A_125 : i32
      %add3A_128 = arith.constant 0 : i32
      %add3A_129 = arith.addi %mul3A_127, %add3A_128 : i32
      %dma_wait3A_130 = arith.constant 0 : i32
      %dma_wait3A_131 = arith.constant 0 : i32
      %dma_wait3A_132 = arith.constant 0 : i32
      %dma_wait3A_133 = tpu.memref_slice %arg2[%dma_wait3A_131, %dma_wait3A_132] : memref<10240x128xf32, #tpu.memory_space<hbm>> -> memref<10240x128xf32, #tpu.memory_space<hbm>>
      %dma_wait3A_134 = tpu.memref_slice %arg20[%dma_wait3A_130] : memref<2x!tpu.dma_semaphore, #tpu.memory_space<semaphore_mem>> -> memref<1x!tpu.dma_semaphore, #tpu.memory_space<semaphore_mem>>
      %dma_wait3A_135 = tpu.memref_squeeze %dma_wait3A_134 : memref<1x!tpu.dma_semaphore, #tpu.memory_space<semaphore_mem>> -> memref<!tpu.dma_semaphore, #tpu.memory_space<semaphore_mem>>
      tpu.wait_indirect_dma semaphore(%dma_wait3A_135 : memref<!tpu.dma_semaphore, #tpu.memory_space<semaphore_mem>>) src(%dma_wait3A_133 : memref<10240x128xf32, #tpu.memory_space<hbm>>) dst(%arg13 : memref<160x128xf32, #tpu.memory_space<vmem>>)
      %add3A_136 = arith.constant 2 : i32
      %add3A_137 = arith.addi %add3A_129, %add3A_136 : i32
      %lt3A = arith.constant 64 : i32
      %lt3A_138 = arith.cmpi slt, %add3A_137, %lt3A : i32
      %convert_element_type3A = arith.extui %lt3A_138 : i1 to i32
      %cond3A = arith.constant 0 : i32
      %cond3A_139 = arith.cmpi ne, %convert_element_type3A, %cond3A : i32
      scf.if %cond3A_139 {
        %add3A_234 = arith.constant 2 : i32
        %add3A_235 = arith.addi %add3A_129, %add3A_234 : i32
        %mul3A_236 = arith.constant 160 : i32
        %mul3A_237 = arith.muli %add3A_235, %mul3A_236 : i32
        %add3A_238 = arith.addi %add3A, %mul3A_237 : i32
        %dma_start3A_239 = arith.constant 0 : i32
        %dma_start3A_240 = tpu.memref_slice %arg3[%add3A_238] : memref<327680xi32, #tpu.memory_space<hbm>> -> memref<160xi32, #tpu.memory_space<hbm>>
        %dma_start3A_241 = tpu.memref_slice %arg18[%dma_start3A_239] : memref<2x!tpu.dma_semaphore, #tpu.memory_space<semaphore_mem>> -> memref<1x!tpu.dma_semaphore, #tpu.memory_space<semaphore_mem>>
        %dma_start3A_242 = tpu.memref_squeeze %dma_start3A_241 : memref<1x!tpu.dma_semaphore, #tpu.memory_space<semaphore_mem>> -> memref<!tpu.dma_semaphore, #tpu.memory_space<semaphore_mem>>
        %dma_start3A_243 = tpu.memref_slice %arg3[%add3A_238] : memref<327680xi32, #tpu.memory_space<hbm>> -> memref<160xi32, #tpu.memory_space<hbm>>
        tpu.enqueue_dma source(%dma_start3A_243 : memref<160xi32, #tpu.memory_space<hbm>>) target(%arg9 : memref<160xi32, #tpu.memory_space<vmem>>) target_semaphore(%dma_start3A_242 : memref<!tpu.dma_semaphore, #tpu.memory_space<semaphore_mem>>)
      } else {
      }
      %ge3A = arith.constant 2 : i32
      %ge3A_140 = arith.cmpi sge, %add3A_129, %ge3A : i32
      %convert_element_type3A_141 = arith.extui %ge3A_140 : i1 to i32
      %cond3A_142 = arith.constant 0 : i32
      %cond3A_143 = arith.cmpi ne, %convert_element_type3A_141, %cond3A_142 : i32
      scf.if %cond3A_143 {
        %dma_wait3A_234 = arith.constant 0 : i32
        %dma_wait3A_235 = tpu.memref_slice %arg4[%add3A] : memref<327680xi32, #tpu.memory_space<hbm>> -> memref<160xi32, #tpu.memory_space<hbm>>
        %dma_wait3A_236 = tpu.memref_slice %arg19[%dma_wait3A_234] : memref<2x!tpu.dma_semaphore, #tpu.memory_space<semaphore_mem>> -> memref<1x!tpu.dma_semaphore, #tpu.memory_space<semaphore_mem>>
        %dma_wait3A_237 = tpu.memref_squeeze %dma_wait3A_236 : memref<1x!tpu.dma_semaphore, #tpu.memory_space<semaphore_mem>> -> memref<!tpu.dma_semaphore, #tpu.memory_space<semaphore_mem>>
        %dma_wait3A_238 = tpu.memref_slice %arg4[%add3A] : memref<327680xi32, #tpu.memory_space<hbm>> -> memref<160xi32, #tpu.memory_space<hbm>>
        tpu.wait_dma2 semaphore(%dma_wait3A_237 : memref<!tpu.dma_semaphore, #tpu.memory_space<semaphore_mem>>) src(%dma_wait3A_238 : memref<160xi32, #tpu.memory_space<hbm>>) dst(%arg11 : memref<160xi32, #tpu.memory_space<vmem>>)
      } else {
      }
      %dma_start3A_144 = arith.constant 0 : i32
      %dma_start3A_145 = arith.constant 0 : i32
      %dma_start3A_146 = arith.constant 0 : i32
      %dma_start3A_147 = tpu.memref_slice %arg16[%dma_start3A_145, %dma_start3A_146] : memref<10240x128xf32, #tpu.memory_space<vmem_shared>> -> memref<10240x128xf32, #tpu.memory_space<vmem_shared>>
      %dma_start3A_148 = tpu.memref_slice %arg21[%dma_start3A_144] : memref<2x!tpu.dma_semaphore, #tpu.memory_space<semaphore_mem>> -> memref<1x!tpu.dma_semaphore, #tpu.memory_space<semaphore_mem>>
      %dma_start3A_149 = tpu.memref_squeeze %dma_start3A_148 : memref<1x!tpu.dma_semaphore, #tpu.memory_space<semaphore_mem>> -> memref<!tpu.dma_semaphore, #tpu.memory_space<semaphore_mem>>
      tpu.enqueue_indirect_dma source(%arg13 : memref<160x128xf32, #tpu.memory_space<vmem>>) target(%dma_start3A_147 : memref<10240x128xf32, #tpu.memory_space<vmem_shared>>) offsets(%arg11 : memref<160xi32, #tpu.memory_space<vmem>>) semaphore(%dma_start3A_149 : memref<!tpu.dma_semaphore, #tpu.memory_space<semaphore_mem>>) {add = true}
      %dma_start3A_150 = arith.constant 0 : i32
      %dma_start3A_151 = tpu.memref_slice %arg17[%dma_start3A_150] : memref<10240xf32, #tpu.memory_space<vmem_shared>> -> memref<10240xf32, #tpu.memory_space<vmem_shared>>
      tpu.enqueue_indirect_dma source(%arg15 : memref<160xf32, #tpu.memory_space<vmem>>) target(%dma_start3A_151 : memref<10240xf32, #tpu.memory_space<vmem_shared>>) offsets(%arg11 : memref<160xi32, #tpu.memory_space<vmem>>) semaphore(%arg22 : memref<!tpu.dma_semaphore, #tpu.memory_space<semaphore_mem>>) {add = true}
      %gt3A = arith.constant 0 : i32
      %gt3A_152 = arith.cmpi sgt, %add3A_129, %gt3A : i32
      %convert_element_type3A_153 = arith.extui %gt3A_152 : i1 to i32
      %cond3A_154 = arith.constant 0 : i32
      %cond3A_155 = arith.cmpi ne, %convert_element_type3A_153, %cond3A_154 : i32
      scf.if %cond3A_155 {
        %dma_wait3A_234 = arith.constant 0 : i32
        %dma_wait3A_235 = tpu.memref_slice %arg17[%dma_wait3A_234] : memref<10240xf32, #tpu.memory_space<vmem_shared>> -> memref<10240xf32, #tpu.memory_space<vmem_shared>>
        tpu.wait_indirect_dma semaphore(%arg22 : memref<!tpu.dma_semaphore, #tpu.memory_space<semaphore_mem>>) src(%arg15 : memref<160xf32, #tpu.memory_space<vmem>>) dst(%dma_wait3A_235 : memref<10240xf32, #tpu.memory_space<vmem_shared>>)
      } else {
      }
      %ge3A_156 = arith.constant 1 : i32
      %ge3A_157 = arith.cmpi sge, %add3A_129, %ge3A_156 : i32
      %convert_element_type3A_158 = arith.extui %ge3A_157 : i1 to i32
      %cond3A_159 = arith.constant 0 : i32
      %cond3A_160 = arith.cmpi ne, %convert_element_type3A_158, %cond3A_159 : i32
      scf.if %cond3A_160 {
        %dma_wait3A_234 = arith.constant 1 : i32
        %dma_wait3A_235 = arith.constant 0 : i32
        %dma_wait3A_236 = arith.constant 0 : i32
        %dma_wait3A_237 = tpu.memref_slice %arg16[%dma_wait3A_235, %dma_wait3A_236] : memref<10240x128xf32, #tpu.memory_space<vmem_shared>> -> memref<10240x128xf32, #tpu.memory_space<vmem_shared>>
        %dma_wait3A_238 = tpu.memref_slice %arg21[%dma_wait3A_234] : memref<2x!tpu.dma_semaphore, #tpu.memory_space<semaphore_mem>> -> memref<1x!tpu.dma_semaphore, #tpu.memory_space<semaphore_mem>>
        %dma_wait3A_239 = tpu.memref_squeeze %dma_wait3A_238 : memref<1x!tpu.dma_semaphore, #tpu.memory_space<semaphore_mem>> -> memref<!tpu.dma_semaphore, #tpu.memory_space<semaphore_mem>>
        tpu.wait_indirect_dma semaphore(%dma_wait3A_239 : memref<!tpu.dma_semaphore, #tpu.memory_space<semaphore_mem>>) src(%arg14 : memref<160x128xf32, #tpu.memory_space<vmem>>) dst(%dma_wait3A_237 : memref<10240x128xf32, #tpu.memory_space<vmem_shared>>)
      } else {
      }
      %ge3A_161 = arith.constant 1 : i32
      %ge3A_162 = arith.cmpi sge, %add3A_129, %ge3A_161 : i32
      %add3A_163 = arith.constant 1 : i32
      %add3A_164 = arith.addi %add3A_129, %add3A_163 : i32
      %lt3A_165 = arith.constant 64 : i32
      %lt3A_166 = arith.cmpi slt, %add3A_164, %lt3A_165 : i32
      %and3A = arith.andi %ge3A_162, %lt3A_166 : i1
      %convert_element_type3A_167 = arith.extui %and3A : i1 to i32
      %cond3A_168 = arith.constant 0 : i32
      %cond3A_169 = arith.cmpi ne, %convert_element_type3A_167, %cond3A_168 : i32
      scf.if %cond3A_169 {
        %add3A_234 = arith.constant 1 : i32
        %add3A_235 = arith.addi %add3A_129, %add3A_234 : i32
        %mul3A_236 = arith.constant 160 : i32
        %mul3A_237 = arith.muli %add3A_235, %mul3A_236 : i32
        %add3A_238 = arith.addi %add3A, %mul3A_237 : i32
        %dma_start3A_239 = arith.constant 1 : i32
        %dma_start3A_240 = tpu.memref_slice %arg4[%add3A_238] : memref<327680xi32, #tpu.memory_space<hbm>> -> memref<160xi32, #tpu.memory_space<hbm>>
        %dma_start3A_241 = tpu.memref_slice %arg19[%dma_start3A_239] : memref<2x!tpu.dma_semaphore, #tpu.memory_space<semaphore_mem>> -> memref<1x!tpu.dma_semaphore, #tpu.memory_space<semaphore_mem>>
        %dma_start3A_242 = tpu.memref_squeeze %dma_start3A_241 : memref<1x!tpu.dma_semaphore, #tpu.memory_space<semaphore_mem>> -> memref<!tpu.dma_semaphore, #tpu.memory_space<semaphore_mem>>
        %dma_start3A_243 = tpu.memref_slice %arg4[%add3A_238] : memref<327680xi32, #tpu.memory_space<hbm>> -> memref<160xi32, #tpu.memory_space<hbm>>
        tpu.enqueue_dma source(%dma_start3A_243 : memref<160xi32, #tpu.memory_space<hbm>>) target(%arg12 : memref<160xi32, #tpu.memory_space<vmem>>) target_semaphore(%dma_start3A_242 : memref<!tpu.dma_semaphore, #tpu.memory_space<semaphore_mem>>)
      } else {
      }
      %add3A_170 = arith.constant 1 : i32
      %add3A_171 = arith.addi %add3A_129, %add3A_170 : i32
      %lt3A_172 = arith.constant 64 : i32
      %lt3A_173 = arith.cmpi slt, %add3A_171, %lt3A_172 : i32
      %convert_element_type3A_174 = arith.extui %lt3A_173 : i1 to i32
      %cond3A_175 = arith.constant 0 : i32
      %cond3A_176 = arith.cmpi ne, %convert_element_type3A_174, %cond3A_175 : i32
      scf.if %cond3A_176 {
        %ge3A_234 = arith.constant 1 : i32
        %ge3A_235 = arith.cmpi sge, %add3A_129, %ge3A_234 : i32
        %convert_element_type3A_236 = arith.extui %ge3A_235 : i1 to i32
        %cond3A_237 = arith.constant 0 : i32
        %cond3A_238 = arith.cmpi ne, %convert_element_type3A_236, %cond3A_237 : i32
        scf.if %cond3A_238 {
          %dma_wait3A_245 = arith.constant 1 : i32
          %dma_wait3A_246 = tpu.memref_slice %arg3[%add3A] : memref<327680xi32, #tpu.memory_space<hbm>> -> memref<160xi32, #tpu.memory_space<hbm>>
          %dma_wait3A_247 = tpu.memref_slice %arg18[%dma_wait3A_245] : memref<2x!tpu.dma_semaphore, #tpu.memory_space<semaphore_mem>> -> memref<1x!tpu.dma_semaphore, #tpu.memory_space<semaphore_mem>>
          %dma_wait3A_248 = tpu.memref_squeeze %dma_wait3A_247 : memref<1x!tpu.dma_semaphore, #tpu.memory_space<semaphore_mem>> -> memref<!tpu.dma_semaphore, #tpu.memory_space<semaphore_mem>>
          %dma_wait3A_249 = tpu.memref_slice %arg3[%add3A] : memref<327680xi32, #tpu.memory_space<hbm>> -> memref<160xi32, #tpu.memory_space<hbm>>
          tpu.wait_dma2 semaphore(%dma_wait3A_248 : memref<!tpu.dma_semaphore, #tpu.memory_space<semaphore_mem>>) src(%dma_wait3A_249 : memref<160xi32, #tpu.memory_space<hbm>>) dst(%arg10 : memref<160xi32, #tpu.memory_space<vmem>>)
        } else {
        }
        %dma_start3A_239 = arith.constant 1 : i32
        %dma_start3A_240 = arith.constant 0 : i32
        %dma_start3A_241 = arith.constant 0 : i32
        %dma_start3A_242 = tpu.memref_slice %arg2[%dma_start3A_240, %dma_start3A_241] : memref<10240x128xf32, #tpu.memory_space<hbm>> -> memref<10240x128xf32, #tpu.memory_space<hbm>>
        %dma_start3A_243 = tpu.memref_slice %arg20[%dma_start3A_239] : memref<2x!tpu.dma_semaphore, #tpu.memory_space<semaphore_mem>> -> memref<1x!tpu.dma_semaphore, #tpu.memory_space<semaphore_mem>>
        %dma_start3A_244 = tpu.memref_squeeze %dma_start3A_243 : memref<1x!tpu.dma_semaphore, #tpu.memory_space<semaphore_mem>> -> memref<!tpu.dma_semaphore, #tpu.memory_space<semaphore_mem>>
        tpu.enqueue_indirect_dma source(%dma_start3A_242 : memref<10240x128xf32, #tpu.memory_space<hbm>>) target(%arg14 : memref<160x128xf32, #tpu.memory_space<vmem>>) offsets(%arg10 : memref<160xi32, #tpu.memory_space<vmem>>) semaphore(%dma_start3A_244 : memref<!tpu.dma_semaphore, #tpu.memory_space<semaphore_mem>>)
      } else {
      }
      %mul3A_177 = arith.constant 2 : i32
      %mul3A_178 = arith.muli %mul3A_177, %scan3A_125 : i32
      %add3A_179 = arith.constant 1 : i32
      %add3A_180 = arith.addi %mul3A_178, %add3A_179 : i32
      %dma_wait3A_181 = arith.constant 1 : i32
      %dma_wait3A_182 = arith.constant 0 : i32
      %dma_wait3A_183 = arith.constant 0 : i32
      %dma_wait3A_184 = tpu.memref_slice %arg2[%dma_wait3A_182, %dma_wait3A_183] : memref<10240x128xf32, #tpu.memory_space<hbm>> -> memref<10240x128xf32, #tpu.memory_space<hbm>>
      %dma_wait3A_185 = tpu.memref_slice %arg20[%dma_wait3A_181] : memref<2x!tpu.dma_semaphore, #tpu.memory_space<semaphore_mem>> -> memref<1x!tpu.dma_semaphore, #tpu.memory_space<semaphore_mem>>
      %dma_wait3A_186 = tpu.memref_squeeze %dma_wait3A_185 : memref<1x!tpu.dma_semaphore, #tpu.memory_space<semaphore_mem>> -> memref<!tpu.dma_semaphore, #tpu.memory_space<semaphore_mem>>
      tpu.wait_indirect_dma semaphore(%dma_wait3A_186 : memref<!tpu.dma_semaphore, #tpu.memory_space<semaphore_mem>>) src(%dma_wait3A_184 : memref<10240x128xf32, #tpu.memory_space<hbm>>) dst(%arg14 : memref<160x128xf32, #tpu.memory_space<vmem>>)
      %add3A_187 = arith.constant 2 : i32
      %add3A_188 = arith.addi %add3A_180, %add3A_187 : i32
      %lt3A_189 = arith.constant 64 : i32
      %lt3A_190 = arith.cmpi slt, %add3A_188, %lt3A_189 : i32
      %convert_element_type3A_191 = arith.extui %lt3A_190 : i1 to i32
      %cond3A_192 = arith.constant 0 : i32
      %cond3A_193 = arith.cmpi ne, %convert_element_type3A_191, %cond3A_192 : i32
      scf.if %cond3A_193 {
        %add3A_234 = arith.constant 2 : i32
        %add3A_235 = arith.addi %add3A_180, %add3A_234 : i32
        %mul3A_236 = arith.constant 160 : i32
        %mul3A_237 = arith.muli %add3A_235, %mul3A_236 : i32
        %add3A_238 = arith.addi %add3A, %mul3A_237 : i32
        %dma_start3A_239 = arith.constant 1 : i32
        %dma_start3A_240 = tpu.memref_slice %arg3[%add3A_238] : memref<327680xi32, #tpu.memory_space<hbm>> -> memref<160xi32, #tpu.memory_space<hbm>>
        %dma_start3A_241 = tpu.memref_slice %arg18[%dma_start3A_239] : memref<2x!tpu.dma_semaphore, #tpu.memory_space<semaphore_mem>> -> memref<1x!tpu.dma_semaphore, #tpu.memory_space<semaphore_mem>>
        %dma_start3A_242 = tpu.memref_squeeze %dma_start3A_241 : memref<1x!tpu.dma_semaphore, #tpu.memory_space<semaphore_mem>> -> memref<!tpu.dma_semaphore, #tpu.memory_space<semaphore_mem>>
        %dma_start3A_243 = tpu.memref_slice %arg3[%add3A_238] : memref<327680xi32, #tpu.memory_space<hbm>> -> memref<160xi32, #tpu.memory_space<hbm>>
        tpu.enqueue_dma source(%dma_start3A_243 : memref<160xi32, #tpu.memory_space<hbm>>) target(%arg10 : memref<160xi32, #tpu.memory_space<vmem>>) target_semaphore(%dma_start3A_242 : memref<!tpu.dma_semaphore, #tpu.memory_space<semaphore_mem>>)
      } else {
      }
      %ge3A_194 = arith.constant 2 : i32
      %ge3A_195 = arith.cmpi sge, %add3A_180, %ge3A_194 : i32
      %convert_element_type3A_196 = arith.extui %ge3A_195 : i1 to i32
      %cond3A_197 = arith.constant 0 : i32
      %cond3A_198 = arith.cmpi ne, %convert_element_type3A_196, %cond3A_197 : i32
      scf.if %cond3A_198 {
        %dma_wait3A_234 = arith.constant 1 : i32
        %dma_wait3A_235 = tpu.memref_slice %arg4[%add3A] : memref<327680xi32, #tpu.memory_space<hbm>> -> memref<160xi32, #tpu.memory_space<hbm>>
        %dma_wait3A_236 = tpu.memref_slice %arg19[%dma_wait3A_234] : memref<2x!tpu.dma_semaphore, #tpu.memory_space<semaphore_mem>> -> memref<1x!tpu.dma_semaphore, #tpu.memory_space<semaphore_mem>>
        %dma_wait3A_237 = tpu.memref_squeeze %dma_wait3A_236 : memref<1x!tpu.dma_semaphore, #tpu.memory_space<semaphore_mem>> -> memref<!tpu.dma_semaphore, #tpu.memory_space<semaphore_mem>>
        %dma_wait3A_238 = tpu.memref_slice %arg4[%add3A] : memref<327680xi32, #tpu.memory_space<hbm>> -> memref<160xi32, #tpu.memory_space<hbm>>
        tpu.wait_dma2 semaphore(%dma_wait3A_237 : memref<!tpu.dma_semaphore, #tpu.memory_space<semaphore_mem>>) src(%dma_wait3A_238 : memref<160xi32, #tpu.memory_space<hbm>>) dst(%arg12 : memref<160xi32, #tpu.memory_space<vmem>>)
      } else {
      }
      %dma_start3A_199 = arith.constant 1 : i32
      %dma_start3A_200 = arith.constant 0 : i32
      %dma_start3A_201 = arith.constant 0 : i32
      %dma_start3A_202 = tpu.memref_slice %arg16[%dma_start3A_200, %dma_start3A_201] : memref<10240x128xf32, #tpu.memory_space<vmem_shared>> -> memref<10240x128xf32, #tpu.memory_space<vmem_shared>>
      %dma_start3A_203 = tpu.memref_slice %arg21[%dma_start3A_199] : memref<2x!tpu.dma_semaphore, #tpu.memory_space<semaphore_mem>> -> memref<1x!tpu.dma_semaphore, #tpu.memory_space<semaphore_mem>>
      %dma_start3A_204 = tpu.memref_squeeze %dma_start3A_203 : memref<1x!tpu.dma_semaphore, #tpu.memory_space<semaphore_mem>> -> memref<!tpu.dma_semaphore, #tpu.memory_space<semaphore_mem>>
      tpu.enqueue_indirect_dma source(%arg14 : memref<160x128xf32, #tpu.memory_space<vmem>>) target(%dma_start3A_202 : memref<10240x128xf32, #tpu.memory_space<vmem_shared>>) offsets(%arg12 : memref<160xi32, #tpu.memory_space<vmem>>) semaphore(%dma_start3A_204 : memref<!tpu.dma_semaphore, #tpu.memory_space<semaphore_mem>>) {add = true}
      %dma_start3A_205 = arith.constant 0 : i32
      %dma_start3A_206 = tpu.memref_slice %arg17[%dma_start3A_205] : memref<10240xf32, #tpu.memory_space<vmem_shared>> -> memref<10240xf32, #tpu.memory_space<vmem_shared>>
      tpu.enqueue_indirect_dma source(%arg15 : memref<160xf32, #tpu.memory_space<vmem>>) target(%dma_start3A_206 : memref<10240xf32, #tpu.memory_space<vmem_shared>>) offsets(%arg12 : memref<160xi32, #tpu.memory_space<vmem>>) semaphore(%arg22 : memref<!tpu.dma_semaphore, #tpu.memory_space<semaphore_mem>>) {add = true}
      %gt3A_207 = arith.constant 0 : i32
      %gt3A_208 = arith.cmpi sgt, %add3A_180, %gt3A_207 : i32
      %convert_element_type3A_209 = arith.extui %gt3A_208 : i1 to i32
      %cond3A_210 = arith.constant 0 : i32
      %cond3A_211 = arith.cmpi ne, %convert_element_type3A_209, %cond3A_210 : i32
      scf.if %cond3A_211 {
        %dma_wait3A_234 = arith.constant 0 : i32
        %dma_wait3A_235 = tpu.memref_slice %arg17[%dma_wait3A_234] : memref<10240xf32, #tpu.memory_space<vmem_shared>> -> memref<10240xf32, #tpu.memory_space<vmem_shared>>
        tpu.wait_indirect_dma semaphore(%arg22 : memref<!tpu.dma_semaphore, #tpu.memory_space<semaphore_mem>>) src(%arg15 : memref<160xf32, #tpu.memory_space<vmem>>) dst(%dma_wait3A_235 : memref<10240xf32, #tpu.memory_space<vmem_shared>>)
      } else {
      }
      %ge3A_212 = arith.constant 1 : i32
      %ge3A_213 = arith.cmpi sge, %add3A_180, %ge3A_212 : i32
      %convert_element_type3A_214 = arith.extui %ge3A_213 : i1 to i32
      %cond3A_215 = arith.constant 0 : i32
      %cond3A_216 = arith.cmpi ne, %convert_element_type3A_214, %cond3A_215 : i32
      scf.if %cond3A_216 {
        %dma_wait3A_234 = arith.constant 0 : i32
        %dma_wait3A_235 = arith.constant 0 : i32
        %dma_wait3A_236 = arith.constant 0 : i32
        %dma_wait3A_237 = tpu.memref_slice %arg16[%dma_wait3A_235, %dma_wait3A_236] : memref<10240x128xf32, #tpu.memory_space<vmem_shared>> -> memref<10240x128xf32, #tpu.memory_space<vmem_shared>>
        %dma_wait3A_238 = tpu.memref_slice %arg21[%dma_wait3A_234] : memref<2x!tpu.dma_semaphore, #tpu.memory_space<semaphore_mem>> -> memref<1x!tpu.dma_semaphore, #tpu.memory_space<semaphore_mem>>
        %dma_wait3A_239 = tpu.memref_squeeze %dma_wait3A_238 : memref<1x!tpu.dma_semaphore, #tpu.memory_space<semaphore_mem>> -> memref<!tpu.dma_semaphore, #tpu.memory_space<semaphore_mem>>
        tpu.wait_indirect_dma semaphore(%dma_wait3A_239 : memref<!tpu.dma_semaphore, #tpu.memory_space<semaphore_mem>>) src(%arg13 : memref<160x128xf32, #tpu.memory_space<vmem>>) dst(%dma_wait3A_237 : memref<10240x128xf32, #tpu.memory_space<vmem_shared>>)
      } else {
      }
      %ge3A_217 = arith.constant 1 : i32
      %ge3A_218 = arith.cmpi sge, %add3A_180, %ge3A_217 : i32
      %add3A_219 = arith.constant 1 : i32
      %add3A_220 = arith.addi %add3A_180, %add3A_219 : i32
      %lt3A_221 = arith.constant 64 : i32
      %lt3A_222 = arith.cmpi slt, %add3A_220, %lt3A_221 : i32
      %and3A_223 = arith.andi %ge3A_218, %lt3A_222 : i1
      %convert_element_type3A_224 = arith.extui %and3A_223 : i1 to i32
      %cond3A_225 = arith.constant 0 : i32
      %cond3A_226 = arith.cmpi ne, %convert_element_type3A_224, %cond3A_225 : i32
      scf.if %cond3A_226 {
        %add3A_234 = arith.constant 1 : i32
        %add3A_235 = arith.addi %add3A_180, %add3A_234 : i32
        %mul3A_236 = arith.constant 160 : i32
        %mul3A_237 = arith.muli %add3A_235, %mul3A_236 : i32
        %add3A_238 = arith.addi %add3A, %mul3A_237 : i32
        %dma_start3A_239 = arith.constant 0 : i32
        %dma_start3A_240 = tpu.memref_slice %arg4[%add3A_238] : memref<327680xi32, #tpu.memory_space<hbm>> -> memref<160xi32, #tpu.memory_space<hbm>>
        %dma_start3A_241 = tpu.memref_slice %arg19[%dma_start3A_239] : memref<2x!tpu.dma_semaphore, #tpu.memory_space<semaphore_mem>> -> memref<1x!tpu.dma_semaphore, #tpu.memory_space<semaphore_mem>>
        %dma_start3A_242 = tpu.memref_squeeze %dma_start3A_241 : memref<1x!tpu.dma_semaphore, #tpu.memory_space<semaphore_mem>> -> memref<!tpu.dma_semaphore, #tpu.memory_space<semaphore_mem>>
        %dma_start3A_243 = tpu.memref_slice %arg4[%add3A_238] : memref<327680xi32, #tpu.memory_space<hbm>> -> memref<160xi32, #tpu.memory_space<hbm>>
        tpu.enqueue_dma source(%dma_start3A_243 : memref<160xi32, #tpu.memory_space<hbm>>) target(%arg11 : memref<160xi32, #tpu.memory_space<vmem>>) target_semaphore(%dma_start3A_242 : memref<!tpu.dma_semaphore, #tpu.memory_space<semaphore_mem>>)
      } else {
      }
      %add3A_227 = arith.constant 1 : i32
      %add3A_228 = arith.addi %add3A_180, %add3A_227 : i32
      %lt3A_229 = arith.constant 64 : i32
      %lt3A_230 = arith.cmpi slt, %add3A_228, %lt3A_229 : i32
      %convert_element_type3A_231 = arith.extui %lt3A_230 : i1 to i32
      %cond3A_232 = arith.constant 0 : i32
      %cond3A_233 = arith.cmpi ne, %convert_element_type3A_231, %cond3A_232 : i32
      scf.if %cond3A_233 {
        %ge3A_234 = arith.constant 1 : i32
        %ge3A_235 = arith.cmpi sge, %add3A_180, %ge3A_234 : i32
        %convert_element_type3A_236 = arith.extui %ge3A_235 : i1 to i32
        %cond3A_237 = arith.constant 0 : i32
        %cond3A_238 = arith.cmpi ne, %convert_element_type3A_236, %cond3A_237 : i32
        scf.if %cond3A_238 {
          %dma_wait3A_245 = arith.constant 0 : i32
          %dma_wait3A_246 = tpu.memref_slice %arg3[%add3A] : memref<327680xi32, #tpu.memory_space<hbm>> -> memref<160xi32, #tpu.memory_space<hbm>>
          %dma_wait3A_247 = tpu.memref_slice %arg18[%dma_wait3A_245] : memref<2x!tpu.dma_semaphore, #tpu.memory_space<semaphore_mem>> -> memref<1x!tpu.dma_semaphore, #tpu.memory_space<semaphore_mem>>
          %dma_wait3A_248 = tpu.memref_squeeze %dma_wait3A_247 : memref<1x!tpu.dma_semaphore, #tpu.memory_space<semaphore_mem>> -> memref<!tpu.dma_semaphore, #tpu.memory_space<semaphore_mem>>
          %dma_wait3A_249 = tpu.memref_slice %arg3[%add3A] : memref<327680xi32, #tpu.memory_space<hbm>> -> memref<160xi32, #tpu.memory_space<hbm>>
          tpu.wait_dma2 semaphore(%dma_wait3A_248 : memref<!tpu.dma_semaphore, #tpu.memory_space<semaphore_mem>>) src(%dma_wait3A_249 : memref<160xi32, #tpu.memory_space<hbm>>) dst(%arg9 : memref<160xi32, #tpu.memory_space<vmem>>)
        } else {
        }
        %dma_start3A_239 = arith.constant 0 : i32
        %dma_start3A_240 = arith.constant 0 : i32
        %dma_start3A_241 = arith.constant 0 : i32
        %dma_start3A_242 = tpu.memref_slice %arg2[%dma_start3A_240, %dma_start3A_241] : memref<10240x128xf32, #tpu.memory_space<hbm>> -> memref<10240x128xf32, #tpu.memory_space<hbm>>
        %dma_start3A_243 = tpu.memref_slice %arg20[%dma_start3A_239] : memref<2x!tpu.dma_semaphore, #tpu.memory_space<semaphore_mem>> -> memref<1x!tpu.dma_semaphore, #tpu.memory_space<semaphore_mem>>
        %dma_start3A_244 = tpu.memref_squeeze %dma_start3A_243 : memref<1x!tpu.dma_semaphore, #tpu.memory_space<semaphore_mem>> -> memref<!tpu.dma_semaphore, #tpu.memory_space<semaphore_mem>>
        tpu.enqueue_indirect_dma source(%dma_start3A_242 : memref<10240x128xf32, #tpu.memory_space<hbm>>) target(%arg13 : memref<160x128xf32, #tpu.memory_space<vmem>>) offsets(%arg9 : memref<160xi32, #tpu.memory_space<vmem>>) semaphore(%dma_start3A_244 : memref<!tpu.dma_semaphore, #tpu.memory_space<semaphore_mem>>)
      } else {
      }
    }
    %scan3A_107 = arith.constant 32 : i32
    %dma_wait3A_108 = arith.constant 1 : i32
    %dma_wait3A_109 = arith.constant 0 : i32
    %dma_wait3A_110 = arith.constant 0 : i32
    %dma_wait3A_111 = tpu.memref_slice %arg16[%dma_wait3A_109, %dma_wait3A_110] : memref<10240x128xf32, #tpu.memory_space<vmem_shared>> -> memref<10240x128xf32, #tpu.memory_space<vmem_shared>>
    %dma_wait3A_112 = tpu.memref_slice %arg21[%dma_wait3A_108] : memref<2x!tpu.dma_semaphore, #tpu.memory_space<semaphore_mem>> -> memref<1x!tpu.dma_semaphore, #tpu.memory_space<semaphore_mem>>
    %dma_wait3A_113 = tpu.memref_squeeze %dma_wait3A_112 : memref<1x!tpu.dma_semaphore, #tpu.memory_space<semaphore_mem>> -> memref<!tpu.dma_semaphore, #tpu.memory_space<semaphore_mem>>
    tpu.wait_indirect_dma semaphore(%dma_wait3A_113 : memref<!tpu.dma_semaphore, #tpu.memory_space<semaphore_mem>>) src(%arg14 : memref<160x128xf32, #tpu.memory_space<vmem>>) dst(%dma_wait3A_111 : memref<10240x128xf32, #tpu.memory_space<vmem_shared>>)
    %dma_wait3A_114 = arith.constant 0 : i32
    %dma_wait3A_115 = tpu.memref_slice %arg17[%dma_wait3A_114] : memref<10240xf32, #tpu.memory_space<vmem_shared>> -> memref<10240xf32, #tpu.memory_space<vmem_shared>>
    tpu.wait_indirect_dma semaphore(%arg22 : memref<!tpu.dma_semaphore, #tpu.memory_space<semaphore_mem>>) src(%arg15 : memref<160xf32, #tpu.memory_space<vmem>>) dst(%dma_wait3A_115 : memref<10240xf32, #tpu.memory_space<vmem_shared>>)
    %barrier3A_116 = arith.constant 0 : index
    tpu.barrier barrier_id(%barrier3A_116)
    %mul3A_117 = arith.constant 640 : i32
    %mul3A_118 = arith.muli %arg1, %mul3A_117 : i32
    %mul3A_119 = arith.constant 640 : i32
    %mul3A_120 = arith.muli %arg1, %mul3A_119 : i32
    "tpu.region"() ({
      %run_scoped3A = tpu.sem_alloc : memref<!tpu.dma_semaphore, #tpu.memory_space<semaphore_mem>>
      %dma_start3A_125 = arith.constant 0 : i32
      %dma_start3A_126 = tpu.memref_slice %arg7[%arg0, %mul3A_120, %dma_start3A_125] : memref<2x10240x128xf32, #tpu.memory_space<hbm>> -> memref<1x640x128xf32, #tpu.memory_space<hbm>>
      %dma_start3A_127 = tpu.memref_squeeze %dma_start3A_126 : memref<1x640x128xf32, #tpu.memory_space<hbm>> -> memref<640x128xf32, #tpu.memory_space<hbm>>
      %dma_start3A_128 = arith.constant 0 : i32
      %dma_start3A_129 = tpu.memref_slice %arg16[%mul3A_118, %dma_start3A_128] : memref<10240x128xf32, #tpu.memory_space<vmem_shared>> -> memref<640x128xf32, #tpu.memory_space<vmem_shared>>
      tpu.enqueue_dma source(%dma_start3A_129 : memref<640x128xf32, #tpu.memory_space<vmem_shared>>) target(%dma_start3A_127 : memref<640x128xf32, #tpu.memory_space<hbm>>) target_semaphore(%run_scoped3A : memref<!tpu.dma_semaphore, #tpu.memory_space<semaphore_mem>>)
      %dma_wait3A_130 = arith.constant 0 : i32
      %dma_wait3A_131 = tpu.memref_slice %arg7[%arg0, %mul3A_120, %dma_wait3A_130] : memref<2x10240x128xf32, #tpu.memory_space<hbm>> -> memref<1x640x128xf32, #tpu.memory_space<hbm>>
      %dma_wait3A_132 = tpu.memref_squeeze %dma_wait3A_131 : memref<1x640x128xf32, #tpu.memory_space<hbm>> -> memref<640x128xf32, #tpu.memory_space<hbm>>
      %dma_wait3A_133 = arith.constant 0 : i32
      %dma_wait3A_134 = tpu.memref_slice %arg16[%mul3A_118, %dma_wait3A_133] : memref<10240x128xf32, #tpu.memory_space<vmem_shared>> -> memref<640x128xf32, #tpu.memory_space<vmem_shared>>
      tpu.wait_dma2 semaphore(%run_scoped3A : memref<!tpu.dma_semaphore, #tpu.memory_space<semaphore_mem>>) src(%dma_wait3A_134 : memref<640x128xf32, #tpu.memory_space<vmem_shared>>) dst(%dma_wait3A_132 : memref<640x128xf32, #tpu.memory_space<hbm>>)
      tpu.yield
    }) : () -> ()
    %mul3A_121 = arith.constant 640 : i32
    %mul3A_122 = arith.muli %arg1, %mul3A_121 : i32
    %mul3A_123 = arith.constant 640 : i32
    %mul3A_124 = arith.muli %arg1, %mul3A_123 : i32
    "tpu.region"() ({
      %run_scoped3A = tpu.sem_alloc : memref<!tpu.dma_semaphore, #tpu.memory_space<semaphore_mem>>
      %dma_start3A_125 = tpu.memref_slice %arg8[%arg0, %mul3A_124] : memref<2x10240xf32, #tpu.memory_space<hbm>> -> memref<1x640xf32, #tpu.memory_space<hbm>>
      %dma_start3A_126 = tpu.memref_squeeze %dma_start3A_125 : memref<1x640xf32, #tpu.memory_space<hbm>> -> memref<640xf32, #tpu.memory_space<hbm>>
      %dma_start3A_127 = tpu.memref_slice %arg17[%mul3A_122] : memref<10240xf32, #tpu.memory_space<vmem_shared>> -> memref<640xf32, #tpu.memory_space<vmem_shared>>
      tpu.enqueue_dma source(%dma_start3A_127 : memref<640xf32, #tpu.memory_space<vmem_shared>>) target(%dma_start3A_126 : memref<640xf32, #tpu.memory_space<hbm>>) target_semaphore(%run_scoped3A : memref<!tpu.dma_semaphore, #tpu.memory_space<semaphore_mem>>)
      %dma_wait3A_128 = tpu.memref_slice %arg8[%arg0, %mul3A_124] : memref<2x10240xf32, #tpu.memory_space<hbm>> -> memref<1x640xf32, #tpu.memory_space<hbm>>
      %dma_wait3A_129 = tpu.memref_squeeze %dma_wait3A_128 : memref<1x640xf32, #tpu.memory_space<hbm>> -> memref<640xf32, #tpu.memory_space<hbm>>
      %dma_wait3A_130 = tpu.memref_slice %arg17[%mul3A_122] : memref<10240xf32, #tpu.memory_space<vmem_shared>> -> memref<640xf32, #tpu.memory_space<vmem_shared>>
      tpu.wait_dma2 semaphore(%run_scoped3A : memref<!tpu.dma_semaphore, #tpu.memory_space<semaphore_mem>>) src(%dma_wait3A_130 : memref<640xf32, #tpu.memory_space<vmem_shared>>) dst(%dma_wait3A_129 : memref<640xf32, #tpu.memory_space<hbm>>)
      tpu.yield
    }) : () -> ()
    return
  }
}

#map = affine_map<(d0, d1) -> (0, 0)>
#map1 = affine_map<(d0, d1) -> (0)>
#map2 = affine_map<(d0, d1) -> (0, 0, 0)>
module attributes {stable_mosaic.version = 14 : i64} {
  func.func @_sc_agg1(%arg0: i32, %arg1: i32, %arg2: memref<20480x128xf32, #tpu.memory_space<hbm>>, %arg3: memref<655360xi32, #tpu.memory_space<hbm>>, %arg4: memref<327680xi32, #tpu.memory_space<hbm>>, %arg5: memref<10240x128xf32, #tpu.memory_space<hbm>>, %arg6: memref<2x10240x128xf32, #tpu.memory_space<hbm>>, %arg7: memref<160xi32, #tpu.memory_space<vmem>>, %arg8: memref<160xi32, #tpu.memory_space<vmem>>, %arg9: memref<160xi32, #tpu.memory_space<vmem>>, %arg10: memref<160xi32, #tpu.memory_space<vmem>>, %arg11: memref<160x128xf32, #tpu.memory_space<vmem>>, %arg12: memref<160x128xf32, #tpu.memory_space<vmem>>, %arg13: memref<10240x128xf32, #tpu.memory_space<vmem_shared>>, %arg14: memref<2x!tpu.dma_semaphore, #tpu.memory_space<semaphore_mem>>, %arg15: memref<2x!tpu.dma_semaphore, #tpu.memory_space<semaphore_mem>>, %arg16: memref<2x!tpu.dma_semaphore, #tpu.memory_space<semaphore_mem>>, %arg17: memref<2x!tpu.dma_semaphore, #tpu.memory_space<semaphore_mem>>) attributes {dimension_semantics = [#tpu.dimension_semantics<core_parallel>, #tpu.dimension_semantics<subcore_parallel>], iteration_bounds = array<i64: 2, 16>, scalar_prefetch = 0 : i64, scratch_operands = 11 : i64, tpu.core_type = #tpu.core_type<sc_vector_subcore>, window_params = [{transform_indices = #map}, {transform_indices = #map1}, {transform_indices = #map1}, {transform_indices = #map}, {transform_indices = #map2}]} {
    %mul3A = arith.constant 640 : i32
    %mul3A_0 = arith.muli %arg1, %mul3A : i32
    %mul3A_1 = arith.constant 640 : i32
    %mul3A_2 = arith.muli %arg1, %mul3A_1 : i32
    %dma_start3A = arith.constant 0 : i32
    %dma_start3A_3 = tpu.memref_slice %arg17[%dma_start3A] : memref<2x!tpu.dma_semaphore, #tpu.memory_space<semaphore_mem>> -> memref<1x!tpu.dma_semaphore, #tpu.memory_space<semaphore_mem>>
    %dma_start3A_4 = tpu.memref_squeeze %dma_start3A_3 : memref<1x!tpu.dma_semaphore, #tpu.memory_space<semaphore_mem>> -> memref<!tpu.dma_semaphore, #tpu.memory_space<semaphore_mem>>
    %dma_start3A_5 = arith.constant 0 : i32
    %dma_start3A_6 = tpu.memref_slice %arg13[%mul3A_2, %dma_start3A_5] : memref<10240x128xf32, #tpu.memory_space<vmem_shared>> -> memref<640x128xf32, #tpu.memory_space<vmem_shared>>
    %dma_start3A_7 = arith.constant 0 : i32
    %dma_start3A_8 = tpu.memref_slice %arg5[%mul3A_0, %dma_start3A_7] : memref<10240x128xf32, #tpu.memory_space<hbm>> -> memref<640x128xf32, #tpu.memory_space<hbm>>
    tpu.enqueue_dma source(%dma_start3A_8 : memref<640x128xf32, #tpu.memory_space<hbm>>) target(%dma_start3A_6 : memref<640x128xf32, #tpu.memory_space<vmem_shared>>) target_semaphore(%dma_start3A_4 : memref<!tpu.dma_semaphore, #tpu.memory_space<semaphore_mem>>)
    %mul3A_9 = arith.constant 327680 : i32
    %mul3A_10 = arith.muli %arg0, %mul3A_9 : i32
    %mul3A_11 = arith.constant 20480 : i32
    %mul3A_12 = arith.muli %arg1, %mul3A_11 : i32
    %add3A = arith.addi %mul3A_10, %mul3A_12 : i32
    %mul3A_13 = arith.constant 20480 : i32
    %mul3A_14 = arith.muli %arg1, %mul3A_13 : i32
    "tpu.region"() ({
      %run_scoped3A = tpu.sem_alloc : memref<!tpu.dma_semaphore, #tpu.memory_space<semaphore_mem>>
      %dma_start3A_51 = tpu.memref_slice %arg3[%add3A] : memref<655360xi32, #tpu.memory_space<hbm>> -> memref<160xi32, #tpu.memory_space<hbm>>
      %dma_start3A_52 = tpu.memref_slice %arg3[%add3A] : memref<655360xi32, #tpu.memory_space<hbm>> -> memref<160xi32, #tpu.memory_space<hbm>>
      tpu.enqueue_dma source(%dma_start3A_52 : memref<160xi32, #tpu.memory_space<hbm>>) target(%arg7 : memref<160xi32, #tpu.memory_space<vmem>>) target_semaphore(%run_scoped3A : memref<!tpu.dma_semaphore, #tpu.memory_space<semaphore_mem>>)
      %dma_wait3A_53 = tpu.memref_slice %arg3[%add3A] : memref<655360xi32, #tpu.memory_space<hbm>> -> memref<160xi32, #tpu.memory_space<hbm>>
      %dma_wait3A_54 = tpu.memref_slice %arg3[%add3A] : memref<655360xi32, #tpu.memory_space<hbm>> -> memref<160xi32, #tpu.memory_space<hbm>>
      tpu.wait_dma2 semaphore(%run_scoped3A : memref<!tpu.dma_semaphore, #tpu.memory_space<semaphore_mem>>) src(%dma_wait3A_54 : memref<160xi32, #tpu.memory_space<hbm>>) dst(%arg7 : memref<160xi32, #tpu.memory_space<vmem>>)
      tpu.yield
    }) : () -> ()
    "tpu.region"() ({
      %run_scoped3A = tpu.sem_alloc : memref<!tpu.dma_semaphore, #tpu.memory_space<semaphore_mem>>
      %dma_start3A_51 = tpu.memref_slice %arg4[%mul3A_14] : memref<327680xi32, #tpu.memory_space<hbm>> -> memref<160xi32, #tpu.memory_space<hbm>>
      %dma_start3A_52 = tpu.memref_slice %arg4[%mul3A_14] : memref<327680xi32, #tpu.memory_space<hbm>> -> memref<160xi32, #tpu.memory_space<hbm>>
      tpu.enqueue_dma source(%dma_start3A_52 : memref<160xi32, #tpu.memory_space<hbm>>) target(%arg9 : memref<160xi32, #tpu.memory_space<vmem>>) target_semaphore(%run_scoped3A : memref<!tpu.dma_semaphore, #tpu.memory_space<semaphore_mem>>)
      %dma_wait3A_53 = tpu.memref_slice %arg4[%mul3A_14] : memref<327680xi32, #tpu.memory_space<hbm>> -> memref<160xi32, #tpu.memory_space<hbm>>
      %dma_wait3A_54 = tpu.memref_slice %arg4[%mul3A_14] : memref<327680xi32, #tpu.memory_space<hbm>> -> memref<160xi32, #tpu.memory_space<hbm>>
      tpu.wait_dma2 semaphore(%run_scoped3A : memref<!tpu.dma_semaphore, #tpu.memory_space<semaphore_mem>>) src(%dma_wait3A_54 : memref<160xi32, #tpu.memory_space<hbm>>) dst(%arg9 : memref<160xi32, #tpu.memory_space<vmem>>)
      tpu.yield
    }) : () -> ()
    %add3A_15 = arith.constant 160 : i32
    %add3A_16 = arith.addi %add3A, %add3A_15 : i32
    "tpu.region"() ({
      %run_scoped3A = tpu.sem_alloc : memref<!tpu.dma_semaphore, #tpu.memory_space<semaphore_mem>>
      %dma_start3A_51 = tpu.memref_slice %arg3[%add3A_16] : memref<655360xi32, #tpu.memory_space<hbm>> -> memref<160xi32, #tpu.memory_space<hbm>>
      %dma_start3A_52 = tpu.memref_slice %arg3[%add3A_16] : memref<655360xi32, #tpu.memory_space<hbm>> -> memref<160xi32, #tpu.memory_space<hbm>>
      tpu.enqueue_dma source(%dma_start3A_52 : memref<160xi32, #tpu.memory_space<hbm>>) target(%arg8 : memref<160xi32, #tpu.memory_space<vmem>>) target_semaphore(%run_scoped3A : memref<!tpu.dma_semaphore, #tpu.memory_space<semaphore_mem>>)
      %dma_wait3A_53 = tpu.memref_slice %arg3[%add3A_16] : memref<655360xi32, #tpu.memory_space<hbm>> -> memref<160xi32, #tpu.memory_space<hbm>>
      %dma_wait3A_54 = tpu.memref_slice %arg3[%add3A_16] : memref<655360xi32, #tpu.memory_space<hbm>> -> memref<160xi32, #tpu.memory_space<hbm>>
      tpu.wait_dma2 semaphore(%run_scoped3A : memref<!tpu.dma_semaphore, #tpu.memory_space<semaphore_mem>>) src(%dma_wait3A_54 : memref<160xi32, #tpu.memory_space<hbm>>) dst(%arg8 : memref<160xi32, #tpu.memory_space<vmem>>)
      tpu.yield
    }) : () -> ()
    %add3A_17 = arith.constant 160 : i32
    %add3A_18 = arith.addi %mul3A_14, %add3A_17 : i32
    "tpu.region"() ({
      %run_scoped3A = tpu.sem_alloc : memref<!tpu.dma_semaphore, #tpu.memory_space<semaphore_mem>>
      %dma_start3A_51 = tpu.memref_slice %arg4[%add3A_18] : memref<327680xi32, #tpu.memory_space<hbm>> -> memref<160xi32, #tpu.memory_space<hbm>>
      %dma_start3A_52 = tpu.memref_slice %arg4[%add3A_18] : memref<327680xi32, #tpu.memory_space<hbm>> -> memref<160xi32, #tpu.memory_space<hbm>>
      tpu.enqueue_dma source(%dma_start3A_52 : memref<160xi32, #tpu.memory_space<hbm>>) target(%arg10 : memref<160xi32, #tpu.memory_space<vmem>>) target_semaphore(%run_scoped3A : memref<!tpu.dma_semaphore, #tpu.memory_space<semaphore_mem>>)
      %dma_wait3A_53 = tpu.memref_slice %arg4[%add3A_18] : memref<327680xi32, #tpu.memory_space<hbm>> -> memref<160xi32, #tpu.memory_space<hbm>>
      %dma_wait3A_54 = tpu.memref_slice %arg4[%add3A_18] : memref<327680xi32, #tpu.memory_space<hbm>> -> memref<160xi32, #tpu.memory_space<hbm>>
      tpu.wait_dma2 semaphore(%run_scoped3A : memref<!tpu.dma_semaphore, #tpu.memory_space<semaphore_mem>>) src(%dma_wait3A_54 : memref<160xi32, #tpu.memory_space<hbm>>) dst(%arg10 : memref<160xi32, #tpu.memory_space<vmem>>)
      tpu.yield
    }) : () -> ()
    %dma_start3A_19 = arith.constant 0 : i32
    %dma_start3A_20 = arith.constant 0 : i32
    %dma_start3A_21 = arith.constant 0 : i32
    %dma_start3A_22 = tpu.memref_slice %arg2[%dma_start3A_20, %dma_start3A_21] : memref<20480x128xf32, #tpu.memory_space<hbm>> -> memref<20480x128xf32, #tpu.memory_space<hbm>>
    %dma_start3A_23 = tpu.memref_slice %arg16[%dma_start3A_19] : memref<2x!tpu.dma_semaphore, #tpu.memory_space<semaphore_mem>> -> memref<1x!tpu.dma_semaphore, #tpu.memory_space<semaphore_mem>>
    %dma_start3A_24 = tpu.memref_squeeze %dma_start3A_23 : memref<1x!tpu.dma_semaphore, #tpu.memory_space<semaphore_mem>> -> memref<!tpu.dma_semaphore, #tpu.memory_space<semaphore_mem>>
    tpu.enqueue_indirect_dma source(%dma_start3A_22 : memref<20480x128xf32, #tpu.memory_space<hbm>>) target(%arg11 : memref<160x128xf32, #tpu.memory_space<vmem>>) offsets(%arg7 : memref<160xi32, #tpu.memory_space<vmem>>) semaphore(%dma_start3A_24 : memref<!tpu.dma_semaphore, #tpu.memory_space<semaphore_mem>>)
    %mul3A_25 = arith.constant 640 : i32
    %mul3A_26 = arith.muli %arg1, %mul3A_25 : i32
    %mul3A_27 = arith.constant 640 : i32
    %mul3A_28 = arith.muli %arg1, %mul3A_27 : i32
    %dma_wait3A = arith.constant 0 : i32
    %dma_wait3A_29 = tpu.memref_slice %arg17[%dma_wait3A] : memref<2x!tpu.dma_semaphore, #tpu.memory_space<semaphore_mem>> -> memref<1x!tpu.dma_semaphore, #tpu.memory_space<semaphore_mem>>
    %dma_wait3A_30 = tpu.memref_squeeze %dma_wait3A_29 : memref<1x!tpu.dma_semaphore, #tpu.memory_space<semaphore_mem>> -> memref<!tpu.dma_semaphore, #tpu.memory_space<semaphore_mem>>
    %dma_wait3A_31 = arith.constant 0 : i32
    %dma_wait3A_32 = tpu.memref_slice %arg13[%mul3A_28, %dma_wait3A_31] : memref<10240x128xf32, #tpu.memory_space<vmem_shared>> -> memref<640x128xf32, #tpu.memory_space<vmem_shared>>
    %dma_wait3A_33 = arith.constant 0 : i32
    %dma_wait3A_34 = tpu.memref_slice %arg5[%mul3A_26, %dma_wait3A_33] : memref<10240x128xf32, #tpu.memory_space<hbm>> -> memref<640x128xf32, #tpu.memory_space<hbm>>
    tpu.wait_dma2 semaphore(%dma_wait3A_30 : memref<!tpu.dma_semaphore, #tpu.memory_space<semaphore_mem>>) src(%dma_wait3A_34 : memref<640x128xf32, #tpu.memory_space<hbm>>) dst(%dma_wait3A_32 : memref<640x128xf32, #tpu.memory_space<vmem_shared>>)
    %barrier3A = arith.constant 0 : index
    tpu.barrier barrier_id(%barrier3A)
    %scan3A = arith.constant 0 : i32
    %scan3A_35 = arith.constant 0 : i32
    %scan3A_36 = arith.constant 64 : i32
    %scan3A_37 = arith.addi %scan3A_35, %scan3A_36 : i32
    %scan3A_38 = arith.constant 1 : i32
    scf.for %scan3A_51 = %scan3A_35 to %scan3A_37 step %scan3A_38  : i32 {
      %mul3A_52 = arith.constant 2 : i32
      %mul3A_53 = arith.muli %mul3A_52, %scan3A_51 : i32
      %add3A_54 = arith.constant 0 : i32
      %add3A_55 = arith.addi %mul3A_53, %add3A_54 : i32
      %dma_wait3A_56 = arith.constant 0 : i32
      %dma_wait3A_57 = arith.constant 0 : i32
      %dma_wait3A_58 = arith.constant 0 : i32
      %dma_wait3A_59 = tpu.memref_slice %arg2[%dma_wait3A_57, %dma_wait3A_58] : memref<20480x128xf32, #tpu.memory_space<hbm>> -> memref<20480x128xf32, #tpu.memory_space<hbm>>
      %dma_wait3A_60 = tpu.memref_slice %arg16[%dma_wait3A_56] : memref<2x!tpu.dma_semaphore, #tpu.memory_space<semaphore_mem>> -> memref<1x!tpu.dma_semaphore, #tpu.memory_space<semaphore_mem>>
      %dma_wait3A_61 = tpu.memref_squeeze %dma_wait3A_60 : memref<1x!tpu.dma_semaphore, #tpu.memory_space<semaphore_mem>> -> memref<!tpu.dma_semaphore, #tpu.memory_space<semaphore_mem>>
      tpu.wait_indirect_dma semaphore(%dma_wait3A_61 : memref<!tpu.dma_semaphore, #tpu.memory_space<semaphore_mem>>) src(%dma_wait3A_59 : memref<20480x128xf32, #tpu.memory_space<hbm>>) dst(%arg11 : memref<160x128xf32, #tpu.memory_space<vmem>>)
      %add3A_62 = arith.constant 2 : i32
      %add3A_63 = arith.addi %add3A_55, %add3A_62 : i32
      %lt3A = arith.constant 128 : i32
      %lt3A_64 = arith.cmpi slt, %add3A_63, %lt3A : i32
      %convert_element_type3A = arith.extui %lt3A_64 : i1 to i32
      %cond3A = arith.constant 0 : i32
      %cond3A_65 = arith.cmpi ne, %convert_element_type3A, %cond3A : i32
      scf.if %cond3A_65 {
        %add3A_147 = arith.constant 2 : i32
        %add3A_148 = arith.addi %add3A_55, %add3A_147 : i32
        %mul3A_149 = arith.constant 160 : i32
        %mul3A_150 = arith.muli %add3A_148, %mul3A_149 : i32
        %add3A_151 = arith.addi %add3A, %mul3A_150 : i32
        %dma_start3A_152 = arith.constant 0 : i32
        %dma_start3A_153 = tpu.memref_slice %arg3[%add3A_151] : memref<655360xi32, #tpu.memory_space<hbm>> -> memref<160xi32, #tpu.memory_space<hbm>>
        %dma_start3A_154 = tpu.memref_slice %arg14[%dma_start3A_152] : memref<2x!tpu.dma_semaphore, #tpu.memory_space<semaphore_mem>> -> memref<1x!tpu.dma_semaphore, #tpu.memory_space<semaphore_mem>>
        %dma_start3A_155 = tpu.memref_squeeze %dma_start3A_154 : memref<1x!tpu.dma_semaphore, #tpu.memory_space<semaphore_mem>> -> memref<!tpu.dma_semaphore, #tpu.memory_space<semaphore_mem>>
        %dma_start3A_156 = tpu.memref_slice %arg3[%add3A_151] : memref<655360xi32, #tpu.memory_space<hbm>> -> memref<160xi32, #tpu.memory_space<hbm>>
        tpu.enqueue_dma source(%dma_start3A_156 : memref<160xi32, #tpu.memory_space<hbm>>) target(%arg7 : memref<160xi32, #tpu.memory_space<vmem>>) target_semaphore(%dma_start3A_155 : memref<!tpu.dma_semaphore, #tpu.memory_space<semaphore_mem>>)
      } else {
      }
      %ge3A = arith.constant 2 : i32
      %ge3A_66 = arith.cmpi sge, %add3A_55, %ge3A : i32
      %convert_element_type3A_67 = arith.extui %ge3A_66 : i1 to i32
      %cond3A_68 = arith.constant 0 : i32
      %cond3A_69 = arith.cmpi ne, %convert_element_type3A_67, %cond3A_68 : i32
      scf.if %cond3A_69 {
        %dma_wait3A_147 = arith.constant 0 : i32
        %dma_wait3A_148 = tpu.memref_slice %arg4[%mul3A_14] : memref<327680xi32, #tpu.memory_space<hbm>> -> memref<160xi32, #tpu.memory_space<hbm>>
        %dma_wait3A_149 = tpu.memref_slice %arg15[%dma_wait3A_147] : memref<2x!tpu.dma_semaphore, #tpu.memory_space<semaphore_mem>> -> memref<1x!tpu.dma_semaphore, #tpu.memory_space<semaphore_mem>>
        %dma_wait3A_150 = tpu.memref_squeeze %dma_wait3A_149 : memref<1x!tpu.dma_semaphore, #tpu.memory_space<semaphore_mem>> -> memref<!tpu.dma_semaphore, #tpu.memory_space<semaphore_mem>>
        %dma_wait3A_151 = tpu.memref_slice %arg4[%mul3A_14] : memref<327680xi32, #tpu.memory_space<hbm>> -> memref<160xi32, #tpu.memory_space<hbm>>
        tpu.wait_dma2 semaphore(%dma_wait3A_150 : memref<!tpu.dma_semaphore, #tpu.memory_space<semaphore_mem>>) src(%dma_wait3A_151 : memref<160xi32, #tpu.memory_space<hbm>>) dst(%arg9 : memref<160xi32, #tpu.memory_space<vmem>>)
      } else {
      }
      %dma_start3A_70 = arith.constant 0 : i32
      %dma_start3A_71 = arith.constant 0 : i32
      %dma_start3A_72 = arith.constant 0 : i32
      %dma_start3A_73 = tpu.memref_slice %arg13[%dma_start3A_71, %dma_start3A_72] : memref<10240x128xf32, #tpu.memory_space<vmem_shared>> -> memref<10240x128xf32, #tpu.memory_space<vmem_shared>>
      %dma_start3A_74 = tpu.memref_slice %arg17[%dma_start3A_70] : memref<2x!tpu.dma_semaphore, #tpu.memory_space<semaphore_mem>> -> memref<1x!tpu.dma_semaphore, #tpu.memory_space<semaphore_mem>>
      %dma_start3A_75 = tpu.memref_squeeze %dma_start3A_74 : memref<1x!tpu.dma_semaphore, #tpu.memory_space<semaphore_mem>> -> memref<!tpu.dma_semaphore, #tpu.memory_space<semaphore_mem>>
      tpu.enqueue_indirect_dma source(%arg11 : memref<160x128xf32, #tpu.memory_space<vmem>>) target(%dma_start3A_73 : memref<10240x128xf32, #tpu.memory_space<vmem_shared>>) offsets(%arg9 : memref<160xi32, #tpu.memory_space<vmem>>) semaphore(%dma_start3A_75 : memref<!tpu.dma_semaphore, #tpu.memory_space<semaphore_mem>>) {add = true}
      %ge3A_76 = arith.constant 1 : i32
      %ge3A_77 = arith.cmpi sge, %add3A_55, %ge3A_76 : i32
      %convert_element_type3A_78 = arith.extui %ge3A_77 : i1 to i32
      %cond3A_79 = arith.constant 0 : i32
      %cond3A_80 = arith.cmpi ne, %convert_element_type3A_78, %cond3A_79 : i32
      scf.if %cond3A_80 {
        %dma_wait3A_147 = arith.constant 1 : i32
        %dma_wait3A_148 = arith.constant 0 : i32
        %dma_wait3A_149 = arith.constant 0 : i32
        %dma_wait3A_150 = tpu.memref_slice %arg13[%dma_wait3A_148, %dma_wait3A_149] : memref<10240x128xf32, #tpu.memory_space<vmem_shared>> -> memref<10240x128xf32, #tpu.memory_space<vmem_shared>>
        %dma_wait3A_151 = tpu.memref_slice %arg17[%dma_wait3A_147] : memref<2x!tpu.dma_semaphore, #tpu.memory_space<semaphore_mem>> -> memref<1x!tpu.dma_semaphore, #tpu.memory_space<semaphore_mem>>
        %dma_wait3A_152 = tpu.memref_squeeze %dma_wait3A_151 : memref<1x!tpu.dma_semaphore, #tpu.memory_space<semaphore_mem>> -> memref<!tpu.dma_semaphore, #tpu.memory_space<semaphore_mem>>
        tpu.wait_indirect_dma semaphore(%dma_wait3A_152 : memref<!tpu.dma_semaphore, #tpu.memory_space<semaphore_mem>>) src(%arg12 : memref<160x128xf32, #tpu.memory_space<vmem>>) dst(%dma_wait3A_150 : memref<10240x128xf32, #tpu.memory_space<vmem_shared>>)
      } else {
      }
      %ge3A_81 = arith.constant 1 : i32
      %ge3A_82 = arith.cmpi sge, %add3A_55, %ge3A_81 : i32
      %add3A_83 = arith.constant 1 : i32
      %add3A_84 = arith.addi %add3A_55, %add3A_83 : i32
      %lt3A_85 = arith.constant 128 : i32
      %lt3A_86 = arith.cmpi slt, %add3A_84, %lt3A_85 : i32
      %and3A = arith.andi %ge3A_82, %lt3A_86 : i1
      %convert_element_type3A_87 = arith.extui %and3A : i1 to i32
      %cond3A_88 = arith.constant 0 : i32
      %cond3A_89 = arith.cmpi ne, %convert_element_type3A_87, %cond3A_88 : i32
      scf.if %cond3A_89 {
        %add3A_147 = arith.constant 1 : i32
        %add3A_148 = arith.addi %add3A_55, %add3A_147 : i32
        %mul3A_149 = arith.constant 160 : i32
        %mul3A_150 = arith.muli %add3A_148, %mul3A_149 : i32
        %add3A_151 = arith.addi %mul3A_14, %mul3A_150 : i32
        %dma_start3A_152 = arith.constant 1 : i32
        %dma_start3A_153 = tpu.memref_slice %arg4[%add3A_151] : memref<327680xi32, #tpu.memory_space<hbm>> -> memref<160xi32, #tpu.memory_space<hbm>>
        %dma_start3A_154 = tpu.memref_slice %arg15[%dma_start3A_152] : memref<2x!tpu.dma_semaphore, #tpu.memory_space<semaphore_mem>> -> memref<1x!tpu.dma_semaphore, #tpu.memory_space<semaphore_mem>>
        %dma_start3A_155 = tpu.memref_squeeze %dma_start3A_154 : memref<1x!tpu.dma_semaphore, #tpu.memory_space<semaphore_mem>> -> memref<!tpu.dma_semaphore, #tpu.memory_space<semaphore_mem>>
        %dma_start3A_156 = tpu.memref_slice %arg4[%add3A_151] : memref<327680xi32, #tpu.memory_space<hbm>> -> memref<160xi32, #tpu.memory_space<hbm>>
        tpu.enqueue_dma source(%dma_start3A_156 : memref<160xi32, #tpu.memory_space<hbm>>) target(%arg10 : memref<160xi32, #tpu.memory_space<vmem>>) target_semaphore(%dma_start3A_155 : memref<!tpu.dma_semaphore, #tpu.memory_space<semaphore_mem>>)
      } else {
      }
      %add3A_90 = arith.constant 1 : i32
      %add3A_91 = arith.addi %add3A_55, %add3A_90 : i32
      %lt3A_92 = arith.constant 128 : i32
      %lt3A_93 = arith.cmpi slt, %add3A_91, %lt3A_92 : i32
      %convert_element_type3A_94 = arith.extui %lt3A_93 : i1 to i32
      %cond3A_95 = arith.constant 0 : i32
      %cond3A_96 = arith.cmpi ne, %convert_element_type3A_94, %cond3A_95 : i32
      scf.if %cond3A_96 {
        %ge3A_147 = arith.constant 1 : i32
        %ge3A_148 = arith.cmpi sge, %add3A_55, %ge3A_147 : i32
        %convert_element_type3A_149 = arith.extui %ge3A_148 : i1 to i32
        %cond3A_150 = arith.constant 0 : i32
        %cond3A_151 = arith.cmpi ne, %convert_element_type3A_149, %cond3A_150 : i32
        scf.if %cond3A_151 {
          %dma_wait3A_158 = arith.constant 1 : i32
          %dma_wait3A_159 = tpu.memref_slice %arg3[%add3A] : memref<655360xi32, #tpu.memory_space<hbm>> -> memref<160xi32, #tpu.memory_space<hbm>>
          %dma_wait3A_160 = tpu.memref_slice %arg14[%dma_wait3A_158] : memref<2x!tpu.dma_semaphore, #tpu.memory_space<semaphore_mem>> -> memref<1x!tpu.dma_semaphore, #tpu.memory_space<semaphore_mem>>
          %dma_wait3A_161 = tpu.memref_squeeze %dma_wait3A_160 : memref<1x!tpu.dma_semaphore, #tpu.memory_space<semaphore_mem>> -> memref<!tpu.dma_semaphore, #tpu.memory_space<semaphore_mem>>
          %dma_wait3A_162 = tpu.memref_slice %arg3[%add3A] : memref<655360xi32, #tpu.memory_space<hbm>> -> memref<160xi32, #tpu.memory_space<hbm>>
          tpu.wait_dma2 semaphore(%dma_wait3A_161 : memref<!tpu.dma_semaphore, #tpu.memory_space<semaphore_mem>>) src(%dma_wait3A_162 : memref<160xi32, #tpu.memory_space<hbm>>) dst(%arg8 : memref<160xi32, #tpu.memory_space<vmem>>)
        } else {
        }
        %dma_start3A_152 = arith.constant 1 : i32
        %dma_start3A_153 = arith.constant 0 : i32
        %dma_start3A_154 = arith.constant 0 : i32
        %dma_start3A_155 = tpu.memref_slice %arg2[%dma_start3A_153, %dma_start3A_154] : memref<20480x128xf32, #tpu.memory_space<hbm>> -> memref<20480x128xf32, #tpu.memory_space<hbm>>
        %dma_start3A_156 = tpu.memref_slice %arg16[%dma_start3A_152] : memref<2x!tpu.dma_semaphore, #tpu.memory_space<semaphore_mem>> -> memref<1x!tpu.dma_semaphore, #tpu.memory_space<semaphore_mem>>
        %dma_start3A_157 = tpu.memref_squeeze %dma_start3A_156 : memref<1x!tpu.dma_semaphore, #tpu.memory_space<semaphore_mem>> -> memref<!tpu.dma_semaphore, #tpu.memory_space<semaphore_mem>>
        tpu.enqueue_indirect_dma source(%dma_start3A_155 : memref<20480x128xf32, #tpu.memory_space<hbm>>) target(%arg12 : memref<160x128xf32, #tpu.memory_space<vmem>>) offsets(%arg8 : memref<160xi32, #tpu.memory_space<vmem>>) semaphore(%dma_start3A_157 : memref<!tpu.dma_semaphore, #tpu.memory_space<semaphore_mem>>)
      } else {
      }
      %mul3A_97 = arith.constant 2 : i32
      %mul3A_98 = arith.muli %mul3A_97, %scan3A_51 : i32
      %add3A_99 = arith.constant 1 : i32
      %add3A_100 = arith.addi %mul3A_98, %add3A_99 : i32
      %dma_wait3A_101 = arith.constant 1 : i32
      %dma_wait3A_102 = arith.constant 0 : i32
      %dma_wait3A_103 = arith.constant 0 : i32
      %dma_wait3A_104 = tpu.memref_slice %arg2[%dma_wait3A_102, %dma_wait3A_103] : memref<20480x128xf32, #tpu.memory_space<hbm>> -> memref<20480x128xf32, #tpu.memory_space<hbm>>
      %dma_wait3A_105 = tpu.memref_slice %arg16[%dma_wait3A_101] : memref<2x!tpu.dma_semaphore, #tpu.memory_space<semaphore_mem>> -> memref<1x!tpu.dma_semaphore, #tpu.memory_space<semaphore_mem>>
      %dma_wait3A_106 = tpu.memref_squeeze %dma_wait3A_105 : memref<1x!tpu.dma_semaphore, #tpu.memory_space<semaphore_mem>> -> memref<!tpu.dma_semaphore, #tpu.memory_space<semaphore_mem>>
      tpu.wait_indirect_dma semaphore(%dma_wait3A_106 : memref<!tpu.dma_semaphore, #tpu.memory_space<semaphore_mem>>) src(%dma_wait3A_104 : memref<20480x128xf32, #tpu.memory_space<hbm>>) dst(%arg12 : memref<160x128xf32, #tpu.memory_space<vmem>>)
      %add3A_107 = arith.constant 2 : i32
      %add3A_108 = arith.addi %add3A_100, %add3A_107 : i32
      %lt3A_109 = arith.constant 128 : i32
      %lt3A_110 = arith.cmpi slt, %add3A_108, %lt3A_109 : i32
      %convert_element_type3A_111 = arith.extui %lt3A_110 : i1 to i32
      %cond3A_112 = arith.constant 0 : i32
      %cond3A_113 = arith.cmpi ne, %convert_element_type3A_111, %cond3A_112 : i32
      scf.if %cond3A_113 {
        %add3A_147 = arith.constant 2 : i32
        %add3A_148 = arith.addi %add3A_100, %add3A_147 : i32
        %mul3A_149 = arith.constant 160 : i32
        %mul3A_150 = arith.muli %add3A_148, %mul3A_149 : i32
        %add3A_151 = arith.addi %add3A, %mul3A_150 : i32
        %dma_start3A_152 = arith.constant 1 : i32
        %dma_start3A_153 = tpu.memref_slice %arg3[%add3A_151] : memref<655360xi32, #tpu.memory_space<hbm>> -> memref<160xi32, #tpu.memory_space<hbm>>
        %dma_start3A_154 = tpu.memref_slice %arg14[%dma_start3A_152] : memref<2x!tpu.dma_semaphore, #tpu.memory_space<semaphore_mem>> -> memref<1x!tpu.dma_semaphore, #tpu.memory_space<semaphore_mem>>
        %dma_start3A_155 = tpu.memref_squeeze %dma_start3A_154 : memref<1x!tpu.dma_semaphore, #tpu.memory_space<semaphore_mem>> -> memref<!tpu.dma_semaphore, #tpu.memory_space<semaphore_mem>>
        %dma_start3A_156 = tpu.memref_slice %arg3[%add3A_151] : memref<655360xi32, #tpu.memory_space<hbm>> -> memref<160xi32, #tpu.memory_space<hbm>>
        tpu.enqueue_dma source(%dma_start3A_156 : memref<160xi32, #tpu.memory_space<hbm>>) target(%arg8 : memref<160xi32, #tpu.memory_space<vmem>>) target_semaphore(%dma_start3A_155 : memref<!tpu.dma_semaphore, #tpu.memory_space<semaphore_mem>>)
      } else {
      }
      %ge3A_114 = arith.constant 2 : i32
      %ge3A_115 = arith.cmpi sge, %add3A_100, %ge3A_114 : i32
      %convert_element_type3A_116 = arith.extui %ge3A_115 : i1 to i32
      %cond3A_117 = arith.constant 0 : i32
      %cond3A_118 = arith.cmpi ne, %convert_element_type3A_116, %cond3A_117 : i32
      scf.if %cond3A_118 {
        %dma_wait3A_147 = arith.constant 1 : i32
        %dma_wait3A_148 = tpu.memref_slice %arg4[%mul3A_14] : memref<327680xi32, #tpu.memory_space<hbm>> -> memref<160xi32, #tpu.memory_space<hbm>>
        %dma_wait3A_149 = tpu.memref_slice %arg15[%dma_wait3A_147] : memref<2x!tpu.dma_semaphore, #tpu.memory_space<semaphore_mem>> -> memref<1x!tpu.dma_semaphore, #tpu.memory_space<semaphore_mem>>
        %dma_wait3A_150 = tpu.memref_squeeze %dma_wait3A_149 : memref<1x!tpu.dma_semaphore, #tpu.memory_space<semaphore_mem>> -> memref<!tpu.dma_semaphore, #tpu.memory_space<semaphore_mem>>
        %dma_wait3A_151 = tpu.memref_slice %arg4[%mul3A_14] : memref<327680xi32, #tpu.memory_space<hbm>> -> memref<160xi32, #tpu.memory_space<hbm>>
        tpu.wait_dma2 semaphore(%dma_wait3A_150 : memref<!tpu.dma_semaphore, #tpu.memory_space<semaphore_mem>>) src(%dma_wait3A_151 : memref<160xi32, #tpu.memory_space<hbm>>) dst(%arg10 : memref<160xi32, #tpu.memory_space<vmem>>)
      } else {
      }
      %dma_start3A_119 = arith.constant 1 : i32
      %dma_start3A_120 = arith.constant 0 : i32
      %dma_start3A_121 = arith.constant 0 : i32
      %dma_start3A_122 = tpu.memref_slice %arg13[%dma_start3A_120, %dma_start3A_121] : memref<10240x128xf32, #tpu.memory_space<vmem_shared>> -> memref<10240x128xf32, #tpu.memory_space<vmem_shared>>
      %dma_start3A_123 = tpu.memref_slice %arg17[%dma_start3A_119] : memref<2x!tpu.dma_semaphore, #tpu.memory_space<semaphore_mem>> -> memref<1x!tpu.dma_semaphore, #tpu.memory_space<semaphore_mem>>
      %dma_start3A_124 = tpu.memref_squeeze %dma_start3A_123 : memref<1x!tpu.dma_semaphore, #tpu.memory_space<semaphore_mem>> -> memref<!tpu.dma_semaphore, #tpu.memory_space<semaphore_mem>>
      tpu.enqueue_indirect_dma source(%arg12 : memref<160x128xf32, #tpu.memory_space<vmem>>) target(%dma_start3A_122 : memref<10240x128xf32, #tpu.memory_space<vmem_shared>>) offsets(%arg10 : memref<160xi32, #tpu.memory_space<vmem>>) semaphore(%dma_start3A_124 : memref<!tpu.dma_semaphore, #tpu.memory_space<semaphore_mem>>) {add = true}
      %ge3A_125 = arith.constant 1 : i32
      %ge3A_126 = arith.cmpi sge, %add3A_100, %ge3A_125 : i32
      %convert_element_type3A_127 = arith.extui %ge3A_126 : i1 to i32
      %cond3A_128 = arith.constant 0 : i32
      %cond3A_129 = arith.cmpi ne, %convert_element_type3A_127, %cond3A_128 : i32
      scf.if %cond3A_129 {
        %dma_wait3A_147 = arith.constant 0 : i32
        %dma_wait3A_148 = arith.constant 0 : i32
        %dma_wait3A_149 = arith.constant 0 : i32
        %dma_wait3A_150 = tpu.memref_slice %arg13[%dma_wait3A_148, %dma_wait3A_149] : memref<10240x128xf32, #tpu.memory_space<vmem_shared>> -> memref<10240x128xf32, #tpu.memory_space<vmem_shared>>
        %dma_wait3A_151 = tpu.memref_slice %arg17[%dma_wait3A_147] : memref<2x!tpu.dma_semaphore, #tpu.memory_space<semaphore_mem>> -> memref<1x!tpu.dma_semaphore, #tpu.memory_space<semaphore_mem>>
        %dma_wait3A_152 = tpu.memref_squeeze %dma_wait3A_151 : memref<1x!tpu.dma_semaphore, #tpu.memory_space<semaphore_mem>> -> memref<!tpu.dma_semaphore, #tpu.memory_space<semaphore_mem>>
        tpu.wait_indirect_dma semaphore(%dma_wait3A_152 : memref<!tpu.dma_semaphore, #tpu.memory_space<semaphore_mem>>) src(%arg11 : memref<160x128xf32, #tpu.memory_space<vmem>>) dst(%dma_wait3A_150 : memref<10240x128xf32, #tpu.memory_space<vmem_shared>>)
      } else {
      }
      %ge3A_130 = arith.constant 1 : i32
      %ge3A_131 = arith.cmpi sge, %add3A_100, %ge3A_130 : i32
      %add3A_132 = arith.constant 1 : i32
      %add3A_133 = arith.addi %add3A_100, %add3A_132 : i32
      %lt3A_134 = arith.constant 128 : i32
      %lt3A_135 = arith.cmpi slt, %add3A_133, %lt3A_134 : i32
      %and3A_136 = arith.andi %ge3A_131, %lt3A_135 : i1
      %convert_element_type3A_137 = arith.extui %and3A_136 : i1 to i32
      %cond3A_138 = arith.constant 0 : i32
      %cond3A_139 = arith.cmpi ne, %convert_element_type3A_137, %cond3A_138 : i32
      scf.if %cond3A_139 {
        %add3A_147 = arith.constant 1 : i32
        %add3A_148 = arith.addi %add3A_100, %add3A_147 : i32
        %mul3A_149 = arith.constant 160 : i32
        %mul3A_150 = arith.muli %add3A_148, %mul3A_149 : i32
        %add3A_151 = arith.addi %mul3A_14, %mul3A_150 : i32
        %dma_start3A_152 = arith.constant 0 : i32
        %dma_start3A_153 = tpu.memref_slice %arg4[%add3A_151] : memref<327680xi32, #tpu.memory_space<hbm>> -> memref<160xi32, #tpu.memory_space<hbm>>
        %dma_start3A_154 = tpu.memref_slice %arg15[%dma_start3A_152] : memref<2x!tpu.dma_semaphore, #tpu.memory_space<semaphore_mem>> -> memref<1x!tpu.dma_semaphore, #tpu.memory_space<semaphore_mem>>
        %dma_start3A_155 = tpu.memref_squeeze %dma_start3A_154 : memref<1x!tpu.dma_semaphore, #tpu.memory_space<semaphore_mem>> -> memref<!tpu.dma_semaphore, #tpu.memory_space<semaphore_mem>>
        %dma_start3A_156 = tpu.memref_slice %arg4[%add3A_151] : memref<327680xi32, #tpu.memory_space<hbm>> -> memref<160xi32, #tpu.memory_space<hbm>>
        tpu.enqueue_dma source(%dma_start3A_156 : memref<160xi32, #tpu.memory_space<hbm>>) target(%arg9 : memref<160xi32, #tpu.memory_space<vmem>>) target_semaphore(%dma_start3A_155 : memref<!tpu.dma_semaphore, #tpu.memory_space<semaphore_mem>>)
      } else {
      }
      %add3A_140 = arith.constant 1 : i32
      %add3A_141 = arith.addi %add3A_100, %add3A_140 : i32
      %lt3A_142 = arith.constant 128 : i32
      %lt3A_143 = arith.cmpi slt, %add3A_141, %lt3A_142 : i32
      %convert_element_type3A_144 = arith.extui %lt3A_143 : i1 to i32
      %cond3A_145 = arith.constant 0 : i32
      %cond3A_146 = arith.cmpi ne, %convert_element_type3A_144, %cond3A_145 : i32
      scf.if %cond3A_146 {
        %ge3A_147 = arith.constant 1 : i32
        %ge3A_148 = arith.cmpi sge, %add3A_100, %ge3A_147 : i32
        %convert_element_type3A_149 = arith.extui %ge3A_148 : i1 to i32
        %cond3A_150 = arith.constant 0 : i32
        %cond3A_151 = arith.cmpi ne, %convert_element_type3A_149, %cond3A_150 : i32
        scf.if %cond3A_151 {
          %dma_wait3A_158 = arith.constant 0 : i32
          %dma_wait3A_159 = tpu.memref_slice %arg3[%add3A] : memref<655360xi32, #tpu.memory_space<hbm>> -> memref<160xi32, #tpu.memory_space<hbm>>
          %dma_wait3A_160 = tpu.memref_slice %arg14[%dma_wait3A_158] : memref<2x!tpu.dma_semaphore, #tpu.memory_space<semaphore_mem>> -> memref<1x!tpu.dma_semaphore, #tpu.memory_space<semaphore_mem>>
          %dma_wait3A_161 = tpu.memref_squeeze %dma_wait3A_160 : memref<1x!tpu.dma_semaphore, #tpu.memory_space<semaphore_mem>> -> memref<!tpu.dma_semaphore, #tpu.memory_space<semaphore_mem>>
          %dma_wait3A_162 = tpu.memref_slice %arg3[%add3A] : memref<655360xi32, #tpu.memory_space<hbm>> -> memref<160xi32, #tpu.memory_space<hbm>>
          tpu.wait_dma2 semaphore(%dma_wait3A_161 : memref<!tpu.dma_semaphore, #tpu.memory_space<semaphore_mem>>) src(%dma_wait3A_162 : memref<160xi32, #tpu.memory_space<hbm>>) dst(%arg7 : memref<160xi32, #tpu.memory_space<vmem>>)
        } else {
        }
        %dma_start3A_152 = arith.constant 0 : i32
        %dma_start3A_153 = arith.constant 0 : i32
        %dma_start3A_154 = arith.constant 0 : i32
        %dma_start3A_155 = tpu.memref_slice %arg2[%dma_start3A_153, %dma_start3A_154] : memref<20480x128xf32, #tpu.memory_space<hbm>> -> memref<20480x128xf32, #tpu.memory_space<hbm>>
        %dma_start3A_156 = tpu.memref_slice %arg16[%dma_start3A_152] : memref<2x!tpu.dma_semaphore, #tpu.memory_space<semaphore_mem>> -> memref<1x!tpu.dma_semaphore, #tpu.memory_space<semaphore_mem>>
        %dma_start3A_157 = tpu.memref_squeeze %dma_start3A_156 : memref<1x!tpu.dma_semaphore, #tpu.memory_space<semaphore_mem>> -> memref<!tpu.dma_semaphore, #tpu.memory_space<semaphore_mem>>
        tpu.enqueue_indirect_dma source(%dma_start3A_155 : memref<20480x128xf32, #tpu.memory_space<hbm>>) target(%arg11 : memref<160x128xf32, #tpu.memory_space<vmem>>) offsets(%arg7 : memref<160xi32, #tpu.memory_space<vmem>>) semaphore(%dma_start3A_157 : memref<!tpu.dma_semaphore, #tpu.memory_space<semaphore_mem>>)
      } else {
      }
    }
    %scan3A_39 = arith.constant 64 : i32
    %dma_wait3A_40 = arith.constant 1 : i32
    %dma_wait3A_41 = arith.constant 0 : i32
    %dma_wait3A_42 = arith.constant 0 : i32
    %dma_wait3A_43 = tpu.memref_slice %arg13[%dma_wait3A_41, %dma_wait3A_42] : memref<10240x128xf32, #tpu.memory_space<vmem_shared>> -> memref<10240x128xf32, #tpu.memory_space<vmem_shared>>
    %dma_wait3A_44 = tpu.memref_slice %arg17[%dma_wait3A_40] : memref<2x!tpu.dma_semaphore, #tpu.memory_space<semaphore_mem>> -> memref<1x!tpu.dma_semaphore, #tpu.memory_space<semaphore_mem>>
    %dma_wait3A_45 = tpu.memref_squeeze %dma_wait3A_44 : memref<1x!tpu.dma_semaphore, #tpu.memory_space<semaphore_mem>> -> memref<!tpu.dma_semaphore, #tpu.memory_space<semaphore_mem>>
    tpu.wait_indirect_dma semaphore(%dma_wait3A_45 : memref<!tpu.dma_semaphore, #tpu.memory_space<semaphore_mem>>) src(%arg12 : memref<160x128xf32, #tpu.memory_space<vmem>>) dst(%dma_wait3A_43 : memref<10240x128xf32, #tpu.memory_space<vmem_shared>>)
    %barrier3A_46 = arith.constant 0 : index
    tpu.barrier barrier_id(%barrier3A_46)
    %mul3A_47 = arith.constant 640 : i32
    %mul3A_48 = arith.muli %arg1, %mul3A_47 : i32
    %mul3A_49 = arith.constant 640 : i32
    %mul3A_50 = arith.muli %arg1, %mul3A_49 : i32
    "tpu.region"() ({
      %run_scoped3A = tpu.sem_alloc : memref<!tpu.dma_semaphore, #tpu.memory_space<semaphore_mem>>
      %dma_start3A_51 = arith.constant 0 : i32
      %dma_start3A_52 = tpu.memref_slice %arg6[%arg0, %mul3A_50, %dma_start3A_51] : memref<2x10240x128xf32, #tpu.memory_space<hbm>> -> memref<1x640x128xf32, #tpu.memory_space<hbm>>
      %dma_start3A_53 = tpu.memref_squeeze %dma_start3A_52 : memref<1x640x128xf32, #tpu.memory_space<hbm>> -> memref<640x128xf32, #tpu.memory_space<hbm>>
      %dma_start3A_54 = arith.constant 0 : i32
      %dma_start3A_55 = tpu.memref_slice %arg13[%mul3A_48, %dma_start3A_54] : memref<10240x128xf32, #tpu.memory_space<vmem_shared>> -> memref<640x128xf32, #tpu.memory_space<vmem_shared>>
      tpu.enqueue_dma source(%dma_start3A_55 : memref<640x128xf32, #tpu.memory_space<vmem_shared>>) target(%dma_start3A_53 : memref<640x128xf32, #tpu.memory_space<hbm>>) target_semaphore(%run_scoped3A : memref<!tpu.dma_semaphore, #tpu.memory_space<semaphore_mem>>)
      %dma_wait3A_56 = arith.constant 0 : i32
      %dma_wait3A_57 = tpu.memref_slice %arg6[%arg0, %mul3A_50, %dma_wait3A_56] : memref<2x10240x128xf32, #tpu.memory_space<hbm>> -> memref<1x640x128xf32, #tpu.memory_space<hbm>>
      %dma_wait3A_58 = tpu.memref_squeeze %dma_wait3A_57 : memref<1x640x128xf32, #tpu.memory_space<hbm>> -> memref<640x128xf32, #tpu.memory_space<hbm>>
      %dma_wait3A_59 = arith.constant 0 : i32
      %dma_wait3A_60 = tpu.memref_slice %arg13[%mul3A_48, %dma_wait3A_59] : memref<10240x128xf32, #tpu.memory_space<vmem_shared>> -> memref<640x128xf32, #tpu.memory_space<vmem_shared>>
      tpu.wait_dma2 semaphore(%run_scoped3A : memref<!tpu.dma_semaphore, #tpu.memory_space<semaphore_mem>>) src(%dma_wait3A_60 : memref<640x128xf32, #tpu.memory_space<vmem_shared>>) dst(%dma_wait3A_58 : memref<640x128xf32, #tpu.memory_space<hbm>>)
      tpu.yield
    }) : () -> ()
    return
  }
}

module attributes {stable_mosaic.version = 14 : i64} {
  func.func @_tc_layer1(%arg0: i32, %arg1: memref<2x1024x128xf32, #tpu.memory_space<vmem>>, %arg2: memref<2x10240xf32, #tpu.memory_space<vmem>>, %arg3: memref<2x1024x128xf32, #tpu.memory_space<vmem>>, %arg4: memref<256x256xf32, #tpu.memory_space<vmem>>, %arg5: memref<256x256xf32, #tpu.memory_space<vmem>>, %arg6: memref<1x256xf32, #tpu.memory_space<vmem>>, %arg7: memref<1x256xf32, #tpu.memory_space<vmem>>, %arg8: memref<1x256xf32, #tpu.memory_space<vmem>>, %arg9: memref<2x256xf32, #tpu.memory_space<vmem>>, %arg10: memref<2x1024xf32, #tpu.memory_space<vmem>>) attributes {dimension_semantics = [#tpu.dimension_semantics<arbitrary>], iteration_bounds = array<i64: 10>, scalar_prefetch = 0 : i64, scratch_operands = 0 : i64, tpu.core_type = #tpu.core_type<tc>, window_params = [{transform_indices = @transform_0, window_bounds = array<i64: 2, 1024, 128>}, {pipeline_mode = #tpu.pipeline_mode<synchronous>, transform_indices = @transform_1, window_bounds = array<i64: 2, 10240>}, {transform_indices = @transform_2, window_bounds = array<i64: 2, 1024, 128>}, {pipeline_mode = #tpu.pipeline_mode<synchronous>, transform_indices = @transform_3, window_bounds = array<i64: 256, 256>}, {pipeline_mode = #tpu.pipeline_mode<synchronous>, transform_indices = @transform_4, window_bounds = array<i64: 256, 256>}, {pipeline_mode = #tpu.pipeline_mode<synchronous>, transform_indices = @transform_5, window_bounds = array<i64: 1, 256>}, {pipeline_mode = #tpu.pipeline_mode<synchronous>, transform_indices = @transform_6, window_bounds = array<i64: 1, 256>}, {pipeline_mode = #tpu.pipeline_mode<synchronous>, transform_indices = @transform_7, window_bounds = array<i64: 1, 256>}, {pipeline_mode = #tpu.pipeline_mode<synchronous>, transform_indices = @transform_8, window_bounds = array<i64: 2, 256>}, {transform_indices = @transform_9, window_bounds = array<i64: 2, 1024>}]} {
    %get3A = arith.constant 0 : index
    %get3A_0 = arith.constant 0 : index
    %get3A_1 = arith.constant 0 : index
    %get3A_2 = vector.load %arg1[%get3A, %get3A_0, %get3A_1] : memref<2x1024x128xf32, #tpu.memory_space<vmem>>, vector<1x1024x128xf32>
    %get3A_3 = vector.shape_cast %get3A_2 : vector<1x1024x128xf32> to vector<1024x128xf32>
    %get3A_4 = arith.constant 1 : index
    %get3A_5 = arith.constant 0 : index
    %get3A_6 = arith.constant 0 : index
    %get3A_7 = vector.load %arg1[%get3A_4, %get3A_5, %get3A_6] : memref<2x1024x128xf32, #tpu.memory_space<vmem>>, vector<1x1024x128xf32>
    %get3A_8 = vector.shape_cast %get3A_7 : vector<1x1024x128xf32> to vector<1024x128xf32>
    %concatenate3A = tpu.concatenate %get3A_3, %get3A_8 in 1 : vector<1024x128xf32>, vector<1024x128xf32> -> vector<1024x256xf32>
    %get3A_9 = arith.constant 0 : index
    %get3A_10 = arith.constant 0 : index
    %get3A_11 = arith.constant 0 : index
    %get3A_12 = vector.load %arg3[%get3A_9, %get3A_10, %get3A_11] : memref<2x1024x128xf32, #tpu.memory_space<vmem>>, vector<1x1024x128xf32>
    %get3A_13 = vector.shape_cast %get3A_12 : vector<1x1024x128xf32> to vector<1024x128xf32>
    %get3A_14 = arith.constant 1 : index
    %get3A_15 = arith.constant 0 : index
    %get3A_16 = arith.constant 0 : index
    %get3A_17 = vector.load %arg3[%get3A_14, %get3A_15, %get3A_16] : memref<2x1024x128xf32, #tpu.memory_space<vmem>>, vector<1x1024x128xf32>
    %get3A_18 = vector.shape_cast %get3A_17 : vector<1x1024x128xf32> to vector<1024x128xf32>
    %concatenate3A_19 = tpu.concatenate %get3A_13, %get3A_18 in 1 : vector<1024x128xf32>, vector<1024x128xf32> -> vector<1024x256xf32>
    %mul3A = arith.constant 1024 : i32
    %mul3A_20 = arith.muli %arg0, %mul3A : i32
    %get3A_21 = arith.constant 0 : index
    %get3A_22 = arith.index_cast %mul3A_20 : i32 to index
    %get3A_23 = vector.load %arg2[%get3A_21, %get3A_22] : memref<2x10240xf32, #tpu.memory_space<vmem>>, vector<1x1024xf32>
    %get3A_24 = vector.shape_cast %get3A_23 : vector<1x1024xf32> to vector<1024xf32>
    %mul3A_25 = arith.constant 1024 : i32
    %mul3A_26 = arith.muli %arg0, %mul3A_25 : i32
    %get3A_27 = arith.constant 1 : index
    %get3A_28 = arith.index_cast %mul3A_26 : i32 to index
    %get3A_29 = vector.load %arg2[%get3A_27, %get3A_28] : memref<2x10240xf32, #tpu.memory_space<vmem>>, vector<1x1024xf32>
    %get3A_30 = vector.shape_cast %get3A_29 : vector<1x1024xf32> to vector<1024xf32>
    %add3A = arith.addf %get3A_24, %get3A_30 : vector<1024xf32>
    %max3A = arith.constant 1.000000e+00 : f32
    %max3A_31 = vector.broadcast %max3A : f32 to vector<1024xf32>
    %max3A_32 = arith.maximumf %add3A, %max3A_31 : vector<1024xf32>
    %div3A = arith.constant 1.000000e+00 : f32
    %div3A_33 = vector.broadcast %div3A : f32 to vector<1024xf32>
    %div3A_34 = arith.divf %div3A_33, %max3A_32 : vector<1024xf32>
    %broadcast_in_dim3A = vector.shape_cast %div3A_34 : vector<1024xf32> to vector<1024x1xf32>
    %mul3A_35 = vector.broadcast %broadcast_in_dim3A : vector<1024x1xf32> to vector<1024x256xf32>
    %mul3A_36 = arith.mulf %concatenate3A, %mul3A_35 : vector<1024x256xf32>
    %get3A_37 = arith.constant 0 : index
    %get3A_38 = arith.constant 0 : index
    %get3A_39 = vector.load %arg4[%get3A_37, %get3A_38] : memref<256x256xf32, #tpu.memory_space<vmem>>, vector<256x256xf32>
    %dot_general3A = arith.constant dense<0.000000e+00> : vector<1024x256xf32>
    %dot_general3A_40 = tpu.matmul %mul3A_36, %get3A_39, %dot_general3A {dimension_numbers = #tpu.dot_dimension_numbers<[1], [1], [0], [0], [0, 0, 1, 0], [], []>, transpose_lhs_hint = false} : vector<1024x256xf32>, vector<256x256xf32>, vector<1024x256xf32> -> vector<1024x256xf32>
    %get3A_41 = arith.constant 0 : index
    %get3A_42 = arith.constant 0 : index
    %get3A_43 = vector.load %arg5[%get3A_41, %get3A_42] : memref<256x256xf32, #tpu.memory_space<vmem>>, vector<256x256xf32>
    %dot_general3A_44 = arith.constant dense<0.000000e+00> : vector<1024x256xf32>
    %dot_general3A_45 = tpu.matmul %concatenate3A_19, %get3A_43, %dot_general3A_44 {dimension_numbers = #tpu.dot_dimension_numbers<[1], [1], [0], [0], [0, 0, 1, 0], [], []>, transpose_lhs_hint = false} : vector<1024x256xf32>, vector<256x256xf32>, vector<1024x256xf32> -> vector<1024x256xf32>
    %add3A_46 = arith.addf %dot_general3A_40, %dot_general3A_45 : vector<1024x256xf32>
    %get3A_47 = arith.constant 0 : index
    %get3A_48 = arith.constant 0 : index
    %get3A_49 = vector.load %arg6[%get3A_47, %get3A_48] : memref<1x256xf32, #tpu.memory_space<vmem>>, vector<1x256xf32>
    %add3A_50 = vector.broadcast %get3A_49 : vector<1x256xf32> to vector<1024x256xf32>
    %add3A_51 = arith.addf %add3A_46, %add3A_50 : vector<1024x256xf32>
    %get3A_52 = arith.constant 0 : index
    %get3A_53 = arith.constant 0 : index
    %get3A_54 = vector.load %arg7[%get3A_52, %get3A_53] : memref<1x256xf32, #tpu.memory_space<vmem>>, vector<1x256xf32>
    %mul3A_55 = arith.constant 0.999994993 : f32
    %mul3A_56 = vector.broadcast %mul3A_55 : f32 to vector<1x256xf32>
    %mul3A_57 = arith.mulf %get3A_54, %mul3A_56 : vector<1x256xf32>
    %mul3A_58 = vector.broadcast %mul3A_57 : vector<1x256xf32> to vector<1024x256xf32>
    %mul3A_59 = arith.mulf %add3A_51, %mul3A_58 : vector<1024x256xf32>
    %get3A_60 = arith.constant 0 : index
    %get3A_61 = arith.constant 0 : index
    %get3A_62 = vector.load %arg8[%get3A_60, %get3A_61] : memref<1x256xf32, #tpu.memory_space<vmem>>, vector<1x256xf32>
    %add3A_63 = vector.broadcast %get3A_62 : vector<1x256xf32> to vector<1024x256xf32>
    %add3A_64 = arith.addf %mul3A_59, %add3A_63 : vector<1024x256xf32>
    %max3A_65 = arith.constant 0.000000e+00 : f32
    %max3A_66 = vector.broadcast %max3A_65 : f32 to vector<1024x256xf32>
    %max3A_67 = arith.maximumf %add3A_64, %max3A_66 : vector<1024x256xf32>
    %get3A_68 = arith.constant 0 : index
    %get3A_69 = arith.constant 0 : index
    %get3A_70 = vector.load %arg9[%get3A_68, %get3A_69] : memref<2x256xf32, #tpu.memory_space<vmem>>, vector<2x256xf32>
    %dot_general3A_71 = arith.constant dense<0.000000e+00> : vector<2x1024xf32>
    %dot_general3A_72 = tpu.matmul %get3A_70, %max3A_67, %dot_general3A_71 {dimension_numbers = #tpu.dot_dimension_numbers<[1], [1], [0], [0], [0, 0, 1, 0], [], []>, transpose_lhs_hint = false} : vector<2x256xf32>, vector<1024x256xf32>, vector<2x1024xf32> -> vector<2x1024xf32>
    %swap3A = arith.constant 0 : index
    %swap3A_73 = arith.constant 0 : index
    %swap3A_74 = vector.load %arg10[%swap3A, %swap3A_73] : memref<2x1024xf32, #tpu.memory_space<vmem>>, vector<2x1024xf32>
    tpu.vector_store %arg10[%swap3A, %swap3A_73], %dot_general3A_72 {strides = array<i32>} : memref<2x1024xf32, #tpu.memory_space<vmem>>, vector<2x1024xf32>,
    return
  }
  func.func @transform_0(%arg0: i32) -> (i32, i32, i32) {
    %c0_i32 = arith.constant 0 : i32
    %c0_i32_0 = arith.constant 0 : i32
    %c0_i32_1 = arith.constant 0 : i32
    return %c0_i32, %arg0, %c0_i32_0 : i32, i32, i32
  }
  func.func @transform_1(%arg0: i32) -> (i32, i32) {
    %c0_i32 = arith.constant 0 : i32
    %c0_i32_0 = arith.constant 0 : i32
    %c0_i32_1 = arith.constant 0 : i32
    return %c0_i32, %c0_i32_0 : i32, i32
  }
  func.func @transform_2(%arg0: i32) -> (i32, i32, i32) {
    %c0_i32 = arith.constant 0 : i32
    %c0_i32_0 = arith.constant 0 : i32
    %c0_i32_1 = arith.constant 0 : i32
    return %c0_i32, %arg0, %c0_i32_0 : i32, i32, i32
  }
  func.func @transform_3(%arg0: i32) -> (i32, i32) {
    %c0_i32 = arith.constant 0 : i32
    %c0_i32_0 = arith.constant 0 : i32
    %c0_i32_1 = arith.constant 0 : i32
    return %c0_i32, %c0_i32_0 : i32, i32
  }
  func.func @transform_4(%arg0: i32) -> (i32, i32) {
    %c0_i32 = arith.constant 0 : i32
    %c0_i32_0 = arith.constant 0 : i32
    %c0_i32_1 = arith.constant 0 : i32
    return %c0_i32, %c0_i32_0 : i32, i32
  }
  func.func @transform_5(%arg0: i32) -> (i32, i32) {
    %c0_i32 = arith.constant 0 : i32
    %c0_i32_0 = arith.constant 0 : i32
    %c0_i32_1 = arith.constant 0 : i32
    return %c0_i32, %c0_i32_0 : i32, i32
  }
  func.func @transform_6(%arg0: i32) -> (i32, i32) {
    %c0_i32 = arith.constant 0 : i32
    %c0_i32_0 = arith.constant 0 : i32
    %c0_i32_1 = arith.constant 0 : i32
    return %c0_i32, %c0_i32_0 : i32, i32
  }
  func.func @transform_7(%arg0: i32) -> (i32, i32) {
    %c0_i32 = arith.constant 0 : i32
    %c0_i32_0 = arith.constant 0 : i32
    %c0_i32_1 = arith.constant 0 : i32
    return %c0_i32, %c0_i32_0 : i32, i32
  }
  func.func @transform_8(%arg0: i32) -> (i32, i32) {
    %c0_i32 = arith.constant 0 : i32
    %c0_i32_0 = arith.constant 0 : i32
    %c0_i32_1 = arith.constant 0 : i32
    return %c0_i32, %c0_i32_0 : i32, i32
  }
  func.func @transform_9(%arg0: i32) -> (i32, i32) {
    %c0_i32 = arith.constant 0 : i32
    %c0_i32_0 = arith.constant 0 : i32
    return %c0_i32, %arg0 : i32, i32
  }
}

module attributes {stable_mosaic.version = 14 : i64} {
  func.func @_tc_layer0(%arg0: i32, %arg1: i32, %arg2: memref<2x1024x128xf32, #tpu.memory_space<vmem>>, %arg3: memref<2x10240xf32, #tpu.memory_space<vmem>>, %arg4: memref<1024x128xf32, #tpu.memory_space<vmem>>, %arg5: memref<128x128xf32, #tpu.memory_space<vmem>>, %arg6: memref<128x128xf32, #tpu.memory_space<vmem>>, %arg7: memref<1x1x128xf32, #tpu.memory_space<vmem>>, %arg8: memref<1x1x128xf32, #tpu.memory_space<vmem>>, %arg9: memref<1x1x128xf32, #tpu.memory_space<vmem>>, %arg10: memref<1x1024x128xf32, #tpu.memory_space<vmem>>) attributes {dimension_semantics = [#tpu.dimension_semantics<arbitrary>, #tpu.dimension_semantics<arbitrary>], iteration_bounds = array<i64: 10, 2>, scalar_prefetch = 0 : i64, scratch_operands = 0 : i64, tpu.core_type = #tpu.core_type<tc>, window_params = [{transform_indices = @transform_0, window_bounds = array<i64: 2, 1024, 128>}, {pipeline_mode = #tpu.pipeline_mode<synchronous>, transform_indices = @transform_1, window_bounds = array<i64: 2, 10240>}, {transform_indices = @transform_2, window_bounds = array<i64: 1024, 128>}, {transform_indices = @transform_3, window_bounds = array<i64: 128, 128>}, {transform_indices = @transform_4, window_bounds = array<i64: 128, 128>}, {transform_indices = @transform_5, window_bounds = array<i64: 1, 1, 128>}, {transform_indices = @transform_6, window_bounds = array<i64: 1, 1, 128>}, {transform_indices = @transform_7, window_bounds = array<i64: 1, 1, 128>}, {transform_indices = @transform_8, window_bounds = array<i64: 1, 1024, 128>}]} {
    %get3A = arith.constant 0 : index
    %get3A_0 = arith.constant 0 : index
    %get3A_1 = arith.constant 0 : index
    %get3A_2 = vector.load %arg2[%get3A, %get3A_0, %get3A_1] : memref<2x1024x128xf32, #tpu.memory_space<vmem>>, vector<1x1024x128xf32>
    %get3A_3 = vector.shape_cast %get3A_2 : vector<1x1024x128xf32> to vector<1024x128xf32>
    %get3A_4 = arith.constant 1 : index
    %get3A_5 = arith.constant 0 : index
    %get3A_6 = arith.constant 0 : index
    %get3A_7 = vector.load %arg2[%get3A_4, %get3A_5, %get3A_6] : memref<2x1024x128xf32, #tpu.memory_space<vmem>>, vector<1x1024x128xf32>
    %get3A_8 = vector.shape_cast %get3A_7 : vector<1x1024x128xf32> to vector<1024x128xf32>
    %add3A = arith.addf %get3A_3, %get3A_8 : vector<1024x128xf32>
    %mul3A = arith.constant 1024 : i32
    %mul3A_9 = arith.muli %arg0, %mul3A : i32
    %get3A_10 = arith.constant 0 : index
    %get3A_11 = arith.index_cast %mul3A_9 : i32 to index
    %get3A_12 = vector.load %arg3[%get3A_10, %get3A_11] : memref<2x10240xf32, #tpu.memory_space<vmem>>, vector<1x1024xf32>
    %get3A_13 = vector.shape_cast %get3A_12 : vector<1x1024xf32> to vector<1024xf32>
    %mul3A_14 = arith.constant 1024 : i32
    %mul3A_15 = arith.muli %arg0, %mul3A_14 : i32
    %get3A_16 = arith.constant 1 : index
    %get3A_17 = arith.index_cast %mul3A_15 : i32 to index
    %get3A_18 = vector.load %arg3[%get3A_16, %get3A_17] : memref<2x10240xf32, #tpu.memory_space<vmem>>, vector<1x1024xf32>
    %get3A_19 = vector.shape_cast %get3A_18 : vector<1x1024xf32> to vector<1024xf32>
    %add3A_20 = arith.addf %get3A_13, %get3A_19 : vector<1024xf32>
    %max3A = arith.constant 1.000000e+00 : f32
    %max3A_21 = vector.broadcast %max3A : f32 to vector<1024xf32>
    %max3A_22 = arith.maximumf %add3A_20, %max3A_21 : vector<1024xf32>
    %div3A = arith.constant 1.000000e+00 : f32
    %div3A_23 = vector.broadcast %div3A : f32 to vector<1024xf32>
    %div3A_24 = arith.divf %div3A_23, %max3A_22 : vector<1024xf32>
    %broadcast_in_dim3A = vector.shape_cast %div3A_24 : vector<1024xf32> to vector<1024x1xf32>
    %mul3A_25 = vector.broadcast %broadcast_in_dim3A : vector<1024x1xf32> to vector<1024x128xf32>
    %mul3A_26 = arith.mulf %add3A, %mul3A_25 : vector<1024x128xf32>
    %get3A_27 = arith.constant 0 : index
    %get3A_28 = arith.constant 0 : index
    %get3A_29 = vector.load %arg5[%get3A_27, %get3A_28] : memref<128x128xf32, #tpu.memory_space<vmem>>, vector<128x128xf32>
    %dot_general3A = arith.constant dense<0.000000e+00> : vector<1024x128xf32>
    %dot_general3A_30 = tpu.matmul %mul3A_26, %get3A_29, %dot_general3A {dimension_numbers = #tpu.dot_dimension_numbers<[1], [1], [0], [0], [0, 0, 1, 0], [], []>, transpose_lhs_hint = false} : vector<1024x128xf32>, vector<128x128xf32>, vector<1024x128xf32> -> vector<1024x128xf32>
    %get3A_31 = arith.constant 0 : index
    %get3A_32 = arith.constant 0 : index
    %get3A_33 = vector.load %arg4[%get3A_31, %get3A_32] : memref<1024x128xf32, #tpu.memory_space<vmem>>, vector<1024x128xf32>
    %get3A_34 = arith.constant 0 : index
    %get3A_35 = arith.constant 0 : index
    %get3A_36 = vector.load %arg6[%get3A_34, %get3A_35] : memref<128x128xf32, #tpu.memory_space<vmem>>, vector<128x128xf32>
    %dot_general3A_37 = arith.constant dense<0.000000e+00> : vector<1024x128xf32>
    %dot_general3A_38 = tpu.matmul %get3A_33, %get3A_36, %dot_general3A_37 {dimension_numbers = #tpu.dot_dimension_numbers<[1], [1], [0], [0], [0, 0, 1, 0], [], []>, transpose_lhs_hint = false} : vector<1024x128xf32>, vector<128x128xf32>, vector<1024x128xf32> -> vector<1024x128xf32>
    %add3A_39 = arith.addf %dot_general3A_30, %dot_general3A_38 : vector<1024x128xf32>
    %get3A_40 = arith.constant 0 : index
    %get3A_41 = arith.constant 0 : index
    %get3A_42 = arith.constant 0 : index
    %get3A_43 = vector.load %arg7[%get3A_40, %get3A_41, %get3A_42] : memref<1x1x128xf32, #tpu.memory_space<vmem>>, vector<1x1x128xf32>
    %get3A_44 = vector.shape_cast %get3A_43 : vector<1x1x128xf32> to vector<1x128xf32>
    %add3A_45 = vector.broadcast %get3A_44 : vector<1x128xf32> to vector<1024x128xf32>
    %add3A_46 = arith.addf %add3A_39, %add3A_45 : vector<1024x128xf32>
    %get3A_47 = arith.constant 0 : index
    %get3A_48 = arith.constant 0 : index
    %get3A_49 = arith.constant 0 : index
    %get3A_50 = vector.load %arg8[%get3A_47, %get3A_48, %get3A_49] : memref<1x1x128xf32, #tpu.memory_space<vmem>>, vector<1x1x128xf32>
    %get3A_51 = vector.shape_cast %get3A_50 : vector<1x1x128xf32> to vector<1x128xf32>
    %mul3A_52 = arith.constant 0.999994993 : f32
    %mul3A_53 = vector.broadcast %mul3A_52 : f32 to vector<1x128xf32>
    %mul3A_54 = arith.mulf %get3A_51, %mul3A_53 : vector<1x128xf32>
    %mul3A_55 = vector.broadcast %mul3A_54 : vector<1x128xf32> to vector<1024x128xf32>
    %mul3A_56 = arith.mulf %add3A_46, %mul3A_55 : vector<1024x128xf32>
    %get3A_57 = arith.constant 0 : index
    %get3A_58 = arith.constant 0 : index
    %get3A_59 = arith.constant 0 : index
    %get3A_60 = vector.load %arg9[%get3A_57, %get3A_58, %get3A_59] : memref<1x1x128xf32, #tpu.memory_space<vmem>>, vector<1x1x128xf32>
    %get3A_61 = vector.shape_cast %get3A_60 : vector<1x1x128xf32> to vector<1x128xf32>
    %add3A_62 = vector.broadcast %get3A_61 : vector<1x128xf32> to vector<1024x128xf32>
    %add3A_63 = arith.addf %mul3A_56, %add3A_62 : vector<1024x128xf32>
    %max3A_64 = arith.constant 0.000000e+00 : f32
    %max3A_65 = vector.broadcast %max3A_64 : f32 to vector<1024x128xf32>
    %max3A_66 = arith.maximumf %add3A_63, %max3A_65 : vector<1024x128xf32>
    %broadcast_in_dim3A_67 = vector.shape_cast %max3A_66 : vector<1024x128xf32> to vector<1x1024x128xf32>
    %swap3A = arith.constant 0 : index
    %swap3A_68 = arith.constant 0 : index
    %swap3A_69 = arith.constant 0 : index
    %swap3A_70 = vector.load %arg10[%swap3A, %swap3A_68, %swap3A_69] : memref<1x1024x128xf32, #tpu.memory_space<vmem>>, vector<1x1024x128xf32>
    tpu.vector_store %arg10[%swap3A, %swap3A_68, %swap3A_69], %broadcast_in_dim3A_67 {strides = array<i32>} : memref<1x1024x128xf32, #tpu.memory_space<vmem>>, vector<1x1024x128xf32>,
    return
  }
  func.func @transform_0(%arg0: i32, %arg1: i32) -> (i32, i32, i32) {
    %c0_i32 = arith.constant 0 : i32
    %c0_i32_0 = arith.constant 0 : i32
    %c0_i32_1 = arith.constant 0 : i32
    return %c0_i32, %arg0, %c0_i32_0 : i32, i32, i32
  }
  func.func @transform_1(%arg0: i32, %arg1: i32) -> (i32, i32) {
    %c0_i32 = arith.constant 0 : i32
    %c0_i32_0 = arith.constant 0 : i32
    %c0_i32_1 = arith.constant 0 : i32
    return %c0_i32, %c0_i32_0 : i32, i32
  }
  func.func @transform_2(%arg0: i32, %arg1: i32) -> (i32, i32) {
    %c0_i32 = arith.constant 0 : i32
    %c0_i32_0 = arith.constant 0 : i32
    return %arg0, %c0_i32 : i32, i32
  }
  func.func @transform_3(%arg0: i32, %arg1: i32) -> (i32, i32) {
    %c0_i32 = arith.constant 0 : i32
    %c0_i32_0 = arith.constant 0 : i32
    return %arg1, %c0_i32 : i32, i32
  }
  func.func @transform_4(%arg0: i32, %arg1: i32) -> (i32, i32) {
    %c0_i32 = arith.constant 0 : i32
    %c0_i32_0 = arith.constant 0 : i32
    return %arg1, %c0_i32 : i32, i32
  }
  func.func @transform_5(%arg0: i32, %arg1: i32) -> (i32, i32, i32) {
    %c0_i32 = arith.constant 0 : i32
    %c0_i32_0 = arith.constant 0 : i32
    %c0_i32_1 = arith.constant 0 : i32
    return %arg1, %c0_i32, %c0_i32_0 : i32, i32, i32
  }
  func.func @transform_6(%arg0: i32, %arg1: i32) -> (i32, i32, i32) {
    %c0_i32 = arith.constant 0 : i32
    %c0_i32_0 = arith.constant 0 : i32
    %c0_i32_1 = arith.constant 0 : i32
    return %arg1, %c0_i32, %c0_i32_0 : i32, i32, i32
  }
  func.func @transform_7(%arg0: i32, %arg1: i32) -> (i32, i32, i32) {
    %c0_i32 = arith.constant 0 : i32
    %c0_i32_0 = arith.constant 0 : i32
    %c0_i32_1 = arith.constant 0 : i32
    return %arg1, %c0_i32, %c0_i32_0 : i32, i32, i32
  }
  func.func @transform_8(%arg0: i32, %arg1: i32) -> (i32, i32, i32) {
    %c0_i32 = arith.constant 0 : i32
    %c0_i32_0 = arith.constant 0 : i32
    return %arg1, %arg0, %c0_i32 : i32, i32, i32
  }
}

module attributes {stable_mosaic.version = 14 : i64} {
  func.func @_tc_final(%arg0: memref<2x10240xf32, #tpu.memory_space<vmem>>, %arg1: memref<2x10240xf32, #tpu.memory_space<vmem>>, %arg2: memref<1x10240xf32, #tpu.memory_space<vmem>>, %arg3: memref<1x1xf32, #tpu.memory_space<vmem>>, %arg4: memref<1x10240xf32, #tpu.memory_space<vmem>>) attributes {dimension_semantics = [], scalar_prefetch = 0 : i64, scratch_operands = 0 : i64, tpu.core_type = #tpu.core_type<tc>} {
    %get3A = arith.constant 0 : index
    %get3A_0 = arith.constant 0 : index
    %get3A_1 = vector.load %arg0[%get3A, %get3A_0] : memref<2x10240xf32, #tpu.memory_space<vmem>>, vector<2x10240xf32>
    %slice3A = vector.extract_strided_slice %get3A_1 {offsets = [0, 0], sizes = [1, 10240], strides = [1, 1]} : vector<2x10240xf32> to vector<1x10240xf32>
    %slice3A_2 = vector.extract_strided_slice %get3A_1 {offsets = [1, 0], sizes = [1, 10240], strides = [1, 1]} : vector<2x10240xf32> to vector<1x10240xf32>
    %add3A = arith.addf %slice3A, %slice3A_2 : vector<1x10240xf32>
    %get3A_3 = arith.constant 0 : index
    %get3A_4 = arith.constant 0 : index
    %get3A_5 = vector.load %arg1[%get3A_3, %get3A_4] : memref<2x10240xf32, #tpu.memory_space<vmem>>, vector<1x10240xf32>
    %get3A_6 = arith.constant 1 : index
    %get3A_7 = arith.constant 0 : index
    %get3A_8 = vector.load %arg1[%get3A_6, %get3A_7] : memref<2x10240xf32, #tpu.memory_space<vmem>>, vector<1x10240xf32>
    %add3A_9 = arith.addf %get3A_5, %get3A_8 : vector<1x10240xf32>
    %max3A = arith.constant 1.000000e+00 : f32
    %max3A_10 = vector.broadcast %max3A : f32 to vector<1x10240xf32>
    %max3A_11 = arith.maximumf %add3A_9, %max3A_10 : vector<1x10240xf32>
    %div3A = arith.constant 1.000000e+00 : f32
    %div3A_12 = vector.broadcast %div3A : f32 to vector<1x10240xf32>
    %div3A_13 = arith.divf %div3A_12, %max3A_11 : vector<1x10240xf32>
    %mul3A = arith.mulf %add3A, %div3A_13 : vector<1x10240xf32>
    %get3A_14 = arith.constant 0 : index
    %get3A_15 = arith.constant 0 : index
    %get3A_16 = vector.load %arg2[%get3A_14, %get3A_15] : memref<1x10240xf32, #tpu.memory_space<vmem>>, vector<1x10240xf32>
    %add3A_17 = arith.addf %mul3A, %get3A_16 : vector<1x10240xf32>
    %get3A_18 = arith.constant 0 : index
    %get3A_19 = arith.constant 0 : index
    %get3A_20 = vector.load %arg3[%get3A_18, %get3A_19] : memref<1x1xf32, #tpu.memory_space<vmem>>, vector<1x1xf32>
    %get3A_21 = vector.extract %get3A_20[0, 0] : f32 from vector<1x1xf32>
    %add3A_22 = vector.broadcast %get3A_21 : f32 to vector<1x10240xf32>
    %add3A_23 = arith.addf %add3A_17, %add3A_22 : vector<1x10240xf32>
    %logistic3A = arith.negf %add3A_23 : vector<1x10240xf32>
    %logistic3A_24 = math.exp %logistic3A : vector<1x10240xf32>
    %logistic3A_25 = arith.constant 1.000000e+00 : f32
    %logistic3A_26 = vector.broadcast %logistic3A_25 : f32 to vector<1x10240xf32>
    %logistic3A_27 = arith.addf %logistic3A_26, %logistic3A_24 : vector<1x10240xf32>
    %logistic3A_28 = arith.divf %logistic3A_26, %logistic3A_27 : vector<1x10240xf32>
    %swap3A = arith.constant 0 : index
    %swap3A_29 = arith.constant 0 : index
    %swap3A_30 = vector.load %arg4[%swap3A, %swap3A_29] : memref<1x10240xf32, #tpu.memory_space<vmem>>, vector<1x10240xf32>
    tpu.vector_store %arg4[%swap3A, %swap3A_29], %logistic3A_28 {strides = array<i32>} : memref<1x10240xf32, #tpu.memory_space<vmem>>, vector<1x10240xf32>,
    return
  }
}

</mosaic_0001>

<sc_bundles>
// kernel: kernel.11.cloned.1.call-start
scs
__scs_entry_jumppad:
0x0: {  	(pc) =	sbr.rel $0x88, $3  }
0x1: {  	(tag) =	ssettag $0x0;
	lr =	simm.s32 $0x1  }
0x2: {  	[smem:$0x3F92] =	sst lr;
	_ =	strace $0xD0000000  }
0x3: {  	_ = 	snop  }
0x4: {  	_ = 	snop  }
0x5: {  	_ = 	snop  }
0x6: {  	_ = 	snop  }
0x7: {  	_ = 	snop  }
__scs_overlays_trampoline_lowered:
0x8: {  	[smem:$0x3FA1] =	sst s0  }
0x9: {  	[smem:$0x3FA2] =	sst s1  }
0xa: {  	[smem:$0x3FA3] =	sst s2  }
0xb: {  	[smem:$0x3FA4] =	sst s3  }
0xc: {  	[smem:$0x3FA5] =	sst s4  }
0xd: {  	[smem:$0x3FA6] =	sst s5  }
0xe: {  	[smem:$0x3FA7] =	sst s6  }
0xf: {  	[smem:$0x3FA8] =	sst s7  }
0x10: {  	[smem:$0x3FA9] =	sst s8  }
0x11: {  	[smem:$0x3FAA] =	sst s9;
	s0 =	simm.s32 @!p0 $0x0  }
0x12: {  	s1 =	sld [smem:$0x3F90];
	s0 =	simm.s32 @p0 $0x1  }
0x13: {  	[smem:$0x3FAB] =	sst s0;
	s0 =	simm.s32 @!p1 $0x0  }
0x14: {  	s2 =	sld [smem:$0x3F8F];
	s0 =	simm.s32 @p1 $0x1  }
0x15: {  	[smem:$0x3FAC] =	sst s0;
	s0 =	simm.s32 @!p2 $0x0  }
0x16: {  	s3 =	sld [smem:$0x3FDB];
	s0 =	simm.s32 @p2 $0x1  }
0x17: {  	s4 =	simm.s32 $0x1BF5;
	[smem:$0x3FAE] =	sst s0  }
0x18: {  	s0 =	sld [smem:$0x3F91];
	_ =	swait.ge [sflag:s4], $0x0  }
0x19: {  	s7 =	sld [smem:$0x3F92]  }
0x1a: {  	s8 =	sadd.s32 $0xFFFFE003, lr  }
0x1b: {  	s9 =	sadd.s32 $0xFFFFFEF7, lr;
	s5 =	simm.s32 $0xFFFFFFFF;
	p2 =	slt.u32 s8, $0xFFFFF086  }
0x1c: {  	p1 =	slt.u32 s9, $0xF7A;
	s5 =	simm.s32 @!p2 $0x0  }
0x1d: {  	s5 =	simm.s32 @p1 $0x1;
	p0 =	seq.s32 s7, s2  }
0x1e: {  	s7 =	smul.u32 @!p0 $0xF7A, s2;
	p2 =	seq.s32 @!p0 s5, $0x0  }
0x1f: {  	s9 =	smul.u32 $0xF7A, s1;
	s8 =	simm.s32 @!p0 $0x1BF5;
	p2 =	por !p2, p0  }
0x20: {  	[sflag:s8] =	ssyncset.s32 @!p0 $0xFFFFF086;
	s6 =	sadd.s32 @!p0 s3, s7;
	s7 =	simm.s32 @!p0 $0x108  }
0x21: {  	s3 =	sadd.s32 s3, s9;
	s6 =	sadd.s32 @!p0 $0x88, s6;
	s7 =	simm.s32 @p2 $0x1082  }
0x22: {  	[simem:s7], [sflag:s8] =	dma.local @!p0 [hbm:s6], $0xF7A  }
0x23: {  	s9 =	sor.u32 $0xD0000000, s2;
	s6 =	simm.s32 $0x108;
	_ =	swait.ge @!p0 [sflag:s8], $0x0  }
0x24: {  	s3 =	sadd.s32 $0x88, s3;
	s6 =	simm.s32 @!p1 $0x1082;
	[sflag:s4] =	ssyncset.s32 $0xFFFFF086  }
0x25: {  	[simem:s6], [sflag:s4] =	dma.local [hbm:s3], $0xF7A  }
0x26: {  	[smem:$0x3F92] =	sst s1;
	(tag) =	ssettag s2;
	_ =	strace s9  }
0x27: {  	s1 =	sld [smem:$0x3FA2]  }
0x28: {  	s2 =	sld [smem:$0x3FA3]  }
0x29: {  	s4 =	sld [smem:$0x3FA5]  }
0x2a: {  	p0 =	seq.s32 s5, $0x0;
	s5 =	sld [smem:$0x3FA6]  }
0x2b: {  	s6 =	sld [smem:$0x3FA7]  }
0x2c: {  	s7 =	sld [smem:$0x3FA8]  }
0x2d: {  	s3 =	simm.s32 $0x108;
	s8 =	sld [smem:$0x3FA9]  }
0x2e: {  	s3 =	simm.s32 @!p0 $0x1082;
	s9 =	sld [smem:$0x3FAA]  }
0x2f: {  	lr =	sadd.s32 s0, s3;
	s0 =	sld [smem:$0x3FA1]  }
0x30: {  	s3 =	sld [smem:$0x3FA4]  }
0x31: {  	[smem:$0x3FAD] =	sst s10  }
0x32: {  	s10 =	sld [smem:$0x3FAB];
	_ =	sdelay $0x3  }
0x33: {  	p0 =	seq.s32 s10, $0x1;
	s10 =	sld [smem:$0x3FAD];
	_ =	sdelay $0x3  }
0x34: {  	[smem:$0x3FAD] =	sst s10  }
0x35: {  	s10 =	sld [smem:$0x3FAC];
	_ =	sdelay $0x3  }
0x36: {  	p1 =	seq.s32 s10, $0x1;
	s10 =	sld [smem:$0x3FAD];
	_ =	sdelay $0x3  }
0x37: {  	[smem:$0x3FAD] =	sst s10  }
0x38: {  	s10 =	sld [smem:$0x3FAE]  }
0x39: {  	_ = 	snop;
	(pc) =	sbr.ind lr, $3  }
0x3a: {  	_ = 	snop  }
0x3b: {  	_ = 	snop  }
0x3c: {  	p2 =	seq.s32 s10, $0x1;
	s10 =	sld [smem:$0x3FAD]  }
0x3d: {  	_ =	shalt  }
0x3e: {  	_ =	shalt  }
0x3f: {  	_ =	shalt  }
0x40: {  	_ =	shalt  }
0x41: {  	_ =	shalt  }
0x42: {  	_ =	shalt  }
0x43: {  	_ =	shalt  }
0x44: {  	_ =	shalt  }
0x45: {  	_ =	shalt  }
0x46: {  	_ =	shalt  }
0x47: {  	_ =	shalt  }
0x48: {  	_ =	shalt  }
0x49: {  	_ =	shalt  }
0x4a: {  	_ =	shalt  }
0x4b: {  	_ =	shalt  }
0x4c: {  	_ =	shalt  }
0x4d: {  	_ =	shalt  }
0x4e: {  	_ =	shalt  }
0x4f: {  	_ =	shalt  }
0x50: {  	_ =	shalt  }
0x51: {  	_ =	shalt  }
0x52: {  	_ =	shalt  }
0x53: {  	_ =	shalt  }
0x54: {  	_ =	shalt  }
0x55: {  	_ =	shalt  }
0x56: {  	_ =	shalt  }
0x57: {  	_ =	shalt  }
0x58: {  	_ =	shalt  }
0x59: {  	_ =	shalt  }
0x5a: {  	_ =	shalt  }
0x5b: {  	_ =	shalt  }
0x5c: {  	_ =	shalt  }
0x5d: {  	_ =	shalt  }
0x5e: {  	_ =	shalt  }
0x5f: {  	_ =	shalt  }
0x60: {  	_ =	shalt  }
0x61: {  	_ =	shalt  }
0x62: {  	_ =	shalt  }
0x63: {  	_ =	shalt  }
0x64: {  	_ =	shalt  }
0x65: {  	_ =	shalt  }
0x66: {  	_ =	shalt  }
0x67: {  	_ =	shalt  }
0x68: {  	_ =	shalt  }
0x69: {  	_ =	shalt  }
0x6a: {  	_ =	shalt  }
0x6b: {  	_ =	shalt  }
0x6c: {  	_ =	shalt  }
0x6d: {  	_ =	shalt  }
0x6e: {  	_ =	shalt  }
0x6f: {  	_ =	shalt  }
0x70: {  	_ =	shalt  }
0x71: {  	_ =	shalt  }
0x72: {  	_ =	shalt  }
0x73: {  	_ =	shalt  }
0x74: {  	_ =	shalt  }
0x75: {  	_ =	shalt  }
0x76: {  	_ =	shalt  }
0x77: {  	_ =	shalt  }
0x78: {  	_ =	shalt  }
0x79: {  	_ =	shalt  }
0x7a: {  	_ =	shalt  }
0x7b: {  	_ =	shalt  }
0x7c: {  	_ =	shalt  }
0x7d: {  	_ =	shalt  }
0x7e: {  	_ =	shalt  }
0x7f: {  	_ =	shalt  }
0x80: {  	_ =	shalt  }
0x81: {  	_ =	shalt  }
0x82: {  	_ =	shalt  }
0x83: {  	_ =	shalt  }
0x84: {  	_ =	shalt  }
0x85: {  	_ =	shalt  }
0x86: {  	_ =	shalt  }
0x87: {  	_ =	shalt  }
.Lfunc_end0:
.L_simem_size_0:
called_computation.1_lowered:
.L_overlay_start_0:
0x88: {  	s2 =	sld [smem:$0x3FD9]  }
0x89: {  	s3 =	sld [smem:$0x3FFE];
	_ =	sdelay $0x1  }
0x8a: {  	s1 =	srdreg.scid  }
0x8b: {  	s0 =	sand.u32 $0x1, s1  }
0x8c: {  	s16 =	sshll.u32 s0, $0xA;
	s2 =	sadd.s32 s3, s2  }
0x8d: {  	s2 =	sadd.s32 s2, s16  }
0x8e: {  	[smem:$0x3FB9] =	sst s2  }
0x8f: {  	_ = 	snop  }
0x90: {  	(tm) =	ssettm $0x1  }
0x91: {  	s17 =	sld [smem:$0x3FFB];
	_ =	sdelay $0x3  }
0x92: {  	_ =	strace s17  }
0x93: {  	s2 =	sld [smem:$0x3FFC];
	_ =	sdelay $0x3  }
0x94: {  	_ =	strace s2  }
0x95: {  	s2 =	sld [smem:$0x3FFD];
	_ =	sdelay $0x3  }
0x96: {  	_ =	strace s2  }
0x97: {  	_ =	strace $0x8FFFFFFF  }
0x98: {  	s18 =	sld [smem:$0x3FDB];
	_ =	sdelay $0x1  }
0x99: {  	s19 =	simm.s32 $_scs_section_size  }
0x9a: {  	s4 =	simm.s32 $_size__tile_overlayer_lowered;
	s5 =	simm.s32 $_tile_overlayer_lowered  }
0x9b: {  	s22 =	simm.s32 $0x1BFF;
	s21 =	sshll.u32 s5, $0x1;
	s2 =	sadd.s32 s19, s18  }
0x9c: {  	s6 =	simm.s32 $0x0;
	s20 =	sshll.u32 s4, $0x1;
	s4 =	sadd.s32 s21, s2  }
0x9d: {  	[timem:s6], [sflag:s22] =	dma.local [hbm:s4], s20  }
0x9e: {  	_ =	swait.ge [sflag:s22], s20  }
0x9f: {  	s3 =	ssub.s32 $0x0, s20;
	[sflag:s22] =	ssyncset.done $0x0  }
0xa0: {  	[sflag:s22] =	ssyncadd.s32 s3;
	_ =	sdelay $0x1  }
0xa1: {  	s23 =	simm.s32 $0x1B8B  }
0xa2: {  	_ =	swait.ge [sflag:s23], $0x1  }
0xa3: {  	[sflag:s23] =	ssyncset.done $0x0  }
0xa4: {  	s25 =	simm.s32 $0x1B8E;
	s24 =	sld [smem:$0x3FFE];
	[sflag:s23] =	ssyncadd.s32 $0xFFFFFFFF  }
0xa5: {  	s26 =	simm.s32 $execute0_lowered;
	[smem:$0x3FD2] =	sst s25  }
0xa6: {  	s4 =	sshll.u32 s26, $0x1;
	_ =	strace $0x80000049;
	[dreg:$0x1] =	wrdreg $0xFFFFFFFF  }
0xa7: {  	s28 =	simm.s32 $_size_execute0_lowered;
	s2 =	sadd.s32 s2, s4;
	[dreg:$0x0] =	wrdreg $0x0  }
0xa8: {  	s4 =	sshll.u32 s28, $0x1;
	[dreg:$0x2] =	wrdreg s2  }
0xa9: {  	[dreg:$0x3] =	wrdreg s4  }
0xaa: {  	[dreg:$0x4] =	wrdreg $0xC0  }
0xab: {  	_ =	task [dreg:s6], $0x5FFFF  }
0xac: {  	[dreg:$0x1] =	wrdreg $0xFFFFFFFF  }
0xad: {  	[dreg:$0x0] =	wrdreg $0x60  }
0xae: {  	[dreg:$0x2] =	wrdreg s24  }
0xaf: {  	[dreg:$0x3] =	wrdreg $0xA4000  }
0xb0: {  	[dreg:$0x4] =	wrdreg $0x9  }
0xb1: {  	_ =	task.clear_ibuf [dreg:s6], $0x5FFFF;
	_ =	strace $0x90000049  }
0xb2: {  	s29 =	simm.s32 $0x9;
	_ =	strace $0x8000004B  }
0xb3: {  	_ =	swait.ge [sflag:s29], $0x1  }
0xb4: {  	[sflag:s29] =	ssyncadd.s32 $0xFFFFFFFF  }
0xb5: {  	_ =	strace $0x9000004B  }
0xb6: {  	_ =	sfence  }
0xb7: {  	s30 =	sld [smem:$0x0];
	_ =	sdelay $0x2  }
0xb8: {  	s31 =	sshll.u32 s1, $0xD;
	s1 =	sshrl.u32 s1, $0x2  }
0xb9: {  	s3 =	sand.u32 $0x4000, s31;
	s1 =	sadd.s32 s1, s30  }
0xba: {  	s0 =	sor.u32 s3, s0;
	s1 =	sshll.u32 s1, $0x11  }
0xbb: {  	s0 =	sor.u32 s1, s0  }
0xbc: {  	s0 =	sadd.s32 $0x8F2B, s0  }
0xbd: {  	[sflag:s0] =	ssyncadd.remote.s32 $0x1  }
0xbe: {  	_ =	sfence.sel $0xFFFF  }
0xbf: {  	[dreg:$0x0] =	wrdreg $0xFFFFFFFF;
	(pc) =	sbr.abs _section_cstart, $3  }
0xc0: {  	[dreg:$0x1] =	wrdreg $0xFFFFFFFF  }
0xc1: {  	_ =	task.clear_ibuf [dreg:s6], $0x2FFFF;
	_ =	strace $0x9FFFFFFF  }
0xc2: {  	(tm) =	ssettm $0x7FFFFFFF  }
0xc3: {  	_ =	shalt  }
tec
execute0_lowered:
.L_overlay_start_1:
0x0: {  	(tag) =	ssettag $0x1  }
0x1: {  	s0 =	rddreg [dreg:$0x0]  }
0x2: {  	s2 =	rddreg [dreg:$0x1];
	s3 =	simm.s32 $0x0;
	s12 =	stileid.u32  }
0x3: {  	s1 =	srdreg.scid;
	s28 =	simm.s32 $0x7;
	s5 =	smul.u32 $0x14000, s12  }
0x4: {  	s29 =	simm.s32 $0x5;
	s30 =	simm.s32 $0x5400;
	s7 =	smul.u32 $0x50000, s12  }
0x5: {  	s31 =	simm.s32 $0x6;
	[smem:$0x7FF] =	sst s3;
	s11 =	smul.u32 $0x5000, s12  }
0x6: {  	s1 =	sand.u32 $0x1, s1;
	s4 =	sadd.s32 $0x68A00, s0;
	s24 =	smul.u32 $0xA00, s12  }
0x7: {  	s8 =	sadd.s32 $0xB9400, s0;
	s10 =	sadd.s32 $0x36400, s0;
	s6 =	smul.u32 $0x140000, s1  }
0x8: {  	_ =	strace $0x8000004A;
	s26 =	smul.u32 $0x50000, s1;
	s1 =	ssub.s32 $0x2, s1  }
0x9: {  	s9 =	sshrl.u32 s5, $0x3;
	s13 =	sshrl.u32 s1, $0x1;
	s14 =	sshrl.u32 s7, $0x2  }
0xa: {  	s17 =	sshrl.u32 s11, $0x3;
	s5 =	sadd.s32 s5, s6;
	s9 =	sadd.s32 s9, s0  }
0xb: {  	s1 =	ssub.s32 s1, s13;
	s6 =	sadd.s32 s11, s26;
	s13 =	sshll.u32 s12, $0x6  }
0xc: {  	s5 =	sshrl.u32 s5, $0x3;
	s15 =	sadd.s32 $0x40A00, s9;
	s16 =	sshrl.u32 s6, $0x3  }
0xd: {  	[dreg:$0x4] =	wrdreg s13;
	s18 =	sor.u32 $0x1C07, s13;
	s9 =	sadd.s32 s10, s17  }
0xe: {  	s21 =	sor.u32 $0x1E0, s6;
	s22 =	smax.u32 s1, $0x1;
	s25 =	sor.u32 $0x280, s6  }
0xf: {  	s6 =	sor.u32 $0x320, s6;
	s17 =	sadd.s32 s24, s10;
	s24 =	simm.s32 $0x300  }
0x10: {  	s10 =	simm.s32 $0x4;
	s0 =	sadd.s32 s5, s0;
	[dreg:$0x3] =	wrdreg s15  }
0x11: {  	s5 =	sadd.s32 s14, s2;
	s7 =	sadd.s32 s8, s16;
	[dreg:$0x5] =	wrdreg s18  }
0x12: {  	s20 =	sadd.s32 $0x14, s9;
	[dreg:$0x9] =	wrdreg s22;
	s23 =	sshrl.u32 s21, $0x3  }
0x13: {  	s16 =	sadd.s32 $0x28, s9;
	s1 =	sshrl.u32 s25, $0x3;
	s26 =	sshrl.u32 s6, $0x3  }
0x14: {  	s21 =	simm.s32 $0x9;
	s22 =	simm.s32 $0x200;
	s25 =	simm.s32 $0xA0  }
0x15: {  	s6 =	simm.s32 $0x0;
	s19 =	sadd.s32 $0x14, s7;
	[dreg:$0x7] =	wrdreg s20  }
.Ltmp0:
0x16: {  	s0 =	sadd.s32 $0xCD400, s0;
	s14 =	sadd.s32 $0x28, s7;
	(pc) =	sbr.rel .LBB2_1-.Ltmp0, $4  }
0x17: {  	s15 =	sadd.s32 s8, s23;
	s18 =	sadd.s32 s1, s8;
	s20 =	sshrl.u32 s5, $0x3  }
0x18: {  	s23 =	simm.s32 $0x100;
	s1 =	simm.s32 $0x3;
	[dreg:$0x6] =	wrdreg s19  }
0x19: {  	s5 =	simm.s32 $0x8;
	[dreg:$0x8] =	wrdreg s0;
	s19 =	sadd.s32 s26, s8  }
0x1a: {  	s26 =	simm.s32 $0x400;
	s0 =	simm.s32 $0x1;
	s8 =	simm.s32 $0x2  }
.LBB2_4:
0x1b: {  	_ =	swait.ge [sflag:s10], $0xA0  }
0x1c: {  	[sflag:s10] =	ssyncset.done $0x0  }
0x1d: {  	[sflag:s10] =	ssyncadd.s32 $0xFFFFFF60  }
0x1e: {  	[spmem:s2] =	stream.indirect.scatter.add.f32 [tilespmem:s30], [sflag:$0x8], $0x80, s24, s25, $0xb8;
	[tilespmem:$0x1E400] =	vst v63  }
0x1f: {  	_ =	swait.ge [sflag:s28], $0x5000  }
0x20: {  	[sflag:s28] =	ssyncset.done $0x0  }
0x21: {  	[sflag:s28] =	ssyncadd.s32 $0xFFFFB000  }
0x22: {  	_ =	swait.ge [sflag:s5], $0x5000  }
0x23: {  	[sflag:s5] =	ssyncset.done $0x0  }
0x24: {  	[sflag:s5] =	ssyncadd.s32 $0xFFFFB000  }
0x25: {  	[bflag:$0x0] =	sbarrier.arrive $0xFFFF  }
0x26: {  	s11 =	rddreg [dreg:$0x4]  }
0x27: {  	s12 =	rddreg [dreg:$0x8];
	s11 =	sor.u32 $0x1C09, s11  }
0x28: {  	[hbm:s12], [sflag:s11] =	dma.local [spmem:s20], $0x2800  }
0x29: {  	_ =	swait.ge [sflag:s21], $0x2800  }
0x2a: {  	s6 =	sadd.s32 $0x1, s6;
	s13 =	rddreg [dreg:$0x9]  }
0x2b: {  	p0 =	sne.s32 s6, s13  }
.Ltmp1:
0x2c: {  	_ = 	snop;
	(pc) =	sbr.rel @!p0 .LBB2_5-.Ltmp1, $3  }
0x2d: {  	_ =	sdelay $0x1  }
0x2e: {  	[sflag:s21] =	ssyncset.done $0x0  }
0x2f: {  	[sflag:s21] =	ssyncadd.s32 $0xFFFFD800  }
.LBB2_1:
0x30: {  	s11 =	rddreg [dreg:$0x3]  }
0x31: {  	s12 =	rddreg [dreg:$0x5]  }
0x32: {  	[spmem:s20], [sflag:s12] =	dma.local [hbm:s11], $0x2800  }
0x33: {  	[tilespmem:s3], [sflag:$0x9] =	stream.linear.gather [hbm4b:s7+s3], $0xA0, $0x38;
	[tilespmem:$0x1E400] =	vst v63  }
0x34: {  	_ =	swait.ge [sflag:s21], $0xA0  }
0x35: {  	[sflag:s21] =	ssyncset.done $0x0  }
0x36: {  	[sflag:s21] =	ssyncadd.s32 $0xFFFFFF60  }
0x37: {  	[tilespmem:s22], [sflag:$0x9] =	stream.linear.gather [hbm4b:s9+s3], $0xA0, $0x38;
	[tilespmem:$0x1E400] =	vst v63  }
0x38: {  	_ =	swait.ge [sflag:s21], $0xA0  }
0x39: {  	[sflag:s21] =	ssyncset.done $0x0  }
0x3a: {  	s12 =	rddreg [dreg:$0x6];
	[sflag:s21] =	ssyncadd.s32 $0xFFFFFF60  }
0x3b: {  	[tilespmem:s23], [sflag:$0x9] =	stream.linear.gather [hbm4b:s12+s3], $0xA0, $0x38;
	[tilespmem:$0x1E400] =	vst v63  }
0x3c: {  	_ =	swait.ge [sflag:s21], $0xA0  }
0x3d: {  	[sflag:s21] =	ssyncset.done $0x0  }
0x3e: {  	s13 =	rddreg [dreg:$0x7];
	[sflag:s21] =	ssyncadd.s32 $0xFFFFFF60  }
0x3f: {  	[tilespmem:s24], [sflag:$0x9] =	stream.linear.gather [hbm4b:s13+s3], $0xA0, $0x38;
	[tilespmem:$0x1E400] =	vst v63  }
0x40: {  	_ =	swait.ge [sflag:s21], $0xA0  }
0x41: {  	[sflag:s21] =	ssyncset.done $0x0  }
0x42: {  	[sflag:s21] =	ssyncadd.s32 $0xFFFFFF60  }
0x43: {  	[tilespmem:s26], [sflag:$0x5] =	stream.indirect.gather [hbm4b:s4+s25], $0x80, s3, s25, $0xb8;
	[tilespmem:$0x1E400] =	vst v63  }
0x44: {  	_ =	swait.ge [sflag:s28], $0x2800  }
0x45: {  	[sflag:s28] =	ssyncset.done $0x0  }
0x46: {  	[sflag:s28] =	ssyncadd.s32 $0xFFFFD800  }
0x47: {  	[bflag:$0x0] =	sbarrier.arrive $0xFFFF  }
0x48: {  	_ =	swait.ge [sflag:s29], $0x5000  }
0x49: {  	[sflag:s29] =	ssyncset.done $0x0  }
0x4a: {  	[sflag:s29] =	ssyncadd.s32 $0xFFFFB000  }
0x4b: {  	[tilespmem:s3], [sflag:$0x1] =	stream.linear.gather [hbm4b:s14+s3], $0xA0, $0x38;
	[tilespmem:$0x1E400] =	vst v63  }
0x4c: {  	_ = 	snop  }
0x4d: {  	[spmem:s2] =	stream.indirect.scatter.add.f32 [tilespmem:s26], [sflag:$0x7], $0x80, s22, s25, $0xb8;
	[tilespmem:$0x1E400] =	vst v63  }
0x4e: {  	_ = 	snop  }
0x4f: {  	[tilespmem:s30], [sflag:$0x6] =	stream.indirect.gather [hbm4b:s4+s25], $0x80, s23, s25, $0xb8;
	[tilespmem:$0x1E400] =	vst v63  }
0x50: {  	_ =	swait.ge [sflag:s31], $0x5000  }
0x51: {  	[sflag:s31] =	ssyncset.done $0x0  }
0x52: {  	[sflag:s31] =	ssyncadd.s32 $0xFFFFB000  }
0x53: {  	[tilespmem:s23], [sflag:$0x2] =	stream.linear.gather [hbm4b:s15+s3], $0xA0, $0x38;
	[tilespmem:$0x1E400] =	vst v63  }
0x54: {  	_ = 	snop  }
0x55: {  	[spmem:s2] =	stream.indirect.scatter.add.f32 [tilespmem:s30], [sflag:$0x8], $0x80, s24, s25, $0xb8;
	[tilespmem:$0x1E400] =	vst v63  }
0x56: {  	_ =	swait.ge [sflag:s28], $0x5000  }
0x57: {  	[sflag:s28] =	ssyncset.done $0x0  }
0x58: {  	[sflag:s28] =	ssyncadd.s32 $0xFFFFB000  }
0x59: {  	[tilespmem:s22], [sflag:$0x3] =	stream.linear.gather [hbm4b:s16+s3], $0xA0, $0x38;
	[tilespmem:$0x1E400] =	vst v63  }
0x5a: {  	_ =	swait.ge [sflag:s0], $0xA0  }
0x5b: {  	[sflag:s0] =	ssyncset.done $0x0  }
0x5c: {  	s11 =	simm.s32 $0x0;
	[sflag:s0] =	ssyncadd.s32 $0xFFFFFF60  }
0x5d: {  	[tilespmem:s26], [sflag:$0x5] =	stream.indirect.gather [hbm4b:s4+s25], $0x80, s3, s25, $0xb8;
	[tilespmem:$0x1E400] =	vst v63  }
.LBB2_2:
0x5e: {  	_ =	swait.ge [sflag:s29], $0x5000  }
0x5f: {  	p0 =	seq.s32 s11, $0x9B0;
	[sflag:s29] =	ssyncset.done $0x0  }
0x60: {  	s12 =	sadd.s32 @!p0 s11, s18;
	s13 =	simm.s32 @!p0 $0x0;
	[sflag:s29] =	ssyncadd.s32 $0xFFFFB000  }
0x61: {  	[tilespmem:s13], [sflag:$0x1] =	stream.linear.gather @!p0 [hbm4b:s12+s13], $0xA0, $0x38;
	[tilespmem:$0x1E400] =	vst v63  }
0x62: {  	_ =	swait.ge [sflag:s1], $0xA0  }
0x63: {  	[sflag:s1] =	ssyncset.done $0x0  }
0x64: {  	[sflag:s1] =	ssyncadd.s32 $0xFFFFFF60  }
0x65: {  	[spmem:s2] =	stream.indirect.scatter.add.f32 [tilespmem:s26], [sflag:$0x7], $0x80, s22, s25, $0xb8;
	[tilespmem:$0x1E400] =	vst v63  }
0x66: {  	_ =	swait.ge [sflag:s5], $0x5000  }
0x67: {  	s12 =	sadd.s32 s11, s17;
	[sflag:s5] =	ssyncset.done $0x0  }
0x68: {  	s13 =	sadd.s32 $0x3C, s12;
	[sflag:s5] =	ssyncadd.s32 $0xFFFFB000  }
0x69: {  	[tilespmem:s24], [sflag:$0x4] =	stream.linear.gather [hbm4b:s13+s3], $0xA0, $0x38;
	[tilespmem:$0x1E400] =	vst v63  }
0x6a: {  	_ =	swait.ge [sflag:s8], $0xA0  }
0x6b: {  	[sflag:s8] =	ssyncset.done $0x0  }
.Ltmp2:
0x6c: {  	[sflag:s8] =	ssyncadd.s32 $0xFFFFFF60;
	(pc) =	sbr.rel @p0 .LBB2_4-.Ltmp2, $4  }
0x6d: {  	[tilespmem:s30], [sflag:$0x6] =	stream.indirect.gather [hbm4b:s4+s25], $0x80, s23, s25, $0xb8;
	[tilespmem:$0x1E400] =	vst v63  }
0x6e: {  	_ =	swait.ge [sflag:s31], $0x5000  }
0x6f: {  	[sflag:s31] =	ssyncset.done $0x0  }
0x70: {  	[sflag:s31] =	ssyncadd.s32 $0xFFFFB000  }
0x71: {  	s13 =	sadd.s32 s11, s19  }
0x72: {  	[tilespmem:s23], [sflag:$0x2] =	stream.linear.gather [hbm4b:s13+s3], $0xA0, $0x38;
	[tilespmem:$0x1E400] =	vst v63  }
0x73: {  	_ =	swait.ge [sflag:s10], $0xA0  }
0x74: {  	[sflag:s10] =	ssyncset.done $0x0  }
0x75: {  	[sflag:s10] =	ssyncadd.s32 $0xFFFFFF60  }
0x76: {  	[spmem:s2] =	stream.indirect.scatter.add.f32 [tilespmem:s30], [sflag:$0x8], $0x80, s24, s25, $0xb8;
	[tilespmem:$0x1E400] =	vst v63  }
0x77: {  	_ =	swait.ge [sflag:s28], $0x5000  }
0x78: {  	[sflag:s28] =	ssyncset.done $0x0  }
0x79: {  	s12 =	sadd.s32 $0x50, s12;
	[sflag:s28] =	ssyncadd.s32 $0xFFFFB000  }
0x7a: {  	[tilespmem:s22], [sflag:$0x3] =	stream.linear.gather [hbm4b:s12+s3], $0xA0, $0x38;
	[tilespmem:$0x1E400] =	vst v63  }
.Ltmp3:
0x7b: {  	_ = 	snop;
	(pc) =	sbr.rel .LBB2_2-.Ltmp3, $4  }
0x7c: {  	_ =	swait.ge [sflag:s0], $0xA0  }
0x7d: {  	[sflag:s0] =	ssyncset.done $0x0  }
0x7e: {  	s11 =	sadd.s32 $0x28, s11;
	[sflag:s0] =	ssyncadd.s32 $0xFFFFFF60  }
0x7f: {  	[tilespmem:s26], [sflag:$0x5] =	stream.indirect.gather [hbm4b:s4+s25], $0x80, s3, s25, $0xb8;
	[tilespmem:$0x1E400] =	vst v63  }
.LBB2_5:
0x80: {  	_ =	sfence.sel $0x180000  }
0x81: {  	[bflag:$0x0] =	sbarrier.arrive $0xFFFF  }
0x82: {  	_ =	strace $0x9000004A  }
0x83: {  	s0 =	stileid.u32;
	[bflag:$0x2] =	sbarrier.arrive $0xFFFF  }
0x84: {  	p0 =	sne.s32 s0, $0x0;
	s0 =	rddreg [dreg:$0x2]  }
0x85: {  	s0 =	sadd.s32 @!p0 $0x100000, s0  }
0x86: {  	[sflag:s0] =	ssyncadd.tile.s32 @!p0 $0x1;
	_ =	shalt  }
.Lfunc_end2:
_tile_overlayer_lowered:
.L_overlay_start_2:
0x87: {  	(tag) =	ssettag $0x2  }
0x88: {  	s0 =	rddreg [dreg:$0x0];
	s2 =	stileid.u32  }
0x89: {  	s1 =	rddreg [dreg:$0x1];
	p0 =	sne.s32 s2, $0x0  }
0x8a: {  	s3 =	rddreg [dreg:$0x2];
	[bflag:$0x3] =	sbarrier.arrive $0xFFFF;
	s2 =	simm.s32 @!p0 $0x1C09  }
0x8b: {  	[timem:s3], [sflag:s2] =	dma.local @!p0 [hbm:s0], s1  }
0x8c: {  	s0 =	simm.s32 @!p0 $0x9  }
0x8d: {  	_ =	swait.ge @!p0 [sflag:s0], s1  }
0x8e: {  	s1 =	ssub.s32 @!p0 $0x0, s1;
	[sflag:s0] =	ssyncset.done @!p0 $0x0  }
0x8f: {  	[sflag:s0] =	ssyncadd.s32 @!p0 s1  }
0x90: {  	[bflag:$0x3] =	sbarrier.arrive $0xFFFF  }
0x91: {  	_ =	shalt  }

// kernel: kernel.14.cloned.1.call-start
scs
__scs_entry_jumppad:
0x0: {  	(pc) =	sbr.rel $0x88, $3  }
0x1: {  	(tag) =	ssettag $0x0;
	lr =	simm.s32 $0x1  }
0x2: {  	[smem:$0x3F92] =	sst lr;
	_ =	strace $0xD0000000  }
0x3: {  	_ = 	snop  }
0x4: {  	_ = 	snop  }
0x5: {  	_ = 	snop  }
0x6: {  	_ = 	snop  }
0x7: {  	_ = 	snop  }
__scs_overlays_trampoline_lowered:
0x8: {  	[smem:$0x3FA1] =	sst s0  }
0x9: {  	[smem:$0x3FA2] =	sst s1  }
0xa: {  	[smem:$0x3FA3] =	sst s2  }
0xb: {  	[smem:$0x3FA4] =	sst s3  }
0xc: {  	[smem:$0x3FA5] =	sst s4  }
0xd: {  	[smem:$0x3FA6] =	sst s5  }
0xe: {  	[smem:$0x3FA7] =	sst s6  }
0xf: {  	[smem:$0x3FA8] =	sst s7  }
0x10: {  	[smem:$0x3FA9] =	sst s8  }
0x11: {  	[smem:$0x3FAA] =	sst s9;
	s0 =	simm.s32 @!p0 $0x0  }
0x12: {  	s1 =	sld [smem:$0x3F90];
	s0 =	simm.s32 @p0 $0x1  }
0x13: {  	[smem:$0x3FAB] =	sst s0;
	s0 =	simm.s32 @!p1 $0x0  }
0x14: {  	s2 =	sld [smem:$0x3F8F];
	s0 =	simm.s32 @p1 $0x1  }
0x15: {  	[smem:$0x3FAC] =	sst s0;
	s0 =	simm.s32 @!p2 $0x0  }
0x16: {  	s3 =	sld [smem:$0x3FDB];
	s0 =	simm.s32 @p2 $0x1  }
0x17: {  	s4 =	simm.s32 $0x1BF5;
	[smem:$0x3FAE] =	sst s0  }
0x18: {  	s0 =	sld [smem:$0x3F91];
	_ =	swait.ge [sflag:s4], $0x0  }
0x19: {  	s7 =	sld [smem:$0x3F92]  }
0x1a: {  	s8 =	sadd.s32 $0xFFFFE003, lr  }
0x1b: {  	s9 =	sadd.s32 $0xFFFFFEF7, lr;
	s5 =	simm.s32 $0xFFFFFFFF;
	p2 =	slt.u32 s8, $0xFFFFF086  }
0x1c: {  	p1 =	slt.u32 s9, $0xF7A;
	s5 =	simm.s32 @!p2 $0x0  }
0x1d: {  	s5 =	simm.s32 @p1 $0x1;
	p0 =	seq.s32 s7, s2  }
0x1e: {  	s7 =	smul.u32 @!p0 $0xF7A, s2;
	p2 =	seq.s32 @!p0 s5, $0x0  }
0x1f: {  	s9 =	smul.u32 $0xF7A, s1;
	s8 =	simm.s32 @!p0 $0x1BF5;
	p2 =	por !p2, p0  }
0x20: {  	[sflag:s8] =	ssyncset.s32 @!p0 $0xFFFFF086;
	s6 =	sadd.s32 @!p0 s3, s7;
	s7 =	simm.s32 @!p0 $0x108  }
0x21: {  	s3 =	sadd.s32 s3, s9;
	s6 =	sadd.s32 @!p0 $0x88, s6;
	s7 =	simm.s32 @p2 $0x1082  }
0x22: {  	[simem:s7], [sflag:s8] =	dma.local @!p0 [hbm:s6], $0xF7A  }
0x23: {  	s9 =	sor.u32 $0xD0000000, s2;
	s6 =	simm.s32 $0x108;
	_ =	swait.ge @!p0 [sflag:s8], $0x0  }
0x24: {  	s3 =	sadd.s32 $0x88, s3;
	s6 =	simm.s32 @!p1 $0x1082;
	[sflag:s4] =	ssyncset.s32 $0xFFFFF086  }
0x25: {  	[simem:s6], [sflag:s4] =	dma.local [hbm:s3], $0xF7A  }
0x26: {  	[smem:$0x3F92] =	sst s1;
	(tag) =	ssettag s2;
	_ =	strace s9  }
0x27: {  	s1 =	sld [smem:$0x3FA2]  }
0x28: {  	s2 =	sld [smem:$0x3FA3]  }
0x29: {  	s4 =	sld [smem:$0x3FA5]  }
0x2a: {  	p0 =	seq.s32 s5, $0x0;
	s5 =	sld [smem:$0x3FA6]  }
0x2b: {  	s6 =	sld [smem:$0x3FA7]  }
0x2c: {  	s7 =	sld [smem:$0x3FA8]  }
0x2d: {  	s3 =	simm.s32 $0x108;
	s8 =	sld [smem:$0x3FA9]  }
0x2e: {  	s3 =	simm.s32 @!p0 $0x1082;
	s9 =	sld [smem:$0x3FAA]  }
0x2f: {  	lr =	sadd.s32 s0, s3;
	s0 =	sld [smem:$0x3FA1]  }
0x30: {  	s3 =	sld [smem:$0x3FA4]  }
0x31: {  	[smem:$0x3FAD] =	sst s10  }
0x32: {  	s10 =	sld [smem:$0x3FAB];
	_ =	sdelay $0x3  }
0x33: {  	p0 =	seq.s32 s10, $0x1;
	s10 =	sld [smem:$0x3FAD];
	_ =	sdelay $0x3  }
0x34: {  	[smem:$0x3FAD] =	sst s10  }
0x35: {  	s10 =	sld [smem:$0x3FAC];
	_ =	sdelay $0x3  }
0x36: {  	p1 =	seq.s32 s10, $0x1;
	s10 =	sld [smem:$0x3FAD];
	_ =	sdelay $0x3  }
0x37: {  	[smem:$0x3FAD] =	sst s10  }
0x38: {  	s10 =	sld [smem:$0x3FAE]  }
0x39: {  	_ = 	snop;
	(pc) =	sbr.ind lr, $3  }
0x3a: {  	_ = 	snop  }
0x3b: {  	_ = 	snop  }
0x3c: {  	p2 =	seq.s32 s10, $0x1;
	s10 =	sld [smem:$0x3FAD]  }
0x3d: {  	_ =	shalt  }
0x3e: {  	_ =	shalt  }
0x3f: {  	_ =	shalt  }
0x40: {  	_ =	shalt  }
0x41: {  	_ =	shalt  }
0x42: {  	_ =	shalt  }
0x43: {  	_ =	shalt  }
0x44: {  	_ =	shalt  }
0x45: {  	_ =	shalt  }
0x46: {  	_ =	shalt  }
0x47: {  	_ =	shalt  }
0x48: {  	_ =	shalt  }
0x49: {  	_ =	shalt  }
0x4a: {  	_ =	shalt  }
0x4b: {  	_ =	shalt  }
0x4c: {  	_ =	shalt  }
0x4d: {  	_ =	shalt  }
0x4e: {  	_ =	shalt  }
0x4f: {  	_ =	shalt  }
0x50: {  	_ =	shalt  }
0x51: {  	_ =	shalt  }
0x52: {  	_ =	shalt  }
0x53: {  	_ =	shalt  }
0x54: {  	_ =	shalt  }
0x55: {  	_ =	shalt  }
0x56: {  	_ =	shalt  }
0x57: {  	_ =	shalt  }
0x58: {  	_ =	shalt  }
0x59: {  	_ =	shalt  }
0x5a: {  	_ =	shalt  }
0x5b: {  	_ =	shalt  }
0x5c: {  	_ =	shalt  }
0x5d: {  	_ =	shalt  }
0x5e: {  	_ =	shalt  }
0x5f: {  	_ =	shalt  }
0x60: {  	_ =	shalt  }
0x61: {  	_ =	shalt  }
0x62: {  	_ =	shalt  }
0x63: {  	_ =	shalt  }
0x64: {  	_ =	shalt  }
0x65: {  	_ =	shalt  }
0x66: {  	_ =	shalt  }
0x67: {  	_ =	shalt  }
0x68: {  	_ =	shalt  }
0x69: {  	_ =	shalt  }
0x6a: {  	_ =	shalt  }
0x6b: {  	_ =	shalt  }
0x6c: {  	_ =	shalt  }
0x6d: {  	_ =	shalt  }
0x6e: {  	_ =	shalt  }
0x6f: {  	_ =	shalt  }
0x70: {  	_ =	shalt  }
0x71: {  	_ =	shalt  }
0x72: {  	_ =	shalt  }
0x73: {  	_ =	shalt  }
0x74: {  	_ =	shalt  }
0x75: {  	_ =	shalt  }
0x76: {  	_ =	shalt  }
0x77: {  	_ =	shalt  }
0x78: {  	_ =	shalt  }
0x79: {  	_ =	shalt  }
0x7a: {  	_ =	shalt  }
0x7b: {  	_ =	shalt  }
0x7c: {  	_ =	shalt  }
0x7d: {  	_ =	shalt  }
0x7e: {  	_ =	shalt  }
0x7f: {  	_ =	shalt  }
0x80: {  	_ =	shalt  }
0x81: {  	_ =	shalt  }
0x82: {  	_ =	shalt  }
0x83: {  	_ =	shalt  }
0x84: {  	_ =	shalt  }
0x85: {  	_ =	shalt  }
0x86: {  	_ =	shalt  }
0x87: {  	_ =	shalt  }
.Lfunc_end0:
.L_simem_size_0:
called_computation.2_lowered:
.L_overlay_start_0:
0x88: {  	s2 =	sld [smem:$0x3FD9]  }
0x89: {  	s3 =	sld [smem:$0x3FFE];
	_ =	sdelay $0x1  }
0x8a: {  	s1 =	srdreg.scid  }
0x8b: {  	s0 =	sand.u32 $0x1, s1  }
0x8c: {  	s16 =	sshll.u32 s0, $0xA;
	s2 =	sadd.s32 s3, s2  }
0x8d: {  	s2 =	sadd.s32 s2, s16  }
0x8e: {  	[smem:$0x3FB9] =	sst s2  }
0x8f: {  	_ = 	snop  }
0x90: {  	(tm) =	ssettm $0x1  }
0x91: {  	s17 =	sld [smem:$0x3FFB];
	_ =	sdelay $0x3  }
0x92: {  	_ =	strace s17  }
0x93: {  	s2 =	sld [smem:$0x3FFC];
	_ =	sdelay $0x3  }
0x94: {  	_ =	strace s2  }
0x95: {  	s2 =	sld [smem:$0x3FFD];
	_ =	sdelay $0x3  }
0x96: {  	_ =	strace s2  }
0x97: {  	_ =	strace $0x8FFFFFFF  }
0x98: {  	s18 =	sld [smem:$0x3FDB];
	_ =	sdelay $0x1  }
0x99: {  	s19 =	simm.s32 $_scs_section_size  }
0x9a: {  	s4 =	simm.s32 $_size__tile_overlayer_lowered;
	s5 =	simm.s32 $_tile_overlayer_lowered  }
0x9b: {  	s22 =	simm.s32 $0x1BFF;
	s21 =	sshll.u32 s5, $0x1;
	s2 =	sadd.s32 s19, s18  }
0x9c: {  	s6 =	simm.s32 $0x0;
	s20 =	sshll.u32 s4, $0x1;
	s4 =	sadd.s32 s21, s2  }
0x9d: {  	[timem:s6], [sflag:s22] =	dma.local [hbm:s4], s20  }
0x9e: {  	_ =	swait.ge [sflag:s22], s20  }
0x9f: {  	s3 =	ssub.s32 $0x0, s20;
	[sflag:s22] =	ssyncset.done $0x0  }
0xa0: {  	[sflag:s22] =	ssyncadd.s32 s3;
	_ =	sdelay $0x1  }
0xa1: {  	s23 =	simm.s32 $0x1B8B  }
0xa2: {  	_ =	swait.ge [sflag:s23], $0x1  }
0xa3: {  	[sflag:s23] =	ssyncset.done $0x0  }
0xa4: {  	s25 =	simm.s32 $0x1B8E;
	s24 =	sld [smem:$0x3FFE];
	[sflag:s23] =	ssyncadd.s32 $0xFFFFFFFF  }
0xa5: {  	s26 =	simm.s32 $execute0_lowered;
	[smem:$0x3FD2] =	sst s25  }
0xa6: {  	s4 =	sshll.u32 s26, $0x1;
	_ =	strace $0x8000004C;
	[dreg:$0x1] =	wrdreg $0xFFFFFFFF  }
0xa7: {  	s28 =	simm.s32 $_size_execute0_lowered;
	s2 =	sadd.s32 s2, s4;
	[dreg:$0x0] =	wrdreg $0x0  }
0xa8: {  	s4 =	sshll.u32 s28, $0x1;
	[dreg:$0x2] =	wrdreg s2  }
0xa9: {  	[dreg:$0x3] =	wrdreg s4  }
0xaa: {  	[dreg:$0x4] =	wrdreg $0xC0  }
0xab: {  	_ =	task [dreg:s6], $0x5FFFF  }
0xac: {  	[dreg:$0x1] =	wrdreg $0xFFFFFFFF  }
0xad: {  	[dreg:$0x0] =	wrdreg $0x60  }
0xae: {  	[dreg:$0x2] =	wrdreg s24  }
0xaf: {  	[dreg:$0x3] =	wrdreg $0x3C000  }
0xb0: {  	[dreg:$0x4] =	wrdreg $0x9  }
0xb1: {  	_ =	task.clear_ibuf [dreg:s6], $0x5FFFF;
	_ =	strace $0x9000004C  }
0xb2: {  	s29 =	simm.s32 $0x9;
	_ =	strace $0x8000004E  }
0xb3: {  	_ =	swait.ge [sflag:s29], $0x1  }
0xb4: {  	[sflag:s29] =	ssyncadd.s32 $0xFFFFFFFF  }
0xb5: {  	_ =	strace $0x9000004E  }
0xb6: {  	_ =	sfence  }
0xb7: {  	s30 =	sld [smem:$0x0];
	_ =	sdelay $0x2  }
0xb8: {  	s31 =	sshll.u32 s1, $0xD;
	s1 =	sshrl.u32 s1, $0x2  }
0xb9: {  	s3 =	sand.u32 $0x4000, s31;
	s1 =	sadd.s32 s1, s30  }
0xba: {  	s0 =	sor.u32 s3, s0;
	s1 =	sshll.u32 s1, $0x11  }
0xbb: {  	s0 =	sor.u32 s1, s0  }
0xbc: {  	s0 =	sadd.s32 $0x8F2B, s0  }
0xbd: {  	[sflag:s0] =	ssyncadd.remote.s32 $0x1  }
0xbe: {  	_ =	sfence.sel $0xFFFF  }
0xbf: {  	[dreg:$0x0] =	wrdreg $0xFFFFFFFF;
	(pc) =	sbr.abs _section_cstart, $3  }
0xc0: {  	[dreg:$0x1] =	wrdreg $0xFFFFFFFF  }
0xc1: {  	_ =	task.clear_ibuf [dreg:s6], $0x2FFFF;
	_ =	strace $0x9FFFFFFF  }
0xc2: {  	(tm) =	ssettm $0x7FFFFFFF  }
0xc3: {  	_ =	shalt  }
tec
execute0_lowered:
.L_overlay_start_1:
0x0: {  	(tag) =	ssettag $0x1  }
0x1: {  	s0 =	rddreg [dreg:$0x0]  }
0x2: {  	s2 =	rddreg [dreg:$0x1]  }
0x3: {  	s31 =	rddreg [dreg:$0x2];
	s3 =	simm.s32 $0x0  }
0x4: {  	s13 =	stileid.u32;
	s5 =	srdreg.scid;
	s25 =	simm.s32 $0x5  }
0x5: {  	s26 =	simm.s32 $0x3;
	p0 =	por $0x0, $0x0;
	s14 =	simm.s32 $0x8  }
0x6: {  	[smem:$0x7FF] =	sst s3;
	s1 =	smul.u32 $0x280, s13;
	s4 =	sadd.s32 $0x4400, s0  }
0x7: {  	s5 =	sand.u32 $0x1, s5;
	s6 =	smul.u32 $0x500, s13;
	s7 =	sadd.s32 $0x2C400, s0  }
0x8: {  	s8 =	sadd.s32 $0x36400, s0;
	s12 =	smul.u32 $0x2800, s13;
	_ =	strace $0x8000004D  }
0x9: {  	s9 =	sshll.u32 s5, $0x7;
	s15 =	smul.u32 $0x28000, s5;
	s11 =	ssub.s32 $0x2, s5  }
0xa: {  	s5 =	sshll.u32 s13, $0x6;
	s13 =	simm.s32 $0x3200;
	s10 =	sshrl.u32 s1, $0x3  }
0xb: {  	s6 =	sor.u32 s9, s6;
	s17 =	sshrl.u32 s11, $0x1;
	s18 =	sor.u32 $0x1C07, s5  }
0xc: {  	s1 =	sadd.s32 s1, s2;
	s6 =	sshrl.u32 s6, $0x3;
	s16 =	sadd.s32 s10, s0  }
0xd: {  	s9 =	sadd.s32 s12, s15;
	s11 =	ssub.s32 s11, s17;
	[dreg:$0x4] =	wrdreg s18  }
0xe: {  	s12 =	simm.s32 $0x1E00;
	s18 =	simm.s32 $0x6;
	s15 =	simm.s32 $0x20  }
0xf: {  	s17 =	simm.s32 $0x10;
	s0 =	sadd.s32 s6, s0;
	s10 =	sadd.s32 $0x40400, s16  }
0x10: {  	s9 =	sshrl.u32 s9, $0x3;
	s23 =	smax.u32 s11, $0x1;
	s11 =	simm.s32 $0x7  }
0x11: {  	[dreg:$0x3] =	wrdreg s10;
	s19 =	sadd.s32 s7, s9;
	s20 =	sadd.s32 s8, s9  }
0x12: {  	s21 =	sadd.s32 $0x140, s9;
	s22 =	sadd.s32 $0x280, s9;
	s9 =	sadd.s32 $0x3C0, s9  }
0x13: {  	s6 =	sadd.s32 $0x4A00, s0;
	s10 =	simm.s32 $0xA00;
	p1 =	sne.s32 s23, $0x1  }
0x14: {  	s0 =	sadd.s32 $0xFFFFFFFF, s23;
	s23 =	simm.s32 $0x2;
	[dreg:$0x5] =	wrdreg s19  }
.Ltmp0:
0x15: {  	[dreg:$0x6] =	wrdreg s20;
	s30 =	sadd.s32 s7, s21;
	(pc) =	sbr.rel @!p1 .LBB2_5-.Ltmp0, $4  }
0x16: {  	s29 =	sadd.s32 s8, s21;
	s28 =	sadd.s32 s7, s22;
	s24 =	sadd.s32 s7, s9  }
0x17: {  	s22 =	sadd.s32 s8, s22;
	s16 =	sadd.s32 s8, s9;
	s8 =	sshrl.u32 s1, $0x3  }
0x18: {  	s7 =	simm.s32 $0x9;
	s19 =	simm.s32 $0x1400;
	s21 =	simm.s32 $0x2800  }
0x19: {  	s9 =	simm.s32 $0x1;
	s20 =	simm.s32 $0x4;
	s1 =	rddreg [dreg:$0x3]  }
0x1a: {  	s31 =	rddreg [dreg:$0x4]  }
0x1b: {  	[spmem:s8], [sflag:s31] =	dma.local [hbm:s1], $0x50  }
0x1c: {  	s1 =	rddreg [dreg:$0x5]  }
0x1d: {  	[tilespmem:s3], [sflag:$0x9] =	stream.linear.gather [hbm4b:s1+s3], $0xA00, $0x38;
	[tilespmem:$0x3E80] =	vst v63  }
0x1e: {  	_ =	swait.ge [sflag:s7], $0xA00  }
0x1f: {  	[sflag:s7] =	ssyncset.done $0x0  }
0x20: {  	s1 =	rddreg [dreg:$0x6];
	[sflag:s7] =	ssyncadd.s32 $0xFFFFF600  }
0x21: {  	[tilespmem:s19], [sflag:$0x9] =	stream.linear.gather [hbm4b:s1+s3], $0xA00, $0x38;
	[tilespmem:$0x3E80] =	vst v63  }
0x22: {  	_ =	swait.ge [sflag:s7], $0xA00  }
0x23: {  	[sflag:s7] =	ssyncset.done $0x0  }
0x24: {  	[sflag:s7] =	ssyncadd.s32 $0xFFFFF600  }
0x25: {  	[tilespmem:s10], [sflag:$0x9] =	stream.linear.gather [hbm4b:s30+s3], $0xA00, $0x38;
	[tilespmem:$0x3E80] =	vst v63  }
0x26: {  	_ =	swait.ge [sflag:s7], $0xA00  }
0x27: {  	[sflag:s7] =	ssyncset.done $0x0  }
0x28: {  	[sflag:s7] =	ssyncadd.s32 $0xFFFFF600  }
0x29: {  	[tilespmem:s12], [sflag:$0x9] =	stream.linear.gather [hbm4b:s29+s3], $0xA00, $0x38;
	[tilespmem:$0x3E80] =	vst v63  }
0x2a: {  	_ =	swait.ge [sflag:s7], $0xA00  }
0x2b: {  	[sflag:s7] =	ssyncset.done $0x0  }
0x2c: {  	[sflag:s7] =	ssyncadd.s32 $0xFFFFF600  }
0x2d: {  	[tilespmem:s21], [sflag:$0x5] =	stream.indirect.gather [hbm4b:s4+s10], $0x1, s3, s10, $0xb8;
	[tilespmem:$0x3E80] =	vst v63  }
0x2e: {  	_ =	swait.ge [sflag:s11], $0x50  }
0x2f: {  	[sflag:s11] =	ssyncset.done $0x0  }
0x30: {  	[sflag:s11] =	ssyncadd.s32 $0xFFFFFFB0  }
0x31: {  	[bflag:$0x0] =	sbarrier.arrive $0xFFFF  }
0x32: {  	_ =	swait.ge [sflag:s25], $0xA00  }
0x33: {  	[sflag:s25] =	ssyncset.done $0x0  }
0x34: {  	[sflag:s25] =	ssyncadd.s32 $0xFFFFF600  }
0x35: {  	[tilespmem:s3], [sflag:$0x1] =	stream.linear.gather [hbm4b:s28+s3], $0xA00, $0x38;
	[tilespmem:$0x3E80] =	vst v63  }
0x36: {  	_ = 	snop  }
0x37: {  	[spmem:s2] =	stream.indirect.scatter.add.f32 [tilespmem:s21], [sflag:$0x7], $0x1, s19, s10, $0xb8;
	[tilespmem:$0x3E80] =	vst v63  }
0x38: {  	_ = 	snop  }
0x39: {  	[tilespmem:s13], [sflag:$0x6] =	stream.indirect.gather [hbm4b:s4+s10], $0x1, s10, s10, $0xb8;
	[tilespmem:$0x3E80] =	vst v63  }
0x3a: {  	_ =	swait.ge [sflag:s18], $0xA00  }
0x3b: {  	[sflag:s18] =	ssyncset.done $0x0  }
0x3c: {  	[sflag:s18] =	ssyncadd.s32 $0xFFFFF600  }
0x3d: {  	[tilespmem:s10], [sflag:$0x2] =	stream.linear.gather [hbm4b:s24+s3], $0xA00, $0x38;
	[tilespmem:$0x3E80] =	vst v63  }
0x3e: {  	_ = 	snop  }
0x3f: {  	[spmem:s2] =	stream.indirect.scatter.add.f32 [tilespmem:s13], [sflag:$0x8], $0x1, s12, s10, $0xb8;
	[tilespmem:$0x3E80] =	vst v63  }
0x40: {  	_ =	swait.ge [sflag:s11], $0xA00  }
0x41: {  	[sflag:s11] =	ssyncset.done $0x0  }
0x42: {  	[sflag:s11] =	ssyncadd.s32 $0xFFFFF600  }
0x43: {  	[tilespmem:s19], [sflag:$0x3] =	stream.linear.gather [hbm4b:s22+s3], $0xA00, $0x38;
	[tilespmem:$0x3E80] =	vst v63  }
0x44: {  	_ =	swait.ge [sflag:s9], $0xA00  }
0x45: {  	[sflag:s9] =	ssyncset.done $0x0  }
0x46: {  	[sflag:s9] =	ssyncadd.s32 $0xFFFFF600  }
0x47: {  	[tilespmem:s21], [sflag:$0x5] =	stream.indirect.gather [hbm4b:s4+s10], $0x1, s3, s10, $0xb8;
	[tilespmem:$0x3E80] =	vst v63  }
0x48: {  	_ =	swait.ge [sflag:s25], $0xA00  }
0x49: {  	[sflag:s25] =	ssyncset.done $0x0  }
0x4a: {  	[sflag:s25] =	ssyncadd.s32 $0xFFFFF600  }
0x4b: {  	_ =	swait.ge [sflag:s26], $0xA00  }
0x4c: {  	[sflag:s26] =	ssyncset.done $0x0  }
0x4d: {  	[sflag:s26] =	ssyncadd.s32 $0xFFFFF600  }
0x4e: {  	[spmem:s2] =	stream.indirect.scatter.add.f32 [tilespmem:s21], [sflag:$0x7], $0x1, s19, s10, $0xb8;
	[tilespmem:$0x3E80] =	vst v63  }
0x4f: {  	_ =	swait.ge [sflag:s14], $0xA00  }
0x50: {  	[sflag:s14] =	ssyncset.done $0x0  }
0x51: {  	[sflag:s14] =	ssyncadd.s32 $0xFFFFF600  }
0x52: {  	[tilespmem:s12], [sflag:$0x4] =	stream.linear.gather [hbm4b:s16+s3], $0xA00, $0x38;
	[tilespmem:$0x3E80] =	vst v63  }
0x53: {  	_ =	swait.ge [sflag:s23], $0xA00  }
0x54: {  	[sflag:s23] =	ssyncset.done $0x0  }
0x55: {  	[sflag:s23] =	ssyncadd.s32 $0xFFFFF600  }
0x56: {  	[tilespmem:s13], [sflag:$0x6] =	stream.indirect.gather [hbm4b:s4+s10], $0x1, s10, s10, $0xb8;
	[tilespmem:$0x3E80] =	vst v63  }
0x57: {  	_ =	swait.ge [sflag:s18], $0xA00  }
0x58: {  	[sflag:s18] =	ssyncset.done $0x0  }
0x59: {  	[sflag:s18] =	ssyncadd.s32 $0xFFFFF600  }
0x5a: {  	_ =	swait.ge [sflag:s20], $0xA00  }
0x5b: {  	[sflag:s20] =	ssyncset.done $0x0  }
0x5c: {  	[sflag:s20] =	ssyncadd.s32 $0xFFFFF600  }
0x5d: {  	[spmem:s2] =	stream.indirect.scatter.add.f32 [tilespmem:s13], [sflag:$0x8], $0x1, s12, s10, $0xb8;
	[tilespmem:$0x3E80] =	vst v63  }
0x5e: {  	_ =	swait.ge [sflag:s11], $0xA00  }
0x5f: {  	[sflag:s11] =	ssyncset.done $0x0  }
0x60: {  	[sflag:s11] =	ssyncadd.s32 $0xFFFFF600  }
0x61: {  	_ =	swait.ge [sflag:s14], $0xA00  }
0x62: {  	[sflag:s14] =	ssyncset.done $0x0  }
0x63: {  	p1 =	sne.s32 s0, $0x1;
	[sflag:s14] =	ssyncadd.s32 $0xFFFFF600  }
.Ltmp1:
0x64: {  	[bflag:$0x0] =	sbarrier.arrive $0xFFFF;
	(pc) =	sbr.rel @!p1 .LBB2_2-.Ltmp1, $4  }
0x65: {  	s31 =	sor.u32 $0x1C09, s5;
	[dreg:$0x7] =	wrdreg s5  }
0x66: {  	[hbm:s6@s15], [sflag:s31] =	dma.strided [spmem:s8@s17], $0x50, s9, $0x10   }
0x67: {  	s0 =	sadd.s32 $0xFFFFFFFF, s0;
	_ =	swait.ge [sflag:s7], $0x50  }
0x68: {  	p0 =	por $0x1, $0x1;
	s1 =	rddreg [dreg:$0x3];
	[sflag:s7] =	ssyncset.done $0x0  }
.LBB2_3:
0x69: {  	s5 =	rddreg [dreg:$0x4];
	[sflag:s7] =	ssyncadd.s32 $0xFFFFFFB0  }
0x6a: {  	[spmem:s8], [sflag:s5] =	dma.local [hbm:s1], $0x50  }
0x6b: {  	s1 =	rddreg [dreg:$0x5]  }
0x6c: {  	[tilespmem:s3], [sflag:$0x9] =	stream.linear.gather [hbm4b:s1+s3], $0xA00, $0x38;
	[tilespmem:$0x3E80] =	vst v63  }
0x6d: {  	_ =	swait.ge [sflag:s7], $0xA00  }
0x6e: {  	[sflag:s7] =	ssyncset.done $0x0  }
0x6f: {  	s5 =	rddreg [dreg:$0x6];
	[sflag:s7] =	ssyncadd.s32 $0xFFFFF600  }
0x70: {  	[tilespmem:s19], [sflag:$0x9] =	stream.linear.gather [hbm4b:s5+s3], $0xA00, $0x38;
	[tilespmem:$0x3E80] =	vst v63  }
0x71: {  	_ =	swait.ge [sflag:s7], $0xA00  }
0x72: {  	[sflag:s7] =	ssyncset.done $0x0  }
0x73: {  	[sflag:s7] =	ssyncadd.s32 $0xFFFFF600  }
0x74: {  	[tilespmem:s10], [sflag:$0x9] =	stream.linear.gather [hbm4b:s30+s3], $0xA00, $0x38;
	[tilespmem:$0x3E80] =	vst v63  }
0x75: {  	_ =	swait.ge [sflag:s7], $0xA00  }
0x76: {  	[sflag:s7] =	ssyncset.done $0x0  }
0x77: {  	[sflag:s7] =	ssyncadd.s32 $0xFFFFF600  }
0x78: {  	[tilespmem:s12], [sflag:$0x9] =	stream.linear.gather [hbm4b:s29+s3], $0xA00, $0x38;
	[tilespmem:$0x3E80] =	vst v63  }
0x79: {  	_ =	swait.ge [sflag:s7], $0xA00  }
0x7a: {  	[sflag:s7] =	ssyncset.done $0x0  }
0x7b: {  	[sflag:s7] =	ssyncadd.s32 $0xFFFFF600  }
0x7c: {  	[tilespmem:s21], [sflag:$0x5] =	stream.indirect.gather [hbm4b:s4+s10], $0x1, s3, s10, $0xb8;
	[tilespmem:$0x3E80] =	vst v63  }
0x7d: {  	_ =	swait.ge [sflag:s11], $0x50  }
0x7e: {  	[sflag:s11] =	ssyncset.done $0x0  }
0x7f: {  	[sflag:s11] =	ssyncadd.s32 $0xFFFFFFB0  }
0x80: {  	[bflag:$0x0] =	sbarrier.arrive $0xFFFF  }
0x81: {  	_ =	swait.ge [sflag:s25], $0xA00  }
0x82: {  	[sflag:s25] =	ssyncset.done $0x0  }
0x83: {  	[sflag:s25] =	ssyncadd.s32 $0xFFFFF600  }
0x84: {  	[tilespmem:s3], [sflag:$0x1] =	stream.linear.gather [hbm4b:s28+s3], $0xA00, $0x38;
	[tilespmem:$0x3E80] =	vst v63  }
0x85: {  	_ = 	snop  }
0x86: {  	[spmem:s2] =	stream.indirect.scatter.add.f32 [tilespmem:s21], [sflag:$0x7], $0x1, s19, s10, $0xb8;
	[tilespmem:$0x3E80] =	vst v63  }
0x87: {  	_ = 	snop  }
0x88: {  	[tilespmem:s13], [sflag:$0x6] =	stream.indirect.gather [hbm4b:s4+s10], $0x1, s10, s10, $0xb8;
	[tilespmem:$0x3E80] =	vst v63  }
0x89: {  	_ =	swait.ge [sflag:s18], $0xA00  }
0x8a: {  	[sflag:s18] =	ssyncset.done $0x0  }
0x8b: {  	[sflag:s18] =	ssyncadd.s32 $0xFFFFF600  }
0x8c: {  	[tilespmem:s10], [sflag:$0x2] =	stream.linear.gather [hbm4b:s24+s3], $0xA00, $0x38;
	[tilespmem:$0x3E80] =	vst v63  }
0x8d: {  	_ = 	snop  }
0x8e: {  	[spmem:s2] =	stream.indirect.scatter.add.f32 [tilespmem:s13], [sflag:$0x8], $0x1, s12, s10, $0xb8;
	[tilespmem:$0x3E80] =	vst v63  }
0x8f: {  	_ =	swait.ge [sflag:s11], $0xA00  }
0x90: {  	[sflag:s11] =	ssyncset.done $0x0  }
0x91: {  	[sflag:s11] =	ssyncadd.s32 $0xFFFFF600  }
0x92: {  	[tilespmem:s19], [sflag:$0x3] =	stream.linear.gather [hbm4b:s22+s3], $0xA00, $0x38;
	[tilespmem:$0x3E80] =	vst v63  }
0x93: {  	_ =	swait.ge [sflag:s9], $0xA00  }
0x94: {  	[sflag:s9] =	ssyncset.done $0x0  }
0x95: {  	[sflag:s9] =	ssyncadd.s32 $0xFFFFF600  }
0x96: {  	[tilespmem:s21], [sflag:$0x5] =	stream.indirect.gather [hbm4b:s4+s10], $0x1, s3, s10, $0xb8;
	[tilespmem:$0x3E80] =	vst v63  }
0x97: {  	_ =	swait.ge [sflag:s25], $0xA00  }
0x98: {  	[sflag:s25] =	ssyncset.done $0x0  }
0x99: {  	[sflag:s25] =	ssyncadd.s32 $0xFFFFF600  }
0x9a: {  	_ =	swait.ge [sflag:s26], $0xA00  }
0x9b: {  	[sflag:s26] =	ssyncset.done $0x0  }
0x9c: {  	[sflag:s26] =	ssyncadd.s32 $0xFFFFF600  }
0x9d: {  	[spmem:s2] =	stream.indirect.scatter.add.f32 [tilespmem:s21], [sflag:$0x7], $0x1, s19, s10, $0xb8;
	[tilespmem:$0x3E80] =	vst v63  }
0x9e: {  	_ =	swait.ge [sflag:s14], $0xA00  }
0x9f: {  	[sflag:s14] =	ssyncset.done $0x0  }
0xa0: {  	[sflag:s14] =	ssyncadd.s32 $0xFFFFF600  }
0xa1: {  	[tilespmem:s12], [sflag:$0x4] =	stream.linear.gather [hbm4b:s16+s3], $0xA00, $0x38;
	[tilespmem:$0x3E80] =	vst v63  }
0xa2: {  	_ =	swait.ge [sflag:s23], $0xA00  }
0xa3: {  	[sflag:s23] =	ssyncset.done $0x0  }
0xa4: {  	[sflag:s23] =	ssyncadd.s32 $0xFFFFF600  }
0xa5: {  	[tilespmem:s13], [sflag:$0x6] =	stream.indirect.gather [hbm4b:s4+s10], $0x1, s10, s10, $0xb8;
	[tilespmem:$0x3E80] =	vst v63  }
0xa6: {  	_ =	swait.ge [sflag:s18], $0xA00  }
0xa7: {  	[sflag:s18] =	ssyncset.done $0x0  }
0xa8: {  	[sflag:s18] =	ssyncadd.s32 $0xFFFFF600  }
0xa9: {  	_ =	swait.ge [sflag:s20], $0xA00  }
0xaa: {  	[sflag:s20] =	ssyncset.done $0x0  }
0xab: {  	[sflag:s20] =	ssyncadd.s32 $0xFFFFF600  }
0xac: {  	[spmem:s2] =	stream.indirect.scatter.add.f32 [tilespmem:s13], [sflag:$0x8], $0x1, s12, s10, $0xb8;
	[tilespmem:$0x3E80] =	vst v63  }
0xad: {  	_ =	swait.ge [sflag:s11], $0xA00  }
0xae: {  	[sflag:s11] =	ssyncset.done $0x0  }
0xaf: {  	[sflag:s11] =	ssyncadd.s32 $0xFFFFF600  }
0xb0: {  	_ =	swait.ge [sflag:s14], $0xA00  }
0xb1: {  	p1 =	sne.s32 s0, $0x1;
	[sflag:s14] =	ssyncset.done $0x0  }
.Ltmp2:
0xb2: {  	[sflag:s14] =	ssyncadd.s32 $0xFFFFF600;
	(pc) =	sbr.rel @p1 .LBB2_3-.Ltmp2, $4  }
0xb3: {  	[bflag:$0x0] =	sbarrier.arrive $0xFFFF  }
0xb4: {  	[hbm:s6@s15], [sflag:s31] =	dma.strided [spmem:s8@s17], $0x50, s9, $0x10   }
0xb5: {  	_ =	swait.ge [sflag:s7], $0x50  }
0xb6: {  	s0 =	sadd.s32 $0xFFFFFFFF, s0;
	s1 =	rddreg [dreg:$0x3];
	[sflag:s7] =	ssyncset.done $0x0  }
0xb7: {  	s31 =	rddreg [dreg:$0x2]  }
0xb8: {  	s5 =	rddreg [dreg:$0x7]  }
.LBB2_5:
0xb9: {  	s0 =	rddreg [dreg:$0x4];
	[sflag:s7] =	ssyncadd.s32 @p0 $0xFFFFFFB0  }
0xba: {  	[spmem:s8], [sflag:s0] =	dma.local [hbm:s1], $0x50  }
0xbb: {  	s0 =	rddreg [dreg:$0x5]  }
0xbc: {  	[tilespmem:s3], [sflag:$0x9] =	stream.linear.gather [hbm4b:s0+s3], $0xA00, $0x38;
	[tilespmem:$0x3E80] =	vst v63  }
0xbd: {  	_ =	swait.ge [sflag:s7], $0xA00  }
0xbe: {  	[sflag:s7] =	ssyncset.done $0x0  }
0xbf: {  	s1 =	rddreg [dreg:$0x6];
	[sflag:s7] =	ssyncadd.s32 $0xFFFFF600  }
0xc0: {  	[tilespmem:s19], [sflag:$0x9] =	stream.linear.gather [hbm4b:s1+s3], $0xA00, $0x38;
	[tilespmem:$0x3E80] =	vst v63  }
0xc1: {  	_ =	swait.ge [sflag:s7], $0xA00  }
0xc2: {  	[sflag:s7] =	ssyncset.done $0x0  }
0xc3: {  	[sflag:s7] =	ssyncadd.s32 $0xFFFFF600  }
0xc4: {  	[tilespmem:s10], [sflag:$0x9] =	stream.linear.gather [hbm4b:s30+s3], $0xA00, $0x38;
	[tilespmem:$0x3E80] =	vst v63  }
0xc5: {  	_ =	swait.ge [sflag:s7], $0xA00  }
0xc6: {  	[sflag:s7] =	ssyncset.done $0x0  }
0xc7: {  	[sflag:s7] =	ssyncadd.s32 $0xFFFFF600  }
0xc8: {  	[tilespmem:s12], [sflag:$0x9] =	stream.linear.gather [hbm4b:s29+s3], $0xA00, $0x38;
	[tilespmem:$0x3E80] =	vst v63  }
0xc9: {  	_ =	swait.ge [sflag:s7], $0xA00  }
0xca: {  	[sflag:s7] =	ssyncset.done $0x0  }
0xcb: {  	[sflag:s7] =	ssyncadd.s32 $0xFFFFF600  }
0xcc: {  	[tilespmem:s21], [sflag:$0x5] =	stream.indirect.gather [hbm4b:s4+s10], $0x1, s3, s10, $0xb8;
	[tilespmem:$0x3E80] =	vst v63  }
0xcd: {  	_ =	swait.ge [sflag:s11], $0x50  }
0xce: {  	[sflag:s11] =	ssyncset.done $0x0  }
0xcf: {  	[sflag:s11] =	ssyncadd.s32 $0xFFFFFFB0  }
0xd0: {  	[bflag:$0x0] =	sbarrier.arrive $0xFFFF  }
0xd1: {  	_ =	swait.ge [sflag:s25], $0xA00  }
0xd2: {  	[sflag:s25] =	ssyncset.done $0x0  }
0xd3: {  	[sflag:s25] =	ssyncadd.s32 $0xFFFFF600  }
0xd4: {  	[tilespmem:s3], [sflag:$0x1] =	stream.linear.gather [hbm4b:s28+s3], $0xA00, $0x38;
	[tilespmem:$0x3E80] =	vst v63  }
0xd5: {  	_ = 	snop  }
0xd6: {  	[spmem:s2] =	stream.indirect.scatter.add.f32 [tilespmem:s21], [sflag:$0x7], $0x1, s19, s10, $0xb8;
	[tilespmem:$0x3E80] =	vst v63  }
0xd7: {  	_ = 	snop  }
0xd8: {  	[tilespmem:s13], [sflag:$0x6] =	stream.indirect.gather [hbm4b:s4+s10], $0x1, s10, s10, $0xb8;
	[tilespmem:$0x3E80] =	vst v63  }
0xd9: {  	_ =	swait.ge [sflag:s18], $0xA00  }
0xda: {  	[sflag:s18] =	ssyncset.done $0x0  }
0xdb: {  	[sflag:s18] =	ssyncadd.s32 $0xFFFFF600  }
0xdc: {  	[tilespmem:s10], [sflag:$0x2] =	stream.linear.gather [hbm4b:s24+s3], $0xA00, $0x38;
	[tilespmem:$0x3E80] =	vst v63  }
0xdd: {  	_ = 	snop  }
0xde: {  	[spmem:s2] =	stream.indirect.scatter.add.f32 [tilespmem:s13], [sflag:$0x8], $0x1, s12, s10, $0xb8;
	[tilespmem:$0x3E80] =	vst v63  }
0xdf: {  	_ =	swait.ge [sflag:s11], $0xA00  }
0xe0: {  	[sflag:s11] =	ssyncset.done $0x0  }
0xe1: {  	[sflag:s11] =	ssyncadd.s32 $0xFFFFF600  }
0xe2: {  	[tilespmem:s19], [sflag:$0x3] =	stream.linear.gather [hbm4b:s22+s3], $0xA00, $0x38;
	[tilespmem:$0x3E80] =	vst v63  }
0xe3: {  	_ =	swait.ge [sflag:s9], $0xA00  }
0xe4: {  	[sflag:s9] =	ssyncset.done $0x0  }
0xe5: {  	[sflag:s9] =	ssyncadd.s32 $0xFFFFF600  }
0xe6: {  	[tilespmem:s21], [sflag:$0x5] =	stream.indirect.gather [hbm4b:s4+s10], $0x1, s3, s10, $0xb8;
	[tilespmem:$0x3E80] =	vst v63  }
0xe7: {  	_ =	swait.ge [sflag:s25], $0xA00  }
0xe8: {  	[sflag:s25] =	ssyncset.done $0x0  }
0xe9: {  	[sflag:s25] =	ssyncadd.s32 $0xFFFFF600  }
0xea: {  	_ =	swait.ge [sflag:s26], $0xA00  }
0xeb: {  	[sflag:s26] =	ssyncset.done $0x0  }
0xec: {  	[sflag:s26] =	ssyncadd.s32 $0xFFFFF600  }
0xed: {  	[spmem:s2] =	stream.indirect.scatter.add.f32 [tilespmem:s21], [sflag:$0x7], $0x1, s19, s10, $0xb8;
	[tilespmem:$0x3E80] =	vst v63  }
0xee: {  	_ =	swait.ge [sflag:s14], $0xA00  }
0xef: {  	[sflag:s14] =	ssyncset.done $0x0  }
0xf0: {  	[sflag:s14] =	ssyncadd.s32 $0xFFFFF600  }
0xf1: {  	[tilespmem:s12], [sflag:$0x4] =	stream.linear.gather [hbm4b:s16+s3], $0xA00, $0x38;
	[tilespmem:$0x3E80] =	vst v63  }
0xf2: {  	_ =	swait.ge [sflag:s23], $0xA00  }
0xf3: {  	[sflag:s23] =	ssyncset.done $0x0  }
0xf4: {  	[sflag:s23] =	ssyncadd.s32 $0xFFFFF600  }
0xf5: {  	[tilespmem:s13], [sflag:$0x6] =	stream.indirect.gather [hbm4b:s4+s10], $0x1, s10, s10, $0xb8;
	[tilespmem:$0x3E80] =	vst v63  }
0xf6: {  	_ =	swait.ge [sflag:s18], $0xA00  }
0xf7: {  	[sflag:s18] =	ssyncset.done $0x0  }
0xf8: {  	[sflag:s18] =	ssyncadd.s32 $0xFFFFF600  }
0xf9: {  	_ =	swait.ge [sflag:s20], $0xA00  }
0xfa: {  	[sflag:s20] =	ssyncset.done $0x0  }
0xfb: {  	[sflag:s20] =	ssyncadd.s32 $0xFFFFF600  }
0xfc: {  	[spmem:s2] =	stream.indirect.scatter.add.f32 [tilespmem:s13], [sflag:$0x8], $0x1, s12, s10, $0xb8;
	[tilespmem:$0x3E80] =	vst v63  }
0xfd: {  	_ =	swait.ge [sflag:s11], $0xA00  }
0xfe: {  	[sflag:s11] =	ssyncset.done $0x0  }
0xff: {  	[sflag:s11] =	ssyncadd.s32 $0xFFFFF600  }
0x100: {  	_ =	swait.ge [sflag:s14], $0xA00  }
0x101: {  	[sflag:s14] =	ssyncset.done $0x0  }
0x102: {  	[sflag:s14] =	ssyncadd.s32 $0xFFFFF600  }
0x103: {  	s29 =	sor.u32 $0x1C09, s5;
	[bflag:$0x0] =	sbarrier.arrive $0xFFFF  }
0x104: {  	[hbm:s6@s15], [sflag:s29] =	dma.strided [spmem:s8@s17], $0x50, s9, $0x10   }
0x105: {  	_ =	swait.ge [sflag:s7], $0x50  }
0x106: {  	[sflag:s7] =	ssyncset.done $0x0  }
0x107: {  	[sflag:s7] =	ssyncadd.s32 $0xFFFFFFB0  }
0x108: {  	_ =	sfence.sel $0x180000  }
0x109: {  	s30 =	stileid.u32;
	[bflag:$0x0] =	sbarrier.arrive $0xFFFF  }
0x10a: {  	p0 =	sne.s32 s30, $0x0;
	_ =	strace $0x9000004D  }
0x10b: {  	s0 =	sadd.s32 @!p0 $0x100000, s31;
	[bflag:$0x2] =	sbarrier.arrive $0xFFFF  }
0x10c: {  	[sflag:s0] =	ssyncadd.tile.s32 @!p0 $0x1;
	_ =	shalt  }
.LBB2_2:
.Ltmp3:
0x10d: {  	(pc) =	sbr.rel .LBB2_5-.Ltmp3, $3  }
0x10e: {  	_ =	sdelay $0x1  }
0x10f: {  	s31 =	rddreg [dreg:$0x2]  }
0x110: {  	s5 =	rddreg [dreg:$0x7]  }
.Lfunc_end2:
_tile_overlayer_lowered:
.L_overlay_start_2:
0x111: {  	(tag) =	ssettag $0x2  }
0x112: {  	s0 =	rddreg [dreg:$0x0];
	s2 =	stileid.u32  }
0x113: {  	s1 =	rddreg [dreg:$0x1];
	p0 =	sne.s32 s2, $0x0  }
0x114: {  	s3 =	rddreg [dreg:$0x2];
	[bflag:$0x3] =	sbarrier.arrive $0xFFFF;
	s2 =	simm.s32 @!p0 $0x1C09  }
0x115: {  	[timem:s3], [sflag:s2] =	dma.local @!p0 [hbm:s0], s1  }
0x116: {  	s0 =	simm.s32 @!p0 $0x9  }
0x117: {  	_ =	swait.ge @!p0 [sflag:s0], s1  }
0x118: {  	s1 =	ssub.s32 @!p0 $0x0, s1;
	[sflag:s0] =	ssyncset.done @!p0 $0x0  }
0x119: {  	[sflag:s0] =	ssyncadd.s32 @!p0 s1  }
0x11a: {  	[bflag:$0x3] =	sbarrier.arrive $0xFFFF  }
0x11b: {  	_ =	shalt  }

// kernel: kernel.8.cloned.1.call-start
scs
__scs_entry_jumppad:
0x0: {  	(pc) =	sbr.rel $0x88, $3  }
0x1: {  	(tag) =	ssettag $0x0;
	lr =	simm.s32 $0x1  }
0x2: {  	[smem:$0x3F92] =	sst lr;
	_ =	strace $0xD0000000  }
0x3: {  	_ = 	snop  }
0x4: {  	_ = 	snop  }
0x5: {  	_ = 	snop  }
0x6: {  	_ = 	snop  }
0x7: {  	_ = 	snop  }
__scs_overlays_trampoline_lowered:
0x8: {  	[smem:$0x3FA1] =	sst s0  }
0x9: {  	[smem:$0x3FA2] =	sst s1  }
0xa: {  	[smem:$0x3FA3] =	sst s2  }
0xb: {  	[smem:$0x3FA4] =	sst s3  }
0xc: {  	[smem:$0x3FA5] =	sst s4  }
0xd: {  	[smem:$0x3FA6] =	sst s5  }
0xe: {  	[smem:$0x3FA7] =	sst s6  }
0xf: {  	[smem:$0x3FA8] =	sst s7  }
0x10: {  	[smem:$0x3FA9] =	sst s8  }
0x11: {  	[smem:$0x3FAA] =	sst s9;
	s0 =	simm.s32 @!p0 $0x0  }
0x12: {  	s1 =	sld [smem:$0x3F90];
	s0 =	simm.s32 @p0 $0x1  }
0x13: {  	[smem:$0x3FAB] =	sst s0;
	s0 =	simm.s32 @!p1 $0x0  }
0x14: {  	s2 =	sld [smem:$0x3F8F];
	s0 =	simm.s32 @p1 $0x1  }
0x15: {  	[smem:$0x3FAC] =	sst s0;
	s0 =	simm.s32 @!p2 $0x0  }
0x16: {  	s3 =	sld [smem:$0x3FDB];
	s0 =	simm.s32 @p2 $0x1  }
0x17: {  	s4 =	simm.s32 $0x1BF5;
	[smem:$0x3FAE] =	sst s0  }
0x18: {  	s0 =	sld [smem:$0x3F91];
	_ =	swait.ge [sflag:s4], $0x0  }
0x19: {  	s7 =	sld [smem:$0x3F92]  }
0x1a: {  	s8 =	sadd.s32 $0xFFFFE003, lr  }
0x1b: {  	s9 =	sadd.s32 $0xFFFFFEF7, lr;
	s5 =	simm.s32 $0xFFFFFFFF;
	p2 =	slt.u32 s8, $0xFFFFF086  }
0x1c: {  	p1 =	slt.u32 s9, $0xF7A;
	s5 =	simm.s32 @!p2 $0x0  }
0x1d: {  	s5 =	simm.s32 @p1 $0x1;
	p0 =	seq.s32 s7, s2  }
0x1e: {  	s7 =	smul.u32 @!p0 $0xF7A, s2;
	p2 =	seq.s32 @!p0 s5, $0x0  }
0x1f: {  	s9 =	smul.u32 $0xF7A, s1;
	s8 =	simm.s32 @!p0 $0x1BF5;
	p2 =	por !p2, p0  }
0x20: {  	[sflag:s8] =	ssyncset.s32 @!p0 $0xFFFFF086;
	s6 =	sadd.s32 @!p0 s3, s7;
	s7 =	simm.s32 @!p0 $0x108  }
0x21: {  	s3 =	sadd.s32 s3, s9;
	s6 =	sadd.s32 @!p0 $0x88, s6;
	s7 =	simm.s32 @p2 $0x1082  }
0x22: {  	[simem:s7], [sflag:s8] =	dma.local @!p0 [hbm:s6], $0xF7A  }
0x23: {  	s9 =	sor.u32 $0xD0000000, s2;
	s6 =	simm.s32 $0x108;
	_ =	swait.ge @!p0 [sflag:s8], $0x0  }
0x24: {  	s3 =	sadd.s32 $0x88, s3;
	s6 =	simm.s32 @!p1 $0x1082;
	[sflag:s4] =	ssyncset.s32 $0xFFFFF086  }
0x25: {  	[simem:s6], [sflag:s4] =	dma.local [hbm:s3], $0xF7A  }
0x26: {  	[smem:$0x3F92] =	sst s1;
	(tag) =	ssettag s2;
	_ =	strace s9  }
0x27: {  	s1 =	sld [smem:$0x3FA2]  }
0x28: {  	s2 =	sld [smem:$0x3FA3]  }
0x29: {  	s4 =	sld [smem:$0x3FA5]  }
0x2a: {  	p0 =	seq.s32 s5, $0x0;
	s5 =	sld [smem:$0x3FA6]  }
0x2b: {  	s6 =	sld [smem:$0x3FA7]  }
0x2c: {  	s7 =	sld [smem:$0x3FA8]  }
0x2d: {  	s3 =	simm.s32 $0x108;
	s8 =	sld [smem:$0x3FA9]  }
0x2e: {  	s3 =	simm.s32 @!p0 $0x1082;
	s9 =	sld [smem:$0x3FAA]  }
0x2f: {  	lr =	sadd.s32 s0, s3;
	s0 =	sld [smem:$0x3FA1]  }
0x30: {  	s3 =	sld [smem:$0x3FA4]  }
0x31: {  	[smem:$0x3FAD] =	sst s10  }
0x32: {  	s10 =	sld [smem:$0x3FAB];
	_ =	sdelay $0x3  }
0x33: {  	p0 =	seq.s32 s10, $0x1;
	s10 =	sld [smem:$0x3FAD];
	_ =	sdelay $0x3  }
0x34: {  	[smem:$0x3FAD] =	sst s10  }
0x35: {  	s10 =	sld [smem:$0x3FAC];
	_ =	sdelay $0x3  }
0x36: {  	p1 =	seq.s32 s10, $0x1;
	s10 =	sld [smem:$0x3FAD];
	_ =	sdelay $0x3  }
0x37: {  	[smem:$0x3FAD] =	sst s10  }
0x38: {  	s10 =	sld [smem:$0x3FAE]  }
0x39: {  	_ = 	snop;
	(pc) =	sbr.ind lr, $3  }
0x3a: {  	_ = 	snop  }
0x3b: {  	_ = 	snop  }
0x3c: {  	p2 =	seq.s32 s10, $0x1;
	s10 =	sld [smem:$0x3FAD]  }
0x3d: {  	_ =	shalt  }
0x3e: {  	_ =	shalt  }
0x3f: {  	_ =	shalt  }
0x40: {  	_ =	shalt  }
0x41: {  	_ =	shalt  }
0x42: {  	_ =	shalt  }
0x43: {  	_ =	shalt  }
0x44: {  	_ =	shalt  }
0x45: {  	_ =	shalt  }
0x46: {  	_ =	shalt  }
0x47: {  	_ =	shalt  }
0x48: {  	_ =	shalt  }
0x49: {  	_ =	shalt  }
0x4a: {  	_ =	shalt  }
0x4b: {  	_ =	shalt  }
0x4c: {  	_ =	shalt  }
0x4d: {  	_ =	shalt  }
0x4e: {  	_ =	shalt  }
0x4f: {  	_ =	shalt  }
0x50: {  	_ =	shalt  }
0x51: {  	_ =	shalt  }
0x52: {  	_ =	shalt  }
0x53: {  	_ =	shalt  }
0x54: {  	_ =	shalt  }
0x55: {  	_ =	shalt  }
0x56: {  	_ =	shalt  }
0x57: {  	_ =	shalt  }
0x58: {  	_ =	shalt  }
0x59: {  	_ =	shalt  }
0x5a: {  	_ =	shalt  }
0x5b: {  	_ =	shalt  }
0x5c: {  	_ =	shalt  }
0x5d: {  	_ =	shalt  }
0x5e: {  	_ =	shalt  }
0x5f: {  	_ =	shalt  }
0x60: {  	_ =	shalt  }
0x61: {  	_ =	shalt  }
0x62: {  	_ =	shalt  }
0x63: {  	_ =	shalt  }
0x64: {  	_ =	shalt  }
0x65: {  	_ =	shalt  }
0x66: {  	_ =	shalt  }
0x67: {  	_ =	shalt  }
0x68: {  	_ =	shalt  }
0x69: {  	_ =	shalt  }
0x6a: {  	_ =	shalt  }
0x6b: {  	_ =	shalt  }
0x6c: {  	_ =	shalt  }
0x6d: {  	_ =	shalt  }
0x6e: {  	_ =	shalt  }
0x6f: {  	_ =	shalt  }
0x70: {  	_ =	shalt  }
0x71: {  	_ =	shalt  }
0x72: {  	_ =	shalt  }
0x73: {  	_ =	shalt  }
0x74: {  	_ =	shalt  }
0x75: {  	_ =	shalt  }
0x76: {  	_ =	shalt  }
0x77: {  	_ =	shalt  }
0x78: {  	_ =	shalt  }
0x79: {  	_ =	shalt  }
0x7a: {  	_ =	shalt  }
0x7b: {  	_ =	shalt  }
0x7c: {  	_ =	shalt  }
0x7d: {  	_ =	shalt  }
0x7e: {  	_ =	shalt  }
0x7f: {  	_ =	shalt  }
0x80: {  	_ =	shalt  }
0x81: {  	_ =	shalt  }
0x82: {  	_ =	shalt  }
0x83: {  	_ =	shalt  }
0x84: {  	_ =	shalt  }
0x85: {  	_ =	shalt  }
0x86: {  	_ =	shalt  }
0x87: {  	_ =	shalt  }
.Lfunc_end0:
.L_simem_size_0:
called_computation_lowered:
.L_overlay_start_0:
0x88: {  	s2 =	sld [smem:$0x3FD9]  }
0x89: {  	s3 =	sld [smem:$0x3FFE];
	_ =	sdelay $0x1  }
0x8a: {  	s1 =	srdreg.scid  }
0x8b: {  	s0 =	sand.u32 $0x1, s1  }
0x8c: {  	s16 =	sshll.u32 s0, $0xA;
	s2 =	sadd.s32 s3, s2  }
0x8d: {  	s2 =	sadd.s32 s2, s16  }
0x8e: {  	[smem:$0x3FB9] =	sst s2  }
0x8f: {  	_ = 	snop  }
0x90: {  	(tm) =	ssettm $0x1  }
0x91: {  	s17 =	sld [smem:$0x3FFB];
	_ =	sdelay $0x3  }
0x92: {  	_ =	strace s17  }
0x93: {  	s2 =	sld [smem:$0x3FFC];
	_ =	sdelay $0x3  }
0x94: {  	_ =	strace s2  }
0x95: {  	s2 =	sld [smem:$0x3FFD];
	_ =	sdelay $0x3  }
0x96: {  	_ =	strace s2  }
0x97: {  	_ =	strace $0x8FFFFFFF  }
0x98: {  	s18 =	sld [smem:$0x3FDB];
	_ =	sdelay $0x1  }
0x99: {  	s19 =	simm.s32 $_scs_section_size  }
0x9a: {  	s4 =	simm.s32 $_size__tile_overlayer_lowered;
	s5 =	simm.s32 $_tile_overlayer_lowered  }
0x9b: {  	s22 =	simm.s32 $0x1BFF;
	s21 =	sshll.u32 s5, $0x1;
	s2 =	sadd.s32 s19, s18  }
0x9c: {  	s6 =	simm.s32 $0x0;
	s20 =	sshll.u32 s4, $0x1;
	s4 =	sadd.s32 s21, s2  }
0x9d: {  	[timem:s6], [sflag:s22] =	dma.local [hbm:s4], s20  }
0x9e: {  	_ =	swait.ge [sflag:s22], s20  }
0x9f: {  	s3 =	ssub.s32 $0x0, s20;
	[sflag:s22] =	ssyncset.done $0x0  }
0xa0: {  	[sflag:s22] =	ssyncadd.s32 s3;
	_ =	sdelay $0x1  }
0xa1: {  	s23 =	simm.s32 $0x1B8B  }
0xa2: {  	_ =	swait.ge [sflag:s23], $0x1  }
0xa3: {  	[sflag:s23] =	ssyncset.done $0x0  }
0xa4: {  	s25 =	simm.s32 $0x1B8E;
	s24 =	sld [smem:$0x3FFE];
	[sflag:s23] =	ssyncadd.s32 $0xFFFFFFFF  }
0xa5: {  	s26 =	simm.s32 $execute0_lowered;
	[smem:$0x3FD2] =	sst s25  }
0xa6: {  	s4 =	sshll.u32 s26, $0x1;
	_ =	strace $0x80000046;
	[dreg:$0x1] =	wrdreg $0xFFFFFFFF  }
0xa7: {  	s28 =	simm.s32 $_size_execute0_lowered;
	s2 =	sadd.s32 s2, s4;
	[dreg:$0x0] =	wrdreg $0x0  }
0xa8: {  	s4 =	sshll.u32 s28, $0x1;
	[dreg:$0x2] =	wrdreg s2  }
0xa9: {  	[dreg:$0x3] =	wrdreg s4  }
0xaa: {  	[dreg:$0x4] =	wrdreg $0xC0  }
0xab: {  	_ =	task [dreg:s6], $0x5FFFF  }
0xac: {  	[dreg:$0x1] =	wrdreg $0xFFFFFFFF  }
0xad: {  	[dreg:$0x0] =	wrdreg $0x60  }
0xae: {  	[dreg:$0x2] =	wrdreg s24  }
0xaf: {  	[dreg:$0x3] =	wrdreg $0xA5000  }
0xb0: {  	[dreg:$0x4] =	wrdreg $0x1E5000  }
0xb1: {  	[dreg:$0x5] =	wrdreg $0x9  }
0xb2: {  	_ =	task.clear_ibuf [dreg:s6], $0x6FFFF;
	_ =	strace $0x90000046  }
0xb3: {  	s29 =	simm.s32 $0x9;
	_ =	strace $0x80000048  }
0xb4: {  	_ =	swait.ge [sflag:s29], $0x1  }
0xb5: {  	[sflag:s29] =	ssyncadd.s32 $0xFFFFFFFF  }
0xb6: {  	_ =	strace $0x90000048  }
0xb7: {  	_ =	sfence  }
0xb8: {  	s30 =	sld [smem:$0x0];
	_ =	sdelay $0x2  }
0xb9: {  	s31 =	sshll.u32 s1, $0xD;
	s1 =	sshrl.u32 s1, $0x2  }
0xba: {  	s3 =	sand.u32 $0x4000, s31;
	s1 =	sadd.s32 s1, s30  }
0xbb: {  	s0 =	sor.u32 s3, s0;
	s1 =	sshll.u32 s1, $0x11  }
0xbc: {  	s0 =	sor.u32 s1, s0  }
0xbd: {  	s0 =	sadd.s32 $0x8F2B, s0  }
0xbe: {  	[sflag:s0] =	ssyncadd.remote.s32 $0x1  }
0xbf: {  	_ =	sfence.sel $0xFFFF  }
0xc0: {  	[dreg:$0x0] =	wrdreg $0xFFFFFFFF;
	(pc) =	sbr.abs _section_cstart, $3  }
0xc1: {  	[dreg:$0x1] =	wrdreg $0xFFFFFFFF  }
0xc2: {  	_ =	task.clear_ibuf [dreg:s6], $0x2FFFF;
	_ =	strace $0x9FFFFFFF  }
0xc3: {  	(tm) =	ssettm $0x7FFFFFFF  }
tec
execute0_lowered:
.L_overlay_start_1:
0x0: {  	(tag) =	ssettag $0x1  }
0x1: {  	s0 =	rddreg [dreg:$0x0]  }
0x2: {  	s1 =	rddreg [dreg:$0x1]  }
0x3: {  	s3 =	rddreg [dreg:$0x2];
	s4 =	simm.s32 $0x0;
	s17 =	stileid.u32  }
0x4: {  	s5 =	srdreg.scid;
	s28 =	simm.s32 $0xA0;
	s2 =	smul.u32 $0x14000, s17  }
0x5: {  	s29 =	simm.s32 $0x400;
	s30 =	simm.s32 $0x7;
	s6 =	smul.u32 $0x280, s17  }
0x6: {  	s31 =	simm.s32 $0x9;
	[smem:$0x7FF] =	sst s4;
	s24 =	smul.u32 $0x500, s17  }
0x7: {  	s7 =	sand.u32 $0x1, s5;
	s5 =	sadd.s32 $0x4400, s0;
	s25 =	smul.u32 $0x50000, s17  }
0x8: {  	s10 =	sadd.s32 $0x2C400, s0;
	s11 =	sadd.s32 $0x36400, s0;
	s16 =	smul.u32 $0x2800, s17  }
0x9: {  	_ =	strace $0x80000047;
	s9 =	smul.u32 $0x140000, s7;
	s13 =	sshll.u32 s7, $0x7  }
0xa: {  	s14 =	ssub.s32 $0x2, s7;
	s7 =	smul.u32 $0x28000, s7;
	s8 =	sshrl.u32 s2, $0x3  }
0xb: {  	s12 =	sshrl.u32 s6, $0x3;
	s15 =	sshrl.u32 s14, $0x1;
	s6 =	sadd.s32 s6, s3  }
0xc: {  	s8 =	sadd.s32 s8, s0;
	s2 =	sadd.s32 s2, s9;
	s12 =	sadd.s32 s12, s0  }
0xd: {  	s9 =	sor.u32 s13, s24;
	s13 =	sshrl.u32 s25, $0x2;
	s26 =	ssub.s32 s14, s15  }
0xe: {  	s15 =	sshll.u32 s17, $0x6;
	s7 =	sadd.s32 s16, s7;
	[dreg:$0x8] =	wrdreg s6  }
0xf: {  	s2 =	sshrl.u32 s2, $0x3;
	s9 =	sshrl.u32 s9, $0x3;
	s13 =	sadd.s32 s13, s1  }
0x10: {  	s8 =	sadd.s32 $0x40A00, s8;
	s14 =	sshrl.u32 s7, $0x3;
	s16 =	sadd.s32 $0x40400, s12  }
0x11: {  	s21 =	sor.u32 $0x1E0, s7;
	s22 =	smax.u32 s26, $0x1;
	s23 =	sor.u32 $0x140, s7  }
0x12: {  	s25 =	sor.u32 $0xA0, s7;
	s7 =	simm.s32 $0x6;
	[dreg:$0x6] =	wrdreg s15  }
0x13: {  	s12 =	simm.s32 $0x3;
	s2 =	sadd.s32 s2, s0;
	[dreg:$0x4] =	wrdreg s13  }
0x14: {  	s0 =	sadd.s32 s9, s0;
	[dreg:$0x5] =	wrdreg s8;
	s13 =	sor.u32 $0x1C07, s15  }
0x15: {  	[dreg:$0x9] =	wrdreg s16;
	s17 =	sadd.s32 s10, s14;
	s18 =	sor.u32 $0x14, s14  }
0x16: {  	s6 =	sadd.s32 s11, s14;
	[dreg:$0x10] =	wrdreg s22;
	s24 =	sshrl.u32 s23, $0x3  }
0x17: {  	s26 =	sshrl.u32 s25, $0x3;
	s23 =	simm.s32 $0xA;
	[dreg:$0x7] =	wrdreg s13  }
0x18: {  	s25 =	simm.s32 $0x100;
	s9 =	simm.s32 $0x8;
	[dreg:$0xa] =	wrdreg s17  }
0x19: {  	s14 =	simm.s32 $0x0;
	[dreg:$0xb] =	wrdreg s6;
	s19 =	sadd.s32 s10, s18  }
0x1a: {  	s20 =	sadd.s32 s11, s18;
	s2 =	sadd.s32 $0x68A00, s2;
	[dreg:$0xc] =	wrdreg s19  }
0x1b: {  	s0 =	sadd.s32 $0xB8A00, s0;
	s22 =	sadd.s32 s26, s11;
	[dreg:$0xd] =	wrdreg s20  }
.Ltmp0:
0x1c: {  	s26 =	simm.s32 $0x300;
	[dreg:$0xe] =	wrdreg s2;
	(pc) =	sbr.rel .LBB2_1-.Ltmp0, $4  }
0x1d: {  	s6 =	simm.s32 $0x5400;
	s13 =	simm.s32 $0x2;
	[dreg:$0xf] =	wrdreg s0  }
0x1e: {  	s0 =	sshrl.u32 s21, $0x3;
	s20 =	sadd.s32 s24, s11;
	s21 =	sadd.s32 s24, s10  }
0x1f: {  	s24 =	simm.s32 $0x200;
	s2 =	simm.s32 $0xA400;
	s11 =	simm.s32 $0x4  }
0x20: {  	v0 =	vimm.f32 $1.000000000e+00;
	s19 =	sadd.s32 s0, s10;
	s0 =	simm.s32 $0x5;
	s10 =	simm.s32 $0x1  }
.LBB2_7:
0x21: {  	_ =	swait.ge [sflag:s9], $0x5000  }
0x22: {  	[sflag:s9] =	ssyncset.done $0x0  }
0x23: {  	[sflag:s9] =	ssyncadd.s32 $0xFFFFB000  }
0x24: {  	_ =	swait.ge [sflag:s31], $0xA0  }
0x25: {  	[sflag:s31] =	ssyncset.done $0x0  }
0x26: {  	[sflag:s31] =	ssyncadd.s32 $0xFFFFFF60  }
0x27: {  	[bflag:$0x0] =	sbarrier.arrive $0xFFFF  }
0x28: {  	s15 =	rddreg [dreg:$0x6]  }
0x29: {  	s17 =	rddreg [dreg:$0xe];
	s8 =	sor.u32 $0x1C0A, s15  }
0x2a: {  	[hbm:s17], [sflag:s8] =	dma.local [spmem:s16], $0x2800  }
0x2b: {  	_ =	swait.ge [sflag:s23], $0x2800  }
0x2c: {  	s18 =	simm.s32 $0x10;
	[sflag:s23] =	ssyncset.done $0x0;
	s16 =	rddreg [dreg:$0xf]  }
0x2d: {  	s17 =	simm.s32 $0x20;
	s14 =	rddreg [dreg:$0x11];
	[sflag:s23] =	ssyncadd.s32 $0xFFFFD800  }
0x2e: {  	[hbm:s16@s17], [sflag:s8] =	dma.strided [spmem:s14@s18], $0x50, s10, $0x10   }
0x2f: {  	_ =	swait.ge [sflag:s23], $0x50  }
0x30: {  	s17 =	rddreg [dreg:$0x12]  }
0x31: {  	s18 =	rddreg [dreg:$0x10];
	s14 =	sadd.s32 $0x1, s17  }
0x32: {  	p0 =	sne.s32 s14, s18  }
.Ltmp1:
0x33: {  	_ = 	snop;
	(pc) =	sbr.rel @!p0 .LBB2_8-.Ltmp1, $3  }
0x34: {  	_ =	sdelay $0x1  }
0x35: {  	[sflag:s23] =	ssyncset.done $0x0  }
0x36: {  	[sflag:s23] =	ssyncadd.s32 $0xFFFFFFB0  }
.LBB2_1:
0x37: {  	[dreg:$0x12] =	wrdreg s14  }
0x38: {  	s8 =	rddreg [dreg:$0x4]  }
0x39: {  	s18 =	rddreg [dreg:$0x5]  }
0x3a: {  	s17 =	rddreg [dreg:$0x7];
	s16 =	sshrl.u32 s8, $0x3  }
0x3b: {  	[spmem:s16], [sflag:s17] =	dma.local [hbm:s18], $0x2800  }
0x3c: {  	s8 =	rddreg [dreg:$0x8]  }
0x3d: {  	s14 =	sor.u32 $0x1C09, s15;
	s18 =	rddreg [dreg:$0x9];
	s15 =	sshrl.u32 s8, $0x3  }
0x3e: {  	[dreg:$0x11] =	wrdreg s15  }
0x3f: {  	[spmem:s15], [sflag:s14] =	dma.local [hbm:s18], $0x50;
	[tilespmem:$0xA400] =	vst v0  }
0x40: {  	[tilespmem:$0xA410] =	vst v0  }
0x41: {  	[tilespmem:$0xA420] =	vst v0  }
0x42: {  	[tilespmem:$0xA430] =	vst v0  }
0x43: {  	[tilespmem:$0xA440] =	vst v0  }
0x44: {  	[tilespmem:$0xA450] =	vst v0  }
0x45: {  	[tilespmem:$0xA460] =	vst v0  }
0x46: {  	[tilespmem:$0xA470] =	vst v0  }
0x47: {  	[tilespmem:$0xA480] =	vst v0  }
0x48: {  	[tilespmem:$0xA490] =	vst v0;
	s8 =	rddreg [dreg:$0xa]  }
0x49: {  	[tilespmem:s4], [sflag:$0xA] =	stream.linear.gather [hbm4b:s8+s4], $0xA0, $0x38;
	[tilespmem:$0x1E780] =	vst v63  }
0x4a: {  	_ =	swait.ge [sflag:s23], $0xA0  }
0x4b: {  	[sflag:s23] =	ssyncset.done $0x0  }
0x4c: {  	s15 =	rddreg [dreg:$0xb];
	[sflag:s23] =	ssyncadd.s32 $0xFFFFFF60  }
0x4d: {  	[tilespmem:s24], [sflag:$0xA] =	stream.linear.gather [hbm4b:s15+s4], $0xA0, $0x38;
	[tilespmem:$0x1E780] =	vst v63  }
0x4e: {  	_ =	swait.ge [sflag:s23], $0xA0  }
0x4f: {  	[sflag:s23] =	ssyncset.done $0x0  }
0x50: {  	s17 =	rddreg [dreg:$0xc];
	[sflag:s23] =	ssyncadd.s32 $0xFFFFFF60  }
0x51: {  	[tilespmem:s25], [sflag:$0xA] =	stream.linear.gather [hbm4b:s17+s4], $0xA0, $0x38;
	[tilespmem:$0x1E780] =	vst v63  }
0x52: {  	_ =	swait.ge [sflag:s23], $0xA0  }
0x53: {  	[sflag:s23] =	ssyncset.done $0x0  }
0x54: {  	s18 =	rddreg [dreg:$0xd];
	[sflag:s23] =	ssyncadd.s32 $0xFFFFFF60  }
0x55: {  	[tilespmem:s26], [sflag:$0xA] =	stream.linear.gather [hbm4b:s18+s4], $0xA0, $0x38;
	[tilespmem:$0x1E780] =	vst v63  }
0x56: {  	_ =	swait.ge [sflag:s23], $0xA0  }
0x57: {  	[sflag:s23] =	ssyncset.done $0x0  }
0x58: {  	[sflag:s23] =	ssyncadd.s32 $0xFFFFFF60  }
0x59: {  	[tilespmem:s29], [sflag:$0x5] =	stream.indirect.gather [hbm4b:s5+s28], $0x80, s4, s28, $0xb8;
	[tilespmem:$0x1E780] =	vst v63  }
0x5a: {  	_ =	swait.ge [sflag:s30], $0x2800  }
0x5b: {  	[sflag:s30] =	ssyncset.done $0x0  }
0x5c: {  	[sflag:s30] =	ssyncadd.s32 $0xFFFFD800  }
0x5d: {  	_ =	swait.ge [sflag:s31], $0x50  }
0x5e: {  	[sflag:s31] =	ssyncset.done $0x0  }
0x5f: {  	[sflag:s31] =	ssyncadd.s32 $0xFFFFFFB0  }
0x60: {  	s17 =	simm.s32 $0x0;
	[bflag:$0x0] =	sbarrier.arrive $0xFFFF  }
.LBB2_2:
0x61: {  	p0 =	seq.s32 s17, $0x4D8  }
0x62: {  	p1 =	sne.s32 @!p0 s17, $0x0  }
0x63: {  	p1 =	por p0, p1  }
.Ltmp2:
0x64: {  	_ = 	snop;
	(pc) =	sbr.rel @!p1 .LBB2_3-.Ltmp2, $4  }
0x65: {  	_ =	swait.ge [sflag:s0], $0x5000  }
0x66: {  	[sflag:s0] =	ssyncset.done $0x0  }
0x67: {  	s18 =	sadd.s32 @!p0 s17, s21;
	s8 =	simm.s32 @!p0 $0x0;
	[sflag:s0] =	ssyncadd.s32 $0xFFFFB000  }
0x68: {  	[tilespmem:s8], [sflag:$0x1] =	stream.linear.gather @!p0 [hbm4b:s18+s8], $0xA0, $0x38;
	[tilespmem:$0x1E780] =	vst v63  }
0x69: {  	_ =	swait.ge [sflag:s12], $0xA0  }
0x6a: {  	[sflag:s12] =	ssyncset.done $0x0  }
0x6b: {  	[sflag:s12] =	ssyncadd.s32 $0xFFFFFF60  }
0x6c: {  	[spmem:s1] =	stream.indirect.scatter.add.f32 [tilespmem:s29], [sflag:$0x7], $0x80, s24, s28, $0xb8;
	[tilespmem:$0x1E780] =	vst v63  }
0x6d: {  	_ = 	snop  }
0x6e: {  	[spmem:s3] =	stream.indirect.scatter.add.f32 [tilespmem:s2], [sflag:$0x9], $0x1, s24, s28, $0xb8;
	[tilespmem:$0x1E780] =	vst v63  }
0x6f: {  	_ =	swait.ge [sflag:s31], $0xA0  }
0x70: {  	[sflag:s31] =	ssyncset.done $0x0  }
0x71: {  	[sflag:s31] =	ssyncadd.s32 $0xFFFFFF60  }
0x72: {  	_ =	swait.ge [sflag:s9], $0x5000  }
0x73: {  	[sflag:s9] =	ssyncset.done $0x0  }
.Ltmp3:
0x74: {  	s8 =	sadd.s32 s17, s22;
	[sflag:s9] =	ssyncadd.s32 $0xFFFFB000;
	(pc) =	sbr.rel .LBB2_5-.Ltmp3, $4  }
0x75: {  	[tilespmem:s26], [sflag:$0x4] =	stream.linear.gather [hbm4b:s8+s4], $0xA0, $0x38;
	[tilespmem:$0x1E780] =	vst v63  }
0x76: {  	_ =	swait.ge [sflag:s13], $0xA0  }
0x77: {  	[sflag:s13] =	ssyncset.done $0x0  }
0x78: {  	p1 =	por $0x0, $0x0;
	[sflag:s13] =	ssyncadd.s32 $0xFFFFFF60  }
.LBB2_3:
0x79: {  	[spmem:s1] =	stream.indirect.scatter.add.f32 [tilespmem:s29], [sflag:$0x7], $0x80, s24, s28, $0xb8;
	[tilespmem:$0x1E780] =	vst v63  }
0x7a: {  	p1 =	por $0x1, $0x1  }
0x7b: {  	[spmem:s3] =	stream.indirect.scatter.add.f32 [tilespmem:s2], [sflag:$0x9], $0x1, s24, s28, $0xb8;
	[tilespmem:$0x1E780] =	vst v63  }
.LBB2_5:
0x7c: {  	[tilespmem:s6], [sflag:$0x6] =	stream.indirect.gather [hbm4b:s5+s28], $0x80, s25, s28, $0xb8;
	[tilespmem:$0x1E780] =	vst v63  }
0x7d: {  	_ =	swait.ge [sflag:s7], $0x5000  }
0x7e: {  	s8 =	sadd.s32 @!p0 s17, s19;
	s18 =	simm.s32 @!p0 $0x0;
	[sflag:s7] =	ssyncset.done $0x0  }
0x7f: {  	s15 =	simm.s32 @!p0 $0x100;
	p1 =	por p0, !p1;
	[sflag:s7] =	ssyncadd.s32 $0xFFFFB000  }
0x80: {  	[tilespmem:s15], [sflag:$0x2] =	stream.linear.gather @!p0 [hbm4b:s8+s18], $0xA0, $0x38;
	[tilespmem:$0x1E780] =	vst v63  }
0x81: {  	_ =	swait.ge @p1 [sflag:s11], $0xA0  }
0x82: {  	[sflag:s11] =	ssyncset.done @p1 $0x0  }
0x83: {  	[sflag:s11] =	ssyncadd.s32 @p1 $0xFFFFFF60  }
0x84: {  	[spmem:s1] =	stream.indirect.scatter.add.f32 [tilespmem:s6], [sflag:$0x8], $0x80, s26, s28, $0xb8;
	[tilespmem:$0x1E780] =	vst v63  }
0x85: {  	_ = 	snop  }
0x86: {  	[spmem:s3] =	stream.indirect.scatter.add.f32 [tilespmem:s2], [sflag:$0x9], $0x1, s26, s28, $0xb8;
	[tilespmem:$0x1E780] =	vst v63  }
0x87: {  	_ =	swait.ge [sflag:s31], $0xA0  }
.Ltmp4:
0x88: {  	[sflag:s31] =	ssyncset.done $0x0;
	(pc) =	sbr.rel @p0 .LBB2_7-.Ltmp4, $4  }
0x89: {  	[sflag:s31] =	ssyncadd.s32 $0xFFFFFF60  }
0x8a: {  	_ =	swait.ge [sflag:s30], $0x5000  }
0x8b: {  	[sflag:s30] =	ssyncset.done $0x0  }
0x8c: {  	[sflag:s30] =	ssyncadd.s32 $0xFFFFB000  }
0x8d: {  	s8 =	sadd.s32 s17, s20  }
0x8e: {  	[tilespmem:s24], [sflag:$0x3] =	stream.linear.gather [hbm4b:s8+s4], $0xA0, $0x38;
	[tilespmem:$0x1E780] =	vst v63  }
.Ltmp5:
0x8f: {  	_ = 	snop;
	(pc) =	sbr.rel .LBB2_2-.Ltmp5, $4  }
0x90: {  	_ =	swait.ge [sflag:s10], $0xA0  }
0x91: {  	[sflag:s10] =	ssyncset.done $0x0  }
0x92: {  	s17 =	sadd.s32 $0x28, s17;
	[sflag:s10] =	ssyncadd.s32 $0xFFFFFF60  }
0x93: {  	[tilespmem:s29], [sflag:$0x5] =	stream.indirect.gather [hbm4b:s5+s28], $0x80, s4, s28, $0xb8;
	[tilespmem:$0x1E780] =	vst v63  }
.LBB2_8:
0x94: {  	_ =	sfence.sel $0x180000  }
0x95: {  	[bflag:$0x0] =	sbarrier.arrive $0xFFFF  }
0x96: {  	_ =	strace $0x90000047  }
0x97: {  	s0 =	stileid.u32;
	[bflag:$0x2] =	sbarrier.arrive $0xFFFF  }
0x98: {  	p0 =	sne.s32 s0, $0x0;
	s0 =	rddreg [dreg:$0x3]  }
0x99: {  	s0 =	sadd.s32 @!p0 $0x100000, s0  }
0x9a: {  	[sflag:s0] =	ssyncadd.tile.s32 @!p0 $0x1;
	_ =	shalt  }
.Lfunc_end2:
_tile_overlayer_lowered:
.L_overlay_start_2:
0x9b: {  	(tag) =	ssettag $0x2  }
0x9c: {  	s0 =	rddreg [dreg:$0x0];
	s2 =	stileid.u32  }
0x9d: {  	s1 =	rddreg [dreg:$0x1];
	p0 =	sne.s32 s2, $0x0  }
0x9e: {  	s3 =	rddreg [dreg:$0x2];
	[bflag:$0x3] =	sbarrier.arrive $0xFFFF;
	s2 =	simm.s32 @!p0 $0x1C0A  }
0x9f: {  	[timem:s3], [sflag:s2] =	dma.local @!p0 [hbm:s0], s1  }
0xa0: {  	s0 =	simm.s32 @!p0 $0xA  }
0xa1: {  	_ =	swait.ge @!p0 [sflag:s0], s1  }
0xa2: {  	s1 =	ssub.s32 @!p0 $0x0, s1;
	[sflag:s0] =	ssyncset.done @!p0 $0x0  }
0xa3: {  	[sflag:s0] =	ssyncadd.s32 @!p0 s1  }
0xa4: {  	[bflag:$0x3] =	sbarrier.arrive $0xFFFF  }
0xa5: {  	_ =	shalt  }

</sc_bundles>
